<compile_context>
chip_gen: v7x
topology: tpu7x:2x2x1
jax: 0.10.2.dev20260603
libtpu: 0.0.44.dev20260713+nightly
codegen_flags: <defaults>
</compile_context>

<pallas_src>
import functools

import jax
import jax.numpy as jnp
from jax import lax
from jax.experimental import pallas as pl
from jax.experimental.pallas import tpu as pltpu
from jax.experimental.pallas import tpu_sc as plsc
from jax._src.pjit import with_layout_constraint
from jax._src.layout import Layout

NUM_EMB = 1_000_000
DIM = 64
BATCH = 4096
HIST = 200
NC, NS = 2, 16
NW = NC * NS
B_PER_W = BATCH // NW
HIST_PAD = 208
CHUNK = 40
K = HIST // CHUNK
T_TILES = HIST // 8
COLB = 16384


def _tr_body(x_ref, o_ref):
    o_ref[:, :DIM] = x_ref[...].T


def _weight_rowmajor(wT):
    return pl.pallas_call(
        _tr_body,
        grid=(pl.cdiv(NUM_EMB, COLB),),
        in_specs=[pl.BlockSpec((DIM, COLB), lambda i: (0, i))],
        out_specs=pl.BlockSpec((COLB, 128), lambda i: (i, 0)),
        out_shape=jax.ShapeDtypeStruct((NUM_EMB, 128), jnp.float32),
    )(wT)


def _emb_body(words_hbm, table_hbm, out_hbm, stage_v, idx_v, rows_v, gsem, wsem):
    wid = lax.axis_index("s") * NC + lax.axis_index("c")
    b0 = wid * B_PER_W

    for ti in range(T_TILES):
        pltpu.sync_copy(
            words_hbm.at[pl.ds(ti * (NW * 1024) + wid * 1024, 1024)],
            stage_v.at[pl.ds(ti * 1024, 1024)],
        )

    lanes = lax.iota(jnp.int32, 16) * 128

    def transpose_body(bb, carry):
        for t0 in range(0, HIST_PAD, 16):
            v = plsc.load_gather(stage_v, [lanes + (t0 * 128 + bb)])
            idx_v[pl.ds(bb * HIST_PAD + t0, 16)] = v
        return carry

    lax.fori_loop(0, B_PER_W, transpose_body, 0)

    def gather_copy(g, buf, j):
        return pltpu.make_async_copy(
            table_hbm.at[idx_v.at[pl.ds(g * HIST_PAD + j * CHUNK, CHUNK)]],
            rows_v.at[buf, pl.ds(j * CHUNK, CHUNK)],
            gsem.at[buf],
        )

    def start_group(g, buf):
        for j in range(K):
            gather_copy(g, buf, j).start()

    def wait_group(g, buf):
        for j in range(K):
            gather_copy(g, buf, j).wait()

    def write_copy(g, buf):
        return pltpu.make_async_copy(
            rows_v.at[buf, :, pl.ds(0, DIM)],
            out_hbm.at[b0 + g],
            wsem.at[buf],
        )

    start_group(0, 0)
    start_group(1, 1)

    def body(i, carry):
        g = 2 * i
        for buf in (0, 1):
            wait_group(g + buf, buf)
            write_copy(g + buf, buf).start()
            write_copy(g + buf, buf).wait()
            start_group(g + buf + 2, buf)
        return carry

    lax.fori_loop(0, (B_PER_W - 2) // 2, body, 0)

    for buf in (0, 1):
        g = B_PER_W - 2 + buf
        wait_group(g, buf)
        write_copy(g, buf).start()
    for buf in (0, 1):
        write_copy(B_PER_W - 2 + buf, buf).wait()


@functools.partial(jax.jit)
def _embedding_gather(words_flat, table):
    mesh = plsc.VectorSubcoreMesh(core_axis_name="c", subcore_axis_name="s")
    f = pl.kernel(
        _emb_body,
        out_type=jax.ShapeDtypeStruct((BATCH, HIST, DIM), jnp.float32),
        mesh=mesh,
        scratch_types=[
            pltpu.VMEM((B_PER_W * HIST_PAD,), jnp.int32),
            pltpu.VMEM((B_PER_W * HIST_PAD,), jnp.int32),
            pltpu.VMEM((2, HIST, 128), jnp.float32),
            pltpu.SemaphoreType.DMA((2,)),
            pltpu.SemaphoreType.DMA((2,)),
        ],
        compiler_params=pltpu.CompilerParams(
            use_tc_tiling_on_sc=False, needs_layout_passes=False
        ),
    )
    out = f(words_flat, table)
    return with_layout_constraint(out, Layout(major_to_minor=(0, 1, 2)))


def kernel(words, weight):
    table = _weight_rowmajor(weight.T)
    wt = words.T.reshape(T_TILES, 8, NW, B_PER_W)
    wt = wt.transpose(0, 2, 1, 3).reshape(-1).astype(jnp.int32)
    return _embedding_gather(wt, table)

# --- scband reference (transcript-rebuilt; emitter-appended) ---
"""Pipeline reference for scband-embedding-dropout-64433099374702 (READ-ONLY COPY).

The authoritative reference and input builder live on the scoring server;
editing this copy changes nothing except your own understanding.
"""

import jax, jax.numpy as jnp
import numpy as np

NUM_EMBEDDINGS = 1000000
EMBED_DIM = 64
BATCH = 4096
HIST_LEN = 200


def setup_inputs(seed: int = 0) -> dict:
    key = jax.random.key(seed)
    k1, k2 = jax.random.split(key)
    words = jax.random.randint(k1, (BATCH, HIST_LEN), 0, NUM_EMBEDDINGS, dtype=jnp.int64 if jax.config.jax_enable_x64 else jnp.int32)
    weight = jax.random.normal(k2, (NUM_EMBEDDINGS, EMBED_DIM), dtype=jnp.float32)
    # padding_idx=0: zero out row 0 like nn.Embedding does at init
    weight = weight.at[0].set(0.0)
    return {"words": words, "weight": weight}


def reference(words, weight):
    # EmbeddingDropout in eval mode (training=False) with scale=None:
    # masked_embed = emb.weight; output = F.embedding(words, masked_embed, padding_idx=0)
    # F.embedding with padding_idx does not alter forward values (row 0 is zeroed in the table).
    out = jnp.take(weight, words, axis=0)
    return out

if __name__ == "__main__":
    import jax
    _d = setup_inputs()
    print(jax.jit(kernel)(*tuple(_d.values())))

</pallas_src>

<mosaic_0001>
#map = affine_map<(d0, d1) -> (0)>
#map1 = affine_map<(d0, d1) -> (0, 0)>
#map2 = affine_map<(d0, d1) -> (0, 0, 0)>
module attributes {stable_mosaic.version = 14 : i64} {
  func.func @_emb_body(%arg0: i32, %arg1: i32, %arg2: memref<819200xi32, #tpu.memory_space<hbm>>, %arg3: memref<1000000x128xf32, #tpu.memory_space<hbm>>, %arg4: memref<4096x200x64xf32, #tpu.memory_space<hbm>>, %arg5: memref<26624xi32, #tpu.memory_space<vmem>>, %arg6: memref<26624xi32, #tpu.memory_space<vmem>>, %arg7: memref<2x200x128xf32, #tpu.memory_space<vmem>>, %arg8: memref<2x!tpu.dma_semaphore, #tpu.memory_space<semaphore_mem>>, %arg9: memref<2x!tpu.dma_semaphore, #tpu.memory_space<semaphore_mem>>) attributes {dimension_semantics = [#tpu.dimension_semantics<core_parallel>, #tpu.dimension_semantics<subcore_parallel>], iteration_bounds = array<i64: 2, 16>, scalar_prefetch = 0 : i64, scratch_operands = 5 : i64, tpu.core_type = #tpu.core_type<sc_vector_subcore>, window_params = [{transform_indices = #map}, {transform_indices = #map1}, {transform_indices = #map2}]} {
    %mul3A = arith.constant 2 : i32
    %mul3A_0 = arith.muli %arg1, %mul3A : i32
    %add3A = arith.addi %mul3A_0, %arg0 : i32
    %mul3A_1 = arith.constant 128 : i32
    %mul3A_2 = arith.muli %add3A, %mul3A_1 : i32
    %mul3A_3 = arith.constant 1024 : i32
    %mul3A_4 = arith.muli %add3A, %mul3A_3 : i32
    %add3A_5 = arith.constant 0 : i32
    %add3A_6 = arith.addi %add3A_5, %mul3A_4 : i32
    "tpu.region"() ({
      %run_scoped3A = tpu.sem_alloc : memref<!tpu.dma_semaphore, #tpu.memory_space<semaphore_mem>>
      %dma_start3A_463 = arith.constant 0 : i32
      %dma_start3A_464 = tpu.memref_slice %arg5[%dma_start3A_463] : memref<26624xi32, #tpu.memory_space<vmem>> -> memref<1024xi32, #tpu.memory_space<vmem>>
      %dma_start3A_465 = tpu.memref_slice %arg2[%add3A_6] : memref<819200xi32, #tpu.memory_space<hbm>> -> memref<1024xi32, #tpu.memory_space<hbm>>
      %dma_start3A_466 = arith.constant 0 : i32
      %dma_start3A_467 = tpu.memref_slice %arg5[%dma_start3A_466] : memref<26624xi32, #tpu.memory_space<vmem>> -> memref<1024xi32, #tpu.memory_space<vmem>>
      %dma_start3A_468 = tpu.memref_slice %arg2[%add3A_6] : memref<819200xi32, #tpu.memory_space<hbm>> -> memref<1024xi32, #tpu.memory_space<hbm>>
      tpu.enqueue_dma source(%dma_start3A_468 : memref<1024xi32, #tpu.memory_space<hbm>>) target(%dma_start3A_467 : memref<1024xi32, #tpu.memory_space<vmem>>) target_semaphore(%run_scoped3A : memref<!tpu.dma_semaphore, #tpu.memory_space<semaphore_mem>>)
      %dma_wait3A_469 = arith.constant 0 : i32
      %dma_wait3A_470 = tpu.memref_slice %arg5[%dma_wait3A_469] : memref<26624xi32, #tpu.memory_space<vmem>> -> memref<1024xi32, #tpu.memory_space<vmem>>
      %dma_wait3A_471 = tpu.memref_slice %arg2[%add3A_6] : memref<819200xi32, #tpu.memory_space<hbm>> -> memref<1024xi32, #tpu.memory_space<hbm>>
      %dma_wait3A_472 = arith.constant 0 : i32
      %dma_wait3A_473 = tpu.memref_slice %arg5[%dma_wait3A_472] : memref<26624xi32, #tpu.memory_space<vmem>> -> memref<1024xi32, #tpu.memory_space<vmem>>
      %dma_wait3A_474 = tpu.memref_slice %arg2[%add3A_6] : memref<819200xi32, #tpu.memory_space<hbm>> -> memref<1024xi32, #tpu.memory_space<hbm>>
      tpu.wait_dma2 semaphore(%run_scoped3A : memref<!tpu.dma_semaphore, #tpu.memory_space<semaphore_mem>>) src(%dma_wait3A_474 : memref<1024xi32, #tpu.memory_space<hbm>>) dst(%dma_wait3A_473 : memref<1024xi32, #tpu.memory_space<vmem>>)
      tpu.yield
    }) : () -> ()
    %mul3A_7 = arith.constant 1024 : i32
    %mul3A_8 = arith.muli %add3A, %mul3A_7 : i32
    %add3A_9 = arith.constant 32768 : i32
    %add3A_10 = arith.addi %add3A_9, %mul3A_8 : i32
    "tpu.region"() ({
      %run_scoped3A = tpu.sem_alloc : memref<!tpu.dma_semaphore, #tpu.memory_space<semaphore_mem>>
      %dma_start3A_463 = arith.constant 1024 : i32
      %dma_start3A_464 = tpu.memref_slice %arg5[%dma_start3A_463] : memref<26624xi32, #tpu.memory_space<vmem>> -> memref<1024xi32, #tpu.memory_space<vmem>>
      %dma_start3A_465 = tpu.memref_slice %arg2[%add3A_10] : memref<819200xi32, #tpu.memory_space<hbm>> -> memref<1024xi32, #tpu.memory_space<hbm>>
      %dma_start3A_466 = arith.constant 1024 : i32
      %dma_start3A_467 = tpu.memref_slice %arg5[%dma_start3A_466] : memref<26624xi32, #tpu.memory_space<vmem>> -> memref<1024xi32, #tpu.memory_space<vmem>>
      %dma_start3A_468 = tpu.memref_slice %arg2[%add3A_10] : memref<819200xi32, #tpu.memory_space<hbm>> -> memref<1024xi32, #tpu.memory_space<hbm>>
      tpu.enqueue_dma source(%dma_start3A_468 : memref<1024xi32, #tpu.memory_space<hbm>>) target(%dma_start3A_467 : memref<1024xi32, #tpu.memory_space<vmem>>) target_semaphore(%run_scoped3A : memref<!tpu.dma_semaphore, #tpu.memory_space<semaphore_mem>>)
      %dma_wait3A_469 = arith.constant 1024 : i32
      %dma_wait3A_470 = tpu.memref_slice %arg5[%dma_wait3A_469] : memref<26624xi32, #tpu.memory_space<vmem>> -> memref<1024xi32, #tpu.memory_space<vmem>>
      %dma_wait3A_471 = tpu.memref_slice %arg2[%add3A_10] : memref<819200xi32, #tpu.memory_space<hbm>> -> memref<1024xi32, #tpu.memory_space<hbm>>
      %dma_wait3A_472 = arith.constant 1024 : i32
      %dma_wait3A_473 = tpu.memref_slice %arg5[%dma_wait3A_472] : memref<26624xi32, #tpu.memory_space<vmem>> -> memref<1024xi32, #tpu.memory_space<vmem>>
      %dma_wait3A_474 = tpu.memref_slice %arg2[%add3A_10] : memref<819200xi32, #tpu.memory_space<hbm>> -> memref<1024xi32, #tpu.memory_space<hbm>>
      tpu.wait_dma2 semaphore(%run_scoped3A : memref<!tpu.dma_semaphore, #tpu.memory_space<semaphore_mem>>) src(%dma_wait3A_474 : memref<1024xi32, #tpu.memory_space<hbm>>) dst(%dma_wait3A_473 : memref<1024xi32, #tpu.memory_space<vmem>>)
      tpu.yield
    }) : () -> ()
    %mul3A_11 = arith.constant 1024 : i32
    %mul3A_12 = arith.muli %add3A, %mul3A_11 : i32
    %add3A_13 = arith.constant 65536 : i32
    %add3A_14 = arith.addi %add3A_13, %mul3A_12 : i32
    "tpu.region"() ({
      %run_scoped3A = tpu.sem_alloc : memref<!tpu.dma_semaphore, #tpu.memory_space<semaphore_mem>>
      %dma_start3A_463 = arith.constant 2048 : i32
      %dma_start3A_464 = tpu.memref_slice %arg5[%dma_start3A_463] : memref<26624xi32, #tpu.memory_space<vmem>> -> memref<1024xi32, #tpu.memory_space<vmem>>
      %dma_start3A_465 = tpu.memref_slice %arg2[%add3A_14] : memref<819200xi32, #tpu.memory_space<hbm>> -> memref<1024xi32, #tpu.memory_space<hbm>>
      %dma_start3A_466 = arith.constant 2048 : i32
      %dma_start3A_467 = tpu.memref_slice %arg5[%dma_start3A_466] : memref<26624xi32, #tpu.memory_space<vmem>> -> memref<1024xi32, #tpu.memory_space<vmem>>
      %dma_start3A_468 = tpu.memref_slice %arg2[%add3A_14] : memref<819200xi32, #tpu.memory_space<hbm>> -> memref<1024xi32, #tpu.memory_space<hbm>>
      tpu.enqueue_dma source(%dma_start3A_468 : memref<1024xi32, #tpu.memory_space<hbm>>) target(%dma_start3A_467 : memref<1024xi32, #tpu.memory_space<vmem>>) target_semaphore(%run_scoped3A : memref<!tpu.dma_semaphore, #tpu.memory_space<semaphore_mem>>)
      %dma_wait3A_469 = arith.constant 2048 : i32
      %dma_wait3A_470 = tpu.memref_slice %arg5[%dma_wait3A_469] : memref<26624xi32, #tpu.memory_space<vmem>> -> memref<1024xi32, #tpu.memory_space<vmem>>
      %dma_wait3A_471 = tpu.memref_slice %arg2[%add3A_14] : memref<819200xi32, #tpu.memory_space<hbm>> -> memref<1024xi32, #tpu.memory_space<hbm>>
      %dma_wait3A_472 = arith.constant 2048 : i32
      %dma_wait3A_473 = tpu.memref_slice %arg5[%dma_wait3A_472] : memref<26624xi32, #tpu.memory_space<vmem>> -> memref<1024xi32, #tpu.memory_space<vmem>>
      %dma_wait3A_474 = tpu.memref_slice %arg2[%add3A_14] : memref<819200xi32, #tpu.memory_space<hbm>> -> memref<1024xi32, #tpu.memory_space<hbm>>
      tpu.wait_dma2 semaphore(%run_scoped3A : memref<!tpu.dma_semaphore, #tpu.memory_space<semaphore_mem>>) src(%dma_wait3A_474 : memref<1024xi32, #tpu.memory_space<hbm>>) dst(%dma_wait3A_473 : memref<1024xi32, #tpu.memory_space<vmem>>)
      tpu.yield
    }) : () -> ()
    %mul3A_15 = arith.constant 1024 : i32
    %mul3A_16 = arith.muli %add3A, %mul3A_15 : i32
    %add3A_17 = arith.constant 98304 : i32
    %add3A_18 = arith.addi %add3A_17, %mul3A_16 : i32
    "tpu.region"() ({
      %run_scoped3A = tpu.sem_alloc : memref<!tpu.dma_semaphore, #tpu.memory_space<semaphore_mem>>
      %dma_start3A_463 = arith.constant 3072 : i32
      %dma_start3A_464 = tpu.memref_slice %arg5[%dma_start3A_463] : memref<26624xi32, #tpu.memory_space<vmem>> -> memref<1024xi32, #tpu.memory_space<vmem>>
      %dma_start3A_465 = tpu.memref_slice %arg2[%add3A_18] : memref<819200xi32, #tpu.memory_space<hbm>> -> memref<1024xi32, #tpu.memory_space<hbm>>
      %dma_start3A_466 = arith.constant 3072 : i32
      %dma_start3A_467 = tpu.memref_slice %arg5[%dma_start3A_466] : memref<26624xi32, #tpu.memory_space<vmem>> -> memref<1024xi32, #tpu.memory_space<vmem>>
      %dma_start3A_468 = tpu.memref_slice %arg2[%add3A_18] : memref<819200xi32, #tpu.memory_space<hbm>> -> memref<1024xi32, #tpu.memory_space<hbm>>
      tpu.enqueue_dma source(%dma_start3A_468 : memref<1024xi32, #tpu.memory_space<hbm>>) target(%dma_start3A_467 : memref<1024xi32, #tpu.memory_space<vmem>>) target_semaphore(%run_scoped3A : memref<!tpu.dma_semaphore, #tpu.memory_space<semaphore_mem>>)
      %dma_wait3A_469 = arith.constant 3072 : i32
      %dma_wait3A_470 = tpu.memref_slice %arg5[%dma_wait3A_469] : memref<26624xi32, #tpu.memory_space<vmem>> -> memref<1024xi32, #tpu.memory_space<vmem>>
      %dma_wait3A_471 = tpu.memref_slice %arg2[%add3A_18] : memref<819200xi32, #tpu.memory_space<hbm>> -> memref<1024xi32, #tpu.memory_space<hbm>>
      %dma_wait3A_472 = arith.constant 3072 : i32
      %dma_wait3A_473 = tpu.memref_slice %arg5[%dma_wait3A_472] : memref<26624xi32, #tpu.memory_space<vmem>> -> memref<1024xi32, #tpu.memory_space<vmem>>
      %dma_wait3A_474 = tpu.memref_slice %arg2[%add3A_18] : memref<819200xi32, #tpu.memory_space<hbm>> -> memref<1024xi32, #tpu.memory_space<hbm>>
      tpu.wait_dma2 semaphore(%run_scoped3A : memref<!tpu.dma_semaphore, #tpu.memory_space<semaphore_mem>>) src(%dma_wait3A_474 : memref<1024xi32, #tpu.memory_space<hbm>>) dst(%dma_wait3A_473 : memref<1024xi32, #tpu.memory_space<vmem>>)
      tpu.yield
    }) : () -> ()
    %mul3A_19 = arith.constant 1024 : i32
    %mul3A_20 = arith.muli %add3A, %mul3A_19 : i32
    %add3A_21 = arith.constant 131072 : i32
    %add3A_22 = arith.addi %add3A_21, %mul3A_20 : i32
    "tpu.region"() ({
      %run_scoped3A = tpu.sem_alloc : memref<!tpu.dma_semaphore, #tpu.memory_space<semaphore_mem>>
      %dma_start3A_463 = arith.constant 4096 : i32
      %dma_start3A_464 = tpu.memref_slice %arg5[%dma_start3A_463] : memref<26624xi32, #tpu.memory_space<vmem>> -> memref<1024xi32, #tpu.memory_space<vmem>>
      %dma_start3A_465 = tpu.memref_slice %arg2[%add3A_22] : memref<819200xi32, #tpu.memory_space<hbm>> -> memref<1024xi32, #tpu.memory_space<hbm>>
      %dma_start3A_466 = arith.constant 4096 : i32
      %dma_start3A_467 = tpu.memref_slice %arg5[%dma_start3A_466] : memref<26624xi32, #tpu.memory_space<vmem>> -> memref<1024xi32, #tpu.memory_space<vmem>>
      %dma_start3A_468 = tpu.memref_slice %arg2[%add3A_22] : memref<819200xi32, #tpu.memory_space<hbm>> -> memref<1024xi32, #tpu.memory_space<hbm>>
      tpu.enqueue_dma source(%dma_start3A_468 : memref<1024xi32, #tpu.memory_space<hbm>>) target(%dma_start3A_467 : memref<1024xi32, #tpu.memory_space<vmem>>) target_semaphore(%run_scoped3A : memref<!tpu.dma_semaphore, #tpu.memory_space<semaphore_mem>>)
      %dma_wait3A_469 = arith.constant 4096 : i32
      %dma_wait3A_470 = tpu.memref_slice %arg5[%dma_wait3A_469] : memref<26624xi32, #tpu.memory_space<vmem>> -> memref<1024xi32, #tpu.memory_space<vmem>>
      %dma_wait3A_471 = tpu.memref_slice %arg2[%add3A_22] : memref<819200xi32, #tpu.memory_space<hbm>> -> memref<1024xi32, #tpu.memory_space<hbm>>
      %dma_wait3A_472 = arith.constant 4096 : i32
      %dma_wait3A_473 = tpu.memref_slice %arg5[%dma_wait3A_472] : memref<26624xi32, #tpu.memory_space<vmem>> -> memref<1024xi32, #tpu.memory_space<vmem>>
      %dma_wait3A_474 = tpu.memref_slice %arg2[%add3A_22] : memref<819200xi32, #tpu.memory_space<hbm>> -> memref<1024xi32, #tpu.memory_space<hbm>>
      tpu.wait_dma2 semaphore(%run_scoped3A : memref<!tpu.dma_semaphore, #tpu.memory_space<semaphore_mem>>) src(%dma_wait3A_474 : memref<1024xi32, #tpu.memory_space<hbm>>) dst(%dma_wait3A_473 : memref<1024xi32, #tpu.memory_space<vmem>>)
      tpu.yield
    }) : () -> ()
    %mul3A_23 = arith.constant 1024 : i32
    %mul3A_24 = arith.muli %add3A, %mul3A_23 : i32
    %add3A_25 = arith.constant 163840 : i32
    %add3A_26 = arith.addi %add3A_25, %mul3A_24 : i32
    "tpu.region"() ({
      %run_scoped3A = tpu.sem_alloc : memref<!tpu.dma_semaphore, #tpu.memory_space<semaphore_mem>>
      %dma_start3A_463 = arith.constant 5120 : i32
      %dma_start3A_464 = tpu.memref_slice %arg5[%dma_start3A_463] : memref<26624xi32, #tpu.memory_space<vmem>> -> memref<1024xi32, #tpu.memory_space<vmem>>
      %dma_start3A_465 = tpu.memref_slice %arg2[%add3A_26] : memref<819200xi32, #tpu.memory_space<hbm>> -> memref<1024xi32, #tpu.memory_space<hbm>>
      %dma_start3A_466 = arith.constant 5120 : i32
      %dma_start3A_467 = tpu.memref_slice %arg5[%dma_start3A_466] : memref<26624xi32, #tpu.memory_space<vmem>> -> memref<1024xi32, #tpu.memory_space<vmem>>
      %dma_start3A_468 = tpu.memref_slice %arg2[%add3A_26] : memref<819200xi32, #tpu.memory_space<hbm>> -> memref<1024xi32, #tpu.memory_space<hbm>>
      tpu.enqueue_dma source(%dma_start3A_468 : memref<1024xi32, #tpu.memory_space<hbm>>) target(%dma_start3A_467 : memref<1024xi32, #tpu.memory_space<vmem>>) target_semaphore(%run_scoped3A : memref<!tpu.dma_semaphore, #tpu.memory_space<semaphore_mem>>)
      %dma_wait3A_469 = arith.constant 5120 : i32
      %dma_wait3A_470 = tpu.memref_slice %arg5[%dma_wait3A_469] : memref<26624xi32, #tpu.memory_space<vmem>> -> memref<1024xi32, #tpu.memory_space<vmem>>
      %dma_wait3A_471 = tpu.memref_slice %arg2[%add3A_26] : memref<819200xi32, #tpu.memory_space<hbm>> -> memref<1024xi32, #tpu.memory_space<hbm>>
      %dma_wait3A_472 = arith.constant 5120 : i32
      %dma_wait3A_473 = tpu.memref_slice %arg5[%dma_wait3A_472] : memref<26624xi32, #tpu.memory_space<vmem>> -> memref<1024xi32, #tpu.memory_space<vmem>>
      %dma_wait3A_474 = tpu.memref_slice %arg2[%add3A_26] : memref<819200xi32, #tpu.memory_space<hbm>> -> memref<1024xi32, #tpu.memory_space<hbm>>
      tpu.wait_dma2 semaphore(%run_scoped3A : memref<!tpu.dma_semaphore, #tpu.memory_space<semaphore_mem>>) src(%dma_wait3A_474 : memref<1024xi32, #tpu.memory_space<hbm>>) dst(%dma_wait3A_473 : memref<1024xi32, #tpu.memory_space<vmem>>)
      tpu.yield
    }) : () -> ()
    %mul3A_27 = arith.constant 1024 : i32
    %mul3A_28 = arith.muli %add3A, %mul3A_27 : i32
    %add3A_29 = arith.constant 196608 : i32
    %add3A_30 = arith.addi %add3A_29, %mul3A_28 : i32
    "tpu.region"() ({
      %run_scoped3A = tpu.sem_alloc : memref<!tpu.dma_semaphore, #tpu.memory_space<semaphore_mem>>
      %dma_start3A_463 = arith.constant 6144 : i32
      %dma_start3A_464 = tpu.memref_slice %arg5[%dma_start3A_463] : memref<26624xi32, #tpu.memory_space<vmem>> -> memref<1024xi32, #tpu.memory_space<vmem>>
      %dma_start3A_465 = tpu.memref_slice %arg2[%add3A_30] : memref<819200xi32, #tpu.memory_space<hbm>> -> memref<1024xi32, #tpu.memory_space<hbm>>
      %dma_start3A_466 = arith.constant 6144 : i32
      %dma_start3A_467 = tpu.memref_slice %arg5[%dma_start3A_466] : memref<26624xi32, #tpu.memory_space<vmem>> -> memref<1024xi32, #tpu.memory_space<vmem>>
      %dma_start3A_468 = tpu.memref_slice %arg2[%add3A_30] : memref<819200xi32, #tpu.memory_space<hbm>> -> memref<1024xi32, #tpu.memory_space<hbm>>
      tpu.enqueue_dma source(%dma_start3A_468 : memref<1024xi32, #tpu.memory_space<hbm>>) target(%dma_start3A_467 : memref<1024xi32, #tpu.memory_space<vmem>>) target_semaphore(%run_scoped3A : memref<!tpu.dma_semaphore, #tpu.memory_space<semaphore_mem>>)
      %dma_wait3A_469 = arith.constant 6144 : i32
      %dma_wait3A_470 = tpu.memref_slice %arg5[%dma_wait3A_469] : memref<26624xi32, #tpu.memory_space<vmem>> -> memref<1024xi32, #tpu.memory_space<vmem>>
      %dma_wait3A_471 = tpu.memref_slice %arg2[%add3A_30] : memref<819200xi32, #tpu.memory_space<hbm>> -> memref<1024xi32, #tpu.memory_space<hbm>>
      %dma_wait3A_472 = arith.constant 6144 : i32
      %dma_wait3A_473 = tpu.memref_slice %arg5[%dma_wait3A_472] : memref<26624xi32, #tpu.memory_space<vmem>> -> memref<1024xi32, #tpu.memory_space<vmem>>
      %dma_wait3A_474 = tpu.memref_slice %arg2[%add3A_30] : memref<819200xi32, #tpu.memory_space<hbm>> -> memref<1024xi32, #tpu.memory_space<hbm>>
      tpu.wait_dma2 semaphore(%run_scoped3A : memref<!tpu.dma_semaphore, #tpu.memory_space<semaphore_mem>>) src(%dma_wait3A_474 : memref<1024xi32, #tpu.memory_space<hbm>>) dst(%dma_wait3A_473 : memref<1024xi32, #tpu.memory_space<vmem>>)
      tpu.yield
    }) : () -> ()
    %mul3A_31 = arith.constant 1024 : i32
    %mul3A_32 = arith.muli %add3A, %mul3A_31 : i32
    %add3A_33 = arith.constant 229376 : i32
    %add3A_34 = arith.addi %add3A_33, %mul3A_32 : i32
    "tpu.region"() ({
      %run_scoped3A = tpu.sem_alloc : memref<!tpu.dma_semaphore, #tpu.memory_space<semaphore_mem>>
      %dma_start3A_463 = arith.constant 7168 : i32
      %dma_start3A_464 = tpu.memref_slice %arg5[%dma_start3A_463] : memref<26624xi32, #tpu.memory_space<vmem>> -> memref<1024xi32, #tpu.memory_space<vmem>>
      %dma_start3A_465 = tpu.memref_slice %arg2[%add3A_34] : memref<819200xi32, #tpu.memory_space<hbm>> -> memref<1024xi32, #tpu.memory_space<hbm>>
      %dma_start3A_466 = arith.constant 7168 : i32
      %dma_start3A_467 = tpu.memref_slice %arg5[%dma_start3A_466] : memref<26624xi32, #tpu.memory_space<vmem>> -> memref<1024xi32, #tpu.memory_space<vmem>>
      %dma_start3A_468 = tpu.memref_slice %arg2[%add3A_34] : memref<819200xi32, #tpu.memory_space<hbm>> -> memref<1024xi32, #tpu.memory_space<hbm>>
      tpu.enqueue_dma source(%dma_start3A_468 : memref<1024xi32, #tpu.memory_space<hbm>>) target(%dma_start3A_467 : memref<1024xi32, #tpu.memory_space<vmem>>) target_semaphore(%run_scoped3A : memref<!tpu.dma_semaphore, #tpu.memory_space<semaphore_mem>>)
      %dma_wait3A_469 = arith.constant 7168 : i32
      %dma_wait3A_470 = tpu.memref_slice %arg5[%dma_wait3A_469] : memref<26624xi32, #tpu.memory_space<vmem>> -> memref<1024xi32, #tpu.memory_space<vmem>>
      %dma_wait3A_471 = tpu.memref_slice %arg2[%add3A_34] : memref<819200xi32, #tpu.memory_space<hbm>> -> memref<1024xi32, #tpu.memory_space<hbm>>
      %dma_wait3A_472 = arith.constant 7168 : i32
      %dma_wait3A_473 = tpu.memref_slice %arg5[%dma_wait3A_472] : memref<26624xi32, #tpu.memory_space<vmem>> -> memref<1024xi32, #tpu.memory_space<vmem>>
      %dma_wait3A_474 = tpu.memref_slice %arg2[%add3A_34] : memref<819200xi32, #tpu.memory_space<hbm>> -> memref<1024xi32, #tpu.memory_space<hbm>>
      tpu.wait_dma2 semaphore(%run_scoped3A : memref<!tpu.dma_semaphore, #tpu.memory_space<semaphore_mem>>) src(%dma_wait3A_474 : memref<1024xi32, #tpu.memory_space<hbm>>) dst(%dma_wait3A_473 : memref<1024xi32, #tpu.memory_space<vmem>>)
      tpu.yield
    }) : () -> ()
    %mul3A_35 = arith.constant 1024 : i32
    %mul3A_36 = arith.muli %add3A, %mul3A_35 : i32
    %add3A_37 = arith.constant 262144 : i32
    %add3A_38 = arith.addi %add3A_37, %mul3A_36 : i32
    "tpu.region"() ({
      %run_scoped3A = tpu.sem_alloc : memref<!tpu.dma_semaphore, #tpu.memory_space<semaphore_mem>>
      %dma_start3A_463 = arith.constant 8192 : i32
      %dma_start3A_464 = tpu.memref_slice %arg5[%dma_start3A_463] : memref<26624xi32, #tpu.memory_space<vmem>> -> memref<1024xi32, #tpu.memory_space<vmem>>
      %dma_start3A_465 = tpu.memref_slice %arg2[%add3A_38] : memref<819200xi32, #tpu.memory_space<hbm>> -> memref<1024xi32, #tpu.memory_space<hbm>>
      %dma_start3A_466 = arith.constant 8192 : i32
      %dma_start3A_467 = tpu.memref_slice %arg5[%dma_start3A_466] : memref<26624xi32, #tpu.memory_space<vmem>> -> memref<1024xi32, #tpu.memory_space<vmem>>
      %dma_start3A_468 = tpu.memref_slice %arg2[%add3A_38] : memref<819200xi32, #tpu.memory_space<hbm>> -> memref<1024xi32, #tpu.memory_space<hbm>>
      tpu.enqueue_dma source(%dma_start3A_468 : memref<1024xi32, #tpu.memory_space<hbm>>) target(%dma_start3A_467 : memref<1024xi32, #tpu.memory_space<vmem>>) target_semaphore(%run_scoped3A : memref<!tpu.dma_semaphore, #tpu.memory_space<semaphore_mem>>)
      %dma_wait3A_469 = arith.constant 8192 : i32
      %dma_wait3A_470 = tpu.memref_slice %arg5[%dma_wait3A_469] : memref<26624xi32, #tpu.memory_space<vmem>> -> memref<1024xi32, #tpu.memory_space<vmem>>
      %dma_wait3A_471 = tpu.memref_slice %arg2[%add3A_38] : memref<819200xi32, #tpu.memory_space<hbm>> -> memref<1024xi32, #tpu.memory_space<hbm>>
      %dma_wait3A_472 = arith.constant 8192 : i32
      %dma_wait3A_473 = tpu.memref_slice %arg5[%dma_wait3A_472] : memref<26624xi32, #tpu.memory_space<vmem>> -> memref<1024xi32, #tpu.memory_space<vmem>>
      %dma_wait3A_474 = tpu.memref_slice %arg2[%add3A_38] : memref<819200xi32, #tpu.memory_space<hbm>> -> memref<1024xi32, #tpu.memory_space<hbm>>
      tpu.wait_dma2 semaphore(%run_scoped3A : memref<!tpu.dma_semaphore, #tpu.memory_space<semaphore_mem>>) src(%dma_wait3A_474 : memref<1024xi32, #tpu.memory_space<hbm>>) dst(%dma_wait3A_473 : memref<1024xi32, #tpu.memory_space<vmem>>)
      tpu.yield
    }) : () -> ()
    %mul3A_39 = arith.constant 1024 : i32
    %mul3A_40 = arith.muli %add3A, %mul3A_39 : i32
    %add3A_41 = arith.constant 294912 : i32
    %add3A_42 = arith.addi %add3A_41, %mul3A_40 : i32
    "tpu.region"() ({
      %run_scoped3A = tpu.sem_alloc : memref<!tpu.dma_semaphore, #tpu.memory_space<semaphore_mem>>
      %dma_start3A_463 = arith.constant 9216 : i32
      %dma_start3A_464 = tpu.memref_slice %arg5[%dma_start3A_463] : memref<26624xi32, #tpu.memory_space<vmem>> -> memref<1024xi32, #tpu.memory_space<vmem>>
      %dma_start3A_465 = tpu.memref_slice %arg2[%add3A_42] : memref<819200xi32, #tpu.memory_space<hbm>> -> memref<1024xi32, #tpu.memory_space<hbm>>
      %dma_start3A_466 = arith.constant 9216 : i32
      %dma_start3A_467 = tpu.memref_slice %arg5[%dma_start3A_466] : memref<26624xi32, #tpu.memory_space<vmem>> -> memref<1024xi32, #tpu.memory_space<vmem>>
      %dma_start3A_468 = tpu.memref_slice %arg2[%add3A_42] : memref<819200xi32, #tpu.memory_space<hbm>> -> memref<1024xi32, #tpu.memory_space<hbm>>
      tpu.enqueue_dma source(%dma_start3A_468 : memref<1024xi32, #tpu.memory_space<hbm>>) target(%dma_start3A_467 : memref<1024xi32, #tpu.memory_space<vmem>>) target_semaphore(%run_scoped3A : memref<!tpu.dma_semaphore, #tpu.memory_space<semaphore_mem>>)
      %dma_wait3A_469 = arith.constant 9216 : i32
      %dma_wait3A_470 = tpu.memref_slice %arg5[%dma_wait3A_469] : memref<26624xi32, #tpu.memory_space<vmem>> -> memref<1024xi32, #tpu.memory_space<vmem>>
      %dma_wait3A_471 = tpu.memref_slice %arg2[%add3A_42] : memref<819200xi32, #tpu.memory_space<hbm>> -> memref<1024xi32, #tpu.memory_space<hbm>>
      %dma_wait3A_472 = arith.constant 9216 : i32
      %dma_wait3A_473 = tpu.memref_slice %arg5[%dma_wait3A_472] : memref<26624xi32, #tpu.memory_space<vmem>> -> memref<1024xi32, #tpu.memory_space<vmem>>
      %dma_wait3A_474 = tpu.memref_slice %arg2[%add3A_42] : memref<819200xi32, #tpu.memory_space<hbm>> -> memref<1024xi32, #tpu.memory_space<hbm>>
      tpu.wait_dma2 semaphore(%run_scoped3A : memref<!tpu.dma_semaphore, #tpu.memory_space<semaphore_mem>>) src(%dma_wait3A_474 : memref<1024xi32, #tpu.memory_space<hbm>>) dst(%dma_wait3A_473 : memref<1024xi32, #tpu.memory_space<vmem>>)
      tpu.yield
    }) : () -> ()
    %mul3A_43 = arith.constant 1024 : i32
    %mul3A_44 = arith.muli %add3A, %mul3A_43 : i32
    %add3A_45 = arith.constant 327680 : i32
    %add3A_46 = arith.addi %add3A_45, %mul3A_44 : i32
    "tpu.region"() ({
      %run_scoped3A = tpu.sem_alloc : memref<!tpu.dma_semaphore, #tpu.memory_space<semaphore_mem>>
      %dma_start3A_463 = arith.constant 10240 : i32
      %dma_start3A_464 = tpu.memref_slice %arg5[%dma_start3A_463] : memref<26624xi32, #tpu.memory_space<vmem>> -> memref<1024xi32, #tpu.memory_space<vmem>>
      %dma_start3A_465 = tpu.memref_slice %arg2[%add3A_46] : memref<819200xi32, #tpu.memory_space<hbm>> -> memref<1024xi32, #tpu.memory_space<hbm>>
      %dma_start3A_466 = arith.constant 10240 : i32
      %dma_start3A_467 = tpu.memref_slice %arg5[%dma_start3A_466] : memref<26624xi32, #tpu.memory_space<vmem>> -> memref<1024xi32, #tpu.memory_space<vmem>>
      %dma_start3A_468 = tpu.memref_slice %arg2[%add3A_46] : memref<819200xi32, #tpu.memory_space<hbm>> -> memref<1024xi32, #tpu.memory_space<hbm>>
      tpu.enqueue_dma source(%dma_start3A_468 : memref<1024xi32, #tpu.memory_space<hbm>>) target(%dma_start3A_467 : memref<1024xi32, #tpu.memory_space<vmem>>) target_semaphore(%run_scoped3A : memref<!tpu.dma_semaphore, #tpu.memory_space<semaphore_mem>>)
      %dma_wait3A_469 = arith.constant 10240 : i32
      %dma_wait3A_470 = tpu.memref_slice %arg5[%dma_wait3A_469] : memref<26624xi32, #tpu.memory_space<vmem>> -> memref<1024xi32, #tpu.memory_space<vmem>>
      %dma_wait3A_471 = tpu.memref_slice %arg2[%add3A_46] : memref<819200xi32, #tpu.memory_space<hbm>> -> memref<1024xi32, #tpu.memory_space<hbm>>
      %dma_wait3A_472 = arith.constant 10240 : i32
      %dma_wait3A_473 = tpu.memref_slice %arg5[%dma_wait3A_472] : memref<26624xi32, #tpu.memory_space<vmem>> -> memref<1024xi32, #tpu.memory_space<vmem>>
      %dma_wait3A_474 = tpu.memref_slice %arg2[%add3A_46] : memref<819200xi32, #tpu.memory_space<hbm>> -> memref<1024xi32, #tpu.memory_space<hbm>>
      tpu.wait_dma2 semaphore(%run_scoped3A : memref<!tpu.dma_semaphore, #tpu.memory_space<semaphore_mem>>) src(%dma_wait3A_474 : memref<1024xi32, #tpu.memory_space<hbm>>) dst(%dma_wait3A_473 : memref<1024xi32, #tpu.memory_space<vmem>>)
      tpu.yield
    }) : () -> ()
    %mul3A_47 = arith.constant 1024 : i32
    %mul3A_48 = arith.muli %add3A, %mul3A_47 : i32
    %add3A_49 = arith.constant 360448 : i32
    %add3A_50 = arith.addi %add3A_49, %mul3A_48 : i32
    "tpu.region"() ({
      %run_scoped3A = tpu.sem_alloc : memref<!tpu.dma_semaphore, #tpu.memory_space<semaphore_mem>>
      %dma_start3A_463 = arith.constant 11264 : i32
      %dma_start3A_464 = tpu.memref_slice %arg5[%dma_start3A_463] : memref<26624xi32, #tpu.memory_space<vmem>> -> memref<1024xi32, #tpu.memory_space<vmem>>
      %dma_start3A_465 = tpu.memref_slice %arg2[%add3A_50] : memref<819200xi32, #tpu.memory_space<hbm>> -> memref<1024xi32, #tpu.memory_space<hbm>>
      %dma_start3A_466 = arith.constant 11264 : i32
      %dma_start3A_467 = tpu.memref_slice %arg5[%dma_start3A_466] : memref<26624xi32, #tpu.memory_space<vmem>> -> memref<1024xi32, #tpu.memory_space<vmem>>
      %dma_start3A_468 = tpu.memref_slice %arg2[%add3A_50] : memref<819200xi32, #tpu.memory_space<hbm>> -> memref<1024xi32, #tpu.memory_space<hbm>>
      tpu.enqueue_dma source(%dma_start3A_468 : memref<1024xi32, #tpu.memory_space<hbm>>) target(%dma_start3A_467 : memref<1024xi32, #tpu.memory_space<vmem>>) target_semaphore(%run_scoped3A : memref<!tpu.dma_semaphore, #tpu.memory_space<semaphore_mem>>)
      %dma_wait3A_469 = arith.constant 11264 : i32
      %dma_wait3A_470 = tpu.memref_slice %arg5[%dma_wait3A_469] : memref<26624xi32, #tpu.memory_space<vmem>> -> memref<1024xi32, #tpu.memory_space<vmem>>
      %dma_wait3A_471 = tpu.memref_slice %arg2[%add3A_50] : memref<819200xi32, #tpu.memory_space<hbm>> -> memref<1024xi32, #tpu.memory_space<hbm>>
      %dma_wait3A_472 = arith.constant 11264 : i32
      %dma_wait3A_473 = tpu.memref_slice %arg5[%dma_wait3A_472] : memref<26624xi32, #tpu.memory_space<vmem>> -> memref<1024xi32, #tpu.memory_space<vmem>>
      %dma_wait3A_474 = tpu.memref_slice %arg2[%add3A_50] : memref<819200xi32, #tpu.memory_space<hbm>> -> memref<1024xi32, #tpu.memory_space<hbm>>
      tpu.wait_dma2 semaphore(%run_scoped3A : memref<!tpu.dma_semaphore, #tpu.memory_space<semaphore_mem>>) src(%dma_wait3A_474 : memref<1024xi32, #tpu.memory_space<hbm>>) dst(%dma_wait3A_473 : memref<1024xi32, #tpu.memory_space<vmem>>)
      tpu.yield
    }) : () -> ()
    %mul3A_51 = arith.constant 1024 : i32
    %mul3A_52 = arith.muli %add3A, %mul3A_51 : i32
    %add3A_53 = arith.constant 393216 : i32
    %add3A_54 = arith.addi %add3A_53, %mul3A_52 : i32
    "tpu.region"() ({
      %run_scoped3A = tpu.sem_alloc : memref<!tpu.dma_semaphore, #tpu.memory_space<semaphore_mem>>
      %dma_start3A_463 = arith.constant 12288 : i32
      %dma_start3A_464 = tpu.memref_slice %arg5[%dma_start3A_463] : memref<26624xi32, #tpu.memory_space<vmem>> -> memref<1024xi32, #tpu.memory_space<vmem>>
      %dma_start3A_465 = tpu.memref_slice %arg2[%add3A_54] : memref<819200xi32, #tpu.memory_space<hbm>> -> memref<1024xi32, #tpu.memory_space<hbm>>
      %dma_start3A_466 = arith.constant 12288 : i32
      %dma_start3A_467 = tpu.memref_slice %arg5[%dma_start3A_466] : memref<26624xi32, #tpu.memory_space<vmem>> -> memref<1024xi32, #tpu.memory_space<vmem>>
      %dma_start3A_468 = tpu.memref_slice %arg2[%add3A_54] : memref<819200xi32, #tpu.memory_space<hbm>> -> memref<1024xi32, #tpu.memory_space<hbm>>
      tpu.enqueue_dma source(%dma_start3A_468 : memref<1024xi32, #tpu.memory_space<hbm>>) target(%dma_start3A_467 : memref<1024xi32, #tpu.memory_space<vmem>>) target_semaphore(%run_scoped3A : memref<!tpu.dma_semaphore, #tpu.memory_space<semaphore_mem>>)
      %dma_wait3A_469 = arith.constant 12288 : i32
      %dma_wait3A_470 = tpu.memref_slice %arg5[%dma_wait3A_469] : memref<26624xi32, #tpu.memory_space<vmem>> -> memref<1024xi32, #tpu.memory_space<vmem>>
      %dma_wait3A_471 = tpu.memref_slice %arg2[%add3A_54] : memref<819200xi32, #tpu.memory_space<hbm>> -> memref<1024xi32, #tpu.memory_space<hbm>>
      %dma_wait3A_472 = arith.constant 12288 : i32
      %dma_wait3A_473 = tpu.memref_slice %arg5[%dma_wait3A_472] : memref<26624xi32, #tpu.memory_space<vmem>> -> memref<1024xi32, #tpu.memory_space<vmem>>
      %dma_wait3A_474 = tpu.memref_slice %arg2[%add3A_54] : memref<819200xi32, #tpu.memory_space<hbm>> -> memref<1024xi32, #tpu.memory_space<hbm>>
      tpu.wait_dma2 semaphore(%run_scoped3A : memref<!tpu.dma_semaphore, #tpu.memory_space<semaphore_mem>>) src(%dma_wait3A_474 : memref<1024xi32, #tpu.memory_space<hbm>>) dst(%dma_wait3A_473 : memref<1024xi32, #tpu.memory_space<vmem>>)
      tpu.yield
    }) : () -> ()
    %mul3A_55 = arith.constant 1024 : i32
    %mul3A_56 = arith.muli %add3A, %mul3A_55 : i32
    %add3A_57 = arith.constant 425984 : i32
    %add3A_58 = arith.addi %add3A_57, %mul3A_56 : i32
    "tpu.region"() ({
      %run_scoped3A = tpu.sem_alloc : memref<!tpu.dma_semaphore, #tpu.memory_space<semaphore_mem>>
      %dma_start3A_463 = arith.constant 13312 : i32
      %dma_start3A_464 = tpu.memref_slice %arg5[%dma_start3A_463] : memref<26624xi32, #tpu.memory_space<vmem>> -> memref<1024xi32, #tpu.memory_space<vmem>>
      %dma_start3A_465 = tpu.memref_slice %arg2[%add3A_58] : memref<819200xi32, #tpu.memory_space<hbm>> -> memref<1024xi32, #tpu.memory_space<hbm>>
      %dma_start3A_466 = arith.constant 13312 : i32
      %dma_start3A_467 = tpu.memref_slice %arg5[%dma_start3A_466] : memref<26624xi32, #tpu.memory_space<vmem>> -> memref<1024xi32, #tpu.memory_space<vmem>>
      %dma_start3A_468 = tpu.memref_slice %arg2[%add3A_58] : memref<819200xi32, #tpu.memory_space<hbm>> -> memref<1024xi32, #tpu.memory_space<hbm>>
      tpu.enqueue_dma source(%dma_start3A_468 : memref<1024xi32, #tpu.memory_space<hbm>>) target(%dma_start3A_467 : memref<1024xi32, #tpu.memory_space<vmem>>) target_semaphore(%run_scoped3A : memref<!tpu.dma_semaphore, #tpu.memory_space<semaphore_mem>>)
      %dma_wait3A_469 = arith.constant 13312 : i32
      %dma_wait3A_470 = tpu.memref_slice %arg5[%dma_wait3A_469] : memref<26624xi32, #tpu.memory_space<vmem>> -> memref<1024xi32, #tpu.memory_space<vmem>>
      %dma_wait3A_471 = tpu.memref_slice %arg2[%add3A_58] : memref<819200xi32, #tpu.memory_space<hbm>> -> memref<1024xi32, #tpu.memory_space<hbm>>
      %dma_wait3A_472 = arith.constant 13312 : i32
      %dma_wait3A_473 = tpu.memref_slice %arg5[%dma_wait3A_472] : memref<26624xi32, #tpu.memory_space<vmem>> -> memref<1024xi32, #tpu.memory_space<vmem>>
      %dma_wait3A_474 = tpu.memref_slice %arg2[%add3A_58] : memref<819200xi32, #tpu.memory_space<hbm>> -> memref<1024xi32, #tpu.memory_space<hbm>>
      tpu.wait_dma2 semaphore(%run_scoped3A : memref<!tpu.dma_semaphore, #tpu.memory_space<semaphore_mem>>) src(%dma_wait3A_474 : memref<1024xi32, #tpu.memory_space<hbm>>) dst(%dma_wait3A_473 : memref<1024xi32, #tpu.memory_space<vmem>>)
      tpu.yield
    }) : () -> ()
    %mul3A_59 = arith.constant 1024 : i32
    %mul3A_60 = arith.muli %add3A, %mul3A_59 : i32
    %add3A_61 = arith.constant 458752 : i32
    %add3A_62 = arith.addi %add3A_61, %mul3A_60 : i32
    "tpu.region"() ({
      %run_scoped3A = tpu.sem_alloc : memref<!tpu.dma_semaphore, #tpu.memory_space<semaphore_mem>>
      %dma_start3A_463 = arith.constant 14336 : i32
      %dma_start3A_464 = tpu.memref_slice %arg5[%dma_start3A_463] : memref<26624xi32, #tpu.memory_space<vmem>> -> memref<1024xi32, #tpu.memory_space<vmem>>
      %dma_start3A_465 = tpu.memref_slice %arg2[%add3A_62] : memref<819200xi32, #tpu.memory_space<hbm>> -> memref<1024xi32, #tpu.memory_space<hbm>>
      %dma_start3A_466 = arith.constant 14336 : i32
      %dma_start3A_467 = tpu.memref_slice %arg5[%dma_start3A_466] : memref<26624xi32, #tpu.memory_space<vmem>> -> memref<1024xi32, #tpu.memory_space<vmem>>
      %dma_start3A_468 = tpu.memref_slice %arg2[%add3A_62] : memref<819200xi32, #tpu.memory_space<hbm>> -> memref<1024xi32, #tpu.memory_space<hbm>>
      tpu.enqueue_dma source(%dma_start3A_468 : memref<1024xi32, #tpu.memory_space<hbm>>) target(%dma_start3A_467 : memref<1024xi32, #tpu.memory_space<vmem>>) target_semaphore(%run_scoped3A : memref<!tpu.dma_semaphore, #tpu.memory_space<semaphore_mem>>)
      %dma_wait3A_469 = arith.constant 14336 : i32
      %dma_wait3A_470 = tpu.memref_slice %arg5[%dma_wait3A_469] : memref<26624xi32, #tpu.memory_space<vmem>> -> memref<1024xi32, #tpu.memory_space<vmem>>
      %dma_wait3A_471 = tpu.memref_slice %arg2[%add3A_62] : memref<819200xi32, #tpu.memory_space<hbm>> -> memref<1024xi32, #tpu.memory_space<hbm>>
      %dma_wait3A_472 = arith.constant 14336 : i32
      %dma_wait3A_473 = tpu.memref_slice %arg5[%dma_wait3A_472] : memref<26624xi32, #tpu.memory_space<vmem>> -> memref<1024xi32, #tpu.memory_space<vmem>>
      %dma_wait3A_474 = tpu.memref_slice %arg2[%add3A_62] : memref<819200xi32, #tpu.memory_space<hbm>> -> memref<1024xi32, #tpu.memory_space<hbm>>
      tpu.wait_dma2 semaphore(%run_scoped3A : memref<!tpu.dma_semaphore, #tpu.memory_space<semaphore_mem>>) src(%dma_wait3A_474 : memref<1024xi32, #tpu.memory_space<hbm>>) dst(%dma_wait3A_473 : memref<1024xi32, #tpu.memory_space<vmem>>)
      tpu.yield
    }) : () -> ()
    %mul3A_63 = arith.constant 1024 : i32
    %mul3A_64 = arith.muli %add3A, %mul3A_63 : i32
    %add3A_65 = arith.constant 491520 : i32
    %add3A_66 = arith.addi %add3A_65, %mul3A_64 : i32
    "tpu.region"() ({
      %run_scoped3A = tpu.sem_alloc : memref<!tpu.dma_semaphore, #tpu.memory_space<semaphore_mem>>
      %dma_start3A_463 = arith.constant 15360 : i32
      %dma_start3A_464 = tpu.memref_slice %arg5[%dma_start3A_463] : memref<26624xi32, #tpu.memory_space<vmem>> -> memref<1024xi32, #tpu.memory_space<vmem>>
      %dma_start3A_465 = tpu.memref_slice %arg2[%add3A_66] : memref<819200xi32, #tpu.memory_space<hbm>> -> memref<1024xi32, #tpu.memory_space<hbm>>
      %dma_start3A_466 = arith.constant 15360 : i32
      %dma_start3A_467 = tpu.memref_slice %arg5[%dma_start3A_466] : memref<26624xi32, #tpu.memory_space<vmem>> -> memref<1024xi32, #tpu.memory_space<vmem>>
      %dma_start3A_468 = tpu.memref_slice %arg2[%add3A_66] : memref<819200xi32, #tpu.memory_space<hbm>> -> memref<1024xi32, #tpu.memory_space<hbm>>
      tpu.enqueue_dma source(%dma_start3A_468 : memref<1024xi32, #tpu.memory_space<hbm>>) target(%dma_start3A_467 : memref<1024xi32, #tpu.memory_space<vmem>>) target_semaphore(%run_scoped3A : memref<!tpu.dma_semaphore, #tpu.memory_space<semaphore_mem>>)
      %dma_wait3A_469 = arith.constant 15360 : i32
      %dma_wait3A_470 = tpu.memref_slice %arg5[%dma_wait3A_469] : memref<26624xi32, #tpu.memory_space<vmem>> -> memref<1024xi32, #tpu.memory_space<vmem>>
      %dma_wait3A_471 = tpu.memref_slice %arg2[%add3A_66] : memref<819200xi32, #tpu.memory_space<hbm>> -> memref<1024xi32, #tpu.memory_space<hbm>>
      %dma_wait3A_472 = arith.constant 15360 : i32
      %dma_wait3A_473 = tpu.memref_slice %arg5[%dma_wait3A_472] : memref<26624xi32, #tpu.memory_space<vmem>> -> memref<1024xi32, #tpu.memory_space<vmem>>
      %dma_wait3A_474 = tpu.memref_slice %arg2[%add3A_66] : memref<819200xi32, #tpu.memory_space<hbm>> -> memref<1024xi32, #tpu.memory_space<hbm>>
      tpu.wait_dma2 semaphore(%run_scoped3A : memref<!tpu.dma_semaphore, #tpu.memory_space<semaphore_mem>>) src(%dma_wait3A_474 : memref<1024xi32, #tpu.memory_space<hbm>>) dst(%dma_wait3A_473 : memref<1024xi32, #tpu.memory_space<vmem>>)
      tpu.yield
    }) : () -> ()
    %mul3A_67 = arith.constant 1024 : i32
    %mul3A_68 = arith.muli %add3A, %mul3A_67 : i32
    %add3A_69 = arith.constant 524288 : i32
    %add3A_70 = arith.addi %add3A_69, %mul3A_68 : i32
    "tpu.region"() ({
      %run_scoped3A = tpu.sem_alloc : memref<!tpu.dma_semaphore, #tpu.memory_space<semaphore_mem>>
      %dma_start3A_463 = arith.constant 16384 : i32
      %dma_start3A_464 = tpu.memref_slice %arg5[%dma_start3A_463] : memref<26624xi32, #tpu.memory_space<vmem>> -> memref<1024xi32, #tpu.memory_space<vmem>>
      %dma_start3A_465 = tpu.memref_slice %arg2[%add3A_70] : memref<819200xi32, #tpu.memory_space<hbm>> -> memref<1024xi32, #tpu.memory_space<hbm>>
      %dma_start3A_466 = arith.constant 16384 : i32
      %dma_start3A_467 = tpu.memref_slice %arg5[%dma_start3A_466] : memref<26624xi32, #tpu.memory_space<vmem>> -> memref<1024xi32, #tpu.memory_space<vmem>>
      %dma_start3A_468 = tpu.memref_slice %arg2[%add3A_70] : memref<819200xi32, #tpu.memory_space<hbm>> -> memref<1024xi32, #tpu.memory_space<hbm>>
      tpu.enqueue_dma source(%dma_start3A_468 : memref<1024xi32, #tpu.memory_space<hbm>>) target(%dma_start3A_467 : memref<1024xi32, #tpu.memory_space<vmem>>) target_semaphore(%run_scoped3A : memref<!tpu.dma_semaphore, #tpu.memory_space<semaphore_mem>>)
      %dma_wait3A_469 = arith.constant 16384 : i32
      %dma_wait3A_470 = tpu.memref_slice %arg5[%dma_wait3A_469] : memref<26624xi32, #tpu.memory_space<vmem>> -> memref<1024xi32, #tpu.memory_space<vmem>>
      %dma_wait3A_471 = tpu.memref_slice %arg2[%add3A_70] : memref<819200xi32, #tpu.memory_space<hbm>> -> memref<1024xi32, #tpu.memory_space<hbm>>
      %dma_wait3A_472 = arith.constant 16384 : i32
      %dma_wait3A_473 = tpu.memref_slice %arg5[%dma_wait3A_472] : memref<26624xi32, #tpu.memory_space<vmem>> -> memref<1024xi32, #tpu.memory_space<vmem>>
      %dma_wait3A_474 = tpu.memref_slice %arg2[%add3A_70] : memref<819200xi32, #tpu.memory_space<hbm>> -> memref<1024xi32, #tpu.memory_space<hbm>>
      tpu.wait_dma2 semaphore(%run_scoped3A : memref<!tpu.dma_semaphore, #tpu.memory_space<semaphore_mem>>) src(%dma_wait3A_474 : memref<1024xi32, #tpu.memory_space<hbm>>) dst(%dma_wait3A_473 : memref<1024xi32, #tpu.memory_space<vmem>>)
      tpu.yield
    }) : () -> ()
    %mul3A_71 = arith.constant 1024 : i32
    %mul3A_72 = arith.muli %add3A, %mul3A_71 : i32
    %add3A_73 = arith.constant 557056 : i32
    %add3A_74 = arith.addi %add3A_73, %mul3A_72 : i32
    "tpu.region"() ({
      %run_scoped3A = tpu.sem_alloc : memref<!tpu.dma_semaphore, #tpu.memory_space<semaphore_mem>>
      %dma_start3A_463 = arith.constant 17408 : i32
      %dma_start3A_464 = tpu.memref_slice %arg5[%dma_start3A_463] : memref<26624xi32, #tpu.memory_space<vmem>> -> memref<1024xi32, #tpu.memory_space<vmem>>
      %dma_start3A_465 = tpu.memref_slice %arg2[%add3A_74] : memref<819200xi32, #tpu.memory_space<hbm>> -> memref<1024xi32, #tpu.memory_space<hbm>>
      %dma_start3A_466 = arith.constant 17408 : i32
      %dma_start3A_467 = tpu.memref_slice %arg5[%dma_start3A_466] : memref<26624xi32, #tpu.memory_space<vmem>> -> memref<1024xi32, #tpu.memory_space<vmem>>
      %dma_start3A_468 = tpu.memref_slice %arg2[%add3A_74] : memref<819200xi32, #tpu.memory_space<hbm>> -> memref<1024xi32, #tpu.memory_space<hbm>>
      tpu.enqueue_dma source(%dma_start3A_468 : memref<1024xi32, #tpu.memory_space<hbm>>) target(%dma_start3A_467 : memref<1024xi32, #tpu.memory_space<vmem>>) target_semaphore(%run_scoped3A : memref<!tpu.dma_semaphore, #tpu.memory_space<semaphore_mem>>)
      %dma_wait3A_469 = arith.constant 17408 : i32
      %dma_wait3A_470 = tpu.memref_slice %arg5[%dma_wait3A_469] : memref<26624xi32, #tpu.memory_space<vmem>> -> memref<1024xi32, #tpu.memory_space<vmem>>
      %dma_wait3A_471 = tpu.memref_slice %arg2[%add3A_74] : memref<819200xi32, #tpu.memory_space<hbm>> -> memref<1024xi32, #tpu.memory_space<hbm>>
      %dma_wait3A_472 = arith.constant 17408 : i32
      %dma_wait3A_473 = tpu.memref_slice %arg5[%dma_wait3A_472] : memref<26624xi32, #tpu.memory_space<vmem>> -> memref<1024xi32, #tpu.memory_space<vmem>>
      %dma_wait3A_474 = tpu.memref_slice %arg2[%add3A_74] : memref<819200xi32, #tpu.memory_space<hbm>> -> memref<1024xi32, #tpu.memory_space<hbm>>
      tpu.wait_dma2 semaphore(%run_scoped3A : memref<!tpu.dma_semaphore, #tpu.memory_space<semaphore_mem>>) src(%dma_wait3A_474 : memref<1024xi32, #tpu.memory_space<hbm>>) dst(%dma_wait3A_473 : memref<1024xi32, #tpu.memory_space<vmem>>)
      tpu.yield
    }) : () -> ()
    %mul3A_75 = arith.constant 1024 : i32
    %mul3A_76 = arith.muli %add3A, %mul3A_75 : i32
    %add3A_77 = arith.constant 589824 : i32
    %add3A_78 = arith.addi %add3A_77, %mul3A_76 : i32
    "tpu.region"() ({
      %run_scoped3A = tpu.sem_alloc : memref<!tpu.dma_semaphore, #tpu.memory_space<semaphore_mem>>
      %dma_start3A_463 = arith.constant 18432 : i32
      %dma_start3A_464 = tpu.memref_slice %arg5[%dma_start3A_463] : memref<26624xi32, #tpu.memory_space<vmem>> -> memref<1024xi32, #tpu.memory_space<vmem>>
      %dma_start3A_465 = tpu.memref_slice %arg2[%add3A_78] : memref<819200xi32, #tpu.memory_space<hbm>> -> memref<1024xi32, #tpu.memory_space<hbm>>
      %dma_start3A_466 = arith.constant 18432 : i32
      %dma_start3A_467 = tpu.memref_slice %arg5[%dma_start3A_466] : memref<26624xi32, #tpu.memory_space<vmem>> -> memref<1024xi32, #tpu.memory_space<vmem>>
      %dma_start3A_468 = tpu.memref_slice %arg2[%add3A_78] : memref<819200xi32, #tpu.memory_space<hbm>> -> memref<1024xi32, #tpu.memory_space<hbm>>
      tpu.enqueue_dma source(%dma_start3A_468 : memref<1024xi32, #tpu.memory_space<hbm>>) target(%dma_start3A_467 : memref<1024xi32, #tpu.memory_space<vmem>>) target_semaphore(%run_scoped3A : memref<!tpu.dma_semaphore, #tpu.memory_space<semaphore_mem>>)
      %dma_wait3A_469 = arith.constant 18432 : i32
      %dma_wait3A_470 = tpu.memref_slice %arg5[%dma_wait3A_469] : memref<26624xi32, #tpu.memory_space<vmem>> -> memref<1024xi32, #tpu.memory_space<vmem>>
      %dma_wait3A_471 = tpu.memref_slice %arg2[%add3A_78] : memref<819200xi32, #tpu.memory_space<hbm>> -> memref<1024xi32, #tpu.memory_space<hbm>>
      %dma_wait3A_472 = arith.constant 18432 : i32
      %dma_wait3A_473 = tpu.memref_slice %arg5[%dma_wait3A_472] : memref<26624xi32, #tpu.memory_space<vmem>> -> memref<1024xi32, #tpu.memory_space<vmem>>
      %dma_wait3A_474 = tpu.memref_slice %arg2[%add3A_78] : memref<819200xi32, #tpu.memory_space<hbm>> -> memref<1024xi32, #tpu.memory_space<hbm>>
      tpu.wait_dma2 semaphore(%run_scoped3A : memref<!tpu.dma_semaphore, #tpu.memory_space<semaphore_mem>>) src(%dma_wait3A_474 : memref<1024xi32, #tpu.memory_space<hbm>>) dst(%dma_wait3A_473 : memref<1024xi32, #tpu.memory_space<vmem>>)
      tpu.yield
    }) : () -> ()
    %mul3A_79 = arith.constant 1024 : i32
    %mul3A_80 = arith.muli %add3A, %mul3A_79 : i32
    %add3A_81 = arith.constant 622592 : i32
    %add3A_82 = arith.addi %add3A_81, %mul3A_80 : i32
    "tpu.region"() ({
      %run_scoped3A = tpu.sem_alloc : memref<!tpu.dma_semaphore, #tpu.memory_space<semaphore_mem>>
      %dma_start3A_463 = arith.constant 19456 : i32
      %dma_start3A_464 = tpu.memref_slice %arg5[%dma_start3A_463] : memref<26624xi32, #tpu.memory_space<vmem>> -> memref<1024xi32, #tpu.memory_space<vmem>>
      %dma_start3A_465 = tpu.memref_slice %arg2[%add3A_82] : memref<819200xi32, #tpu.memory_space<hbm>> -> memref<1024xi32, #tpu.memory_space<hbm>>
      %dma_start3A_466 = arith.constant 19456 : i32
      %dma_start3A_467 = tpu.memref_slice %arg5[%dma_start3A_466] : memref<26624xi32, #tpu.memory_space<vmem>> -> memref<1024xi32, #tpu.memory_space<vmem>>
      %dma_start3A_468 = tpu.memref_slice %arg2[%add3A_82] : memref<819200xi32, #tpu.memory_space<hbm>> -> memref<1024xi32, #tpu.memory_space<hbm>>
      tpu.enqueue_dma source(%dma_start3A_468 : memref<1024xi32, #tpu.memory_space<hbm>>) target(%dma_start3A_467 : memref<1024xi32, #tpu.memory_space<vmem>>) target_semaphore(%run_scoped3A : memref<!tpu.dma_semaphore, #tpu.memory_space<semaphore_mem>>)
      %dma_wait3A_469 = arith.constant 19456 : i32
      %dma_wait3A_470 = tpu.memref_slice %arg5[%dma_wait3A_469] : memref<26624xi32, #tpu.memory_space<vmem>> -> memref<1024xi32, #tpu.memory_space<vmem>>
      %dma_wait3A_471 = tpu.memref_slice %arg2[%add3A_82] : memref<819200xi32, #tpu.memory_space<hbm>> -> memref<1024xi32, #tpu.memory_space<hbm>>
      %dma_wait3A_472 = arith.constant 19456 : i32
      %dma_wait3A_473 = tpu.memref_slice %arg5[%dma_wait3A_472] : memref<26624xi32, #tpu.memory_space<vmem>> -> memref<1024xi32, #tpu.memory_space<vmem>>
      %dma_wait3A_474 = tpu.memref_slice %arg2[%add3A_82] : memref<819200xi32, #tpu.memory_space<hbm>> -> memref<1024xi32, #tpu.memory_space<hbm>>
      tpu.wait_dma2 semaphore(%run_scoped3A : memref<!tpu.dma_semaphore, #tpu.memory_space<semaphore_mem>>) src(%dma_wait3A_474 : memref<1024xi32, #tpu.memory_space<hbm>>) dst(%dma_wait3A_473 : memref<1024xi32, #tpu.memory_space<vmem>>)
      tpu.yield
    }) : () -> ()
    %mul3A_83 = arith.constant 1024 : i32
    %mul3A_84 = arith.muli %add3A, %mul3A_83 : i32
    %add3A_85 = arith.constant 655360 : i32
    %add3A_86 = arith.addi %add3A_85, %mul3A_84 : i32
    "tpu.region"() ({
      %run_scoped3A = tpu.sem_alloc : memref<!tpu.dma_semaphore, #tpu.memory_space<semaphore_mem>>
      %dma_start3A_463 = arith.constant 20480 : i32
      %dma_start3A_464 = tpu.memref_slice %arg5[%dma_start3A_463] : memref<26624xi32, #tpu.memory_space<vmem>> -> memref<1024xi32, #tpu.memory_space<vmem>>
      %dma_start3A_465 = tpu.memref_slice %arg2[%add3A_86] : memref<819200xi32, #tpu.memory_space<hbm>> -> memref<1024xi32, #tpu.memory_space<hbm>>
      %dma_start3A_466 = arith.constant 20480 : i32
      %dma_start3A_467 = tpu.memref_slice %arg5[%dma_start3A_466] : memref<26624xi32, #tpu.memory_space<vmem>> -> memref<1024xi32, #tpu.memory_space<vmem>>
      %dma_start3A_468 = tpu.memref_slice %arg2[%add3A_86] : memref<819200xi32, #tpu.memory_space<hbm>> -> memref<1024xi32, #tpu.memory_space<hbm>>
      tpu.enqueue_dma source(%dma_start3A_468 : memref<1024xi32, #tpu.memory_space<hbm>>) target(%dma_start3A_467 : memref<1024xi32, #tpu.memory_space<vmem>>) target_semaphore(%run_scoped3A : memref<!tpu.dma_semaphore, #tpu.memory_space<semaphore_mem>>)
      %dma_wait3A_469 = arith.constant 20480 : i32
      %dma_wait3A_470 = tpu.memref_slice %arg5[%dma_wait3A_469] : memref<26624xi32, #tpu.memory_space<vmem>> -> memref<1024xi32, #tpu.memory_space<vmem>>
      %dma_wait3A_471 = tpu.memref_slice %arg2[%add3A_86] : memref<819200xi32, #tpu.memory_space<hbm>> -> memref<1024xi32, #tpu.memory_space<hbm>>
      %dma_wait3A_472 = arith.constant 20480 : i32
      %dma_wait3A_473 = tpu.memref_slice %arg5[%dma_wait3A_472] : memref<26624xi32, #tpu.memory_space<vmem>> -> memref<1024xi32, #tpu.memory_space<vmem>>
      %dma_wait3A_474 = tpu.memref_slice %arg2[%add3A_86] : memref<819200xi32, #tpu.memory_space<hbm>> -> memref<1024xi32, #tpu.memory_space<hbm>>
      tpu.wait_dma2 semaphore(%run_scoped3A : memref<!tpu.dma_semaphore, #tpu.memory_space<semaphore_mem>>) src(%dma_wait3A_474 : memref<1024xi32, #tpu.memory_space<hbm>>) dst(%dma_wait3A_473 : memref<1024xi32, #tpu.memory_space<vmem>>)
      tpu.yield
    }) : () -> ()
    %mul3A_87 = arith.constant 1024 : i32
    %mul3A_88 = arith.muli %add3A, %mul3A_87 : i32
    %add3A_89 = arith.constant 688128 : i32
    %add3A_90 = arith.addi %add3A_89, %mul3A_88 : i32
    "tpu.region"() ({
      %run_scoped3A = tpu.sem_alloc : memref<!tpu.dma_semaphore, #tpu.memory_space<semaphore_mem>>
      %dma_start3A_463 = arith.constant 21504 : i32
      %dma_start3A_464 = tpu.memref_slice %arg5[%dma_start3A_463] : memref<26624xi32, #tpu.memory_space<vmem>> -> memref<1024xi32, #tpu.memory_space<vmem>>
      %dma_start3A_465 = tpu.memref_slice %arg2[%add3A_90] : memref<819200xi32, #tpu.memory_space<hbm>> -> memref<1024xi32, #tpu.memory_space<hbm>>
      %dma_start3A_466 = arith.constant 21504 : i32
      %dma_start3A_467 = tpu.memref_slice %arg5[%dma_start3A_466] : memref<26624xi32, #tpu.memory_space<vmem>> -> memref<1024xi32, #tpu.memory_space<vmem>>
      %dma_start3A_468 = tpu.memref_slice %arg2[%add3A_90] : memref<819200xi32, #tpu.memory_space<hbm>> -> memref<1024xi32, #tpu.memory_space<hbm>>
      tpu.enqueue_dma source(%dma_start3A_468 : memref<1024xi32, #tpu.memory_space<hbm>>) target(%dma_start3A_467 : memref<1024xi32, #tpu.memory_space<vmem>>) target_semaphore(%run_scoped3A : memref<!tpu.dma_semaphore, #tpu.memory_space<semaphore_mem>>)
      %dma_wait3A_469 = arith.constant 21504 : i32
      %dma_wait3A_470 = tpu.memref_slice %arg5[%dma_wait3A_469] : memref<26624xi32, #tpu.memory_space<vmem>> -> memref<1024xi32, #tpu.memory_space<vmem>>
      %dma_wait3A_471 = tpu.memref_slice %arg2[%add3A_90] : memref<819200xi32, #tpu.memory_space<hbm>> -> memref<1024xi32, #tpu.memory_space<hbm>>
      %dma_wait3A_472 = arith.constant 21504 : i32
      %dma_wait3A_473 = tpu.memref_slice %arg5[%dma_wait3A_472] : memref<26624xi32, #tpu.memory_space<vmem>> -> memref<1024xi32, #tpu.memory_space<vmem>>
      %dma_wait3A_474 = tpu.memref_slice %arg2[%add3A_90] : memref<819200xi32, #tpu.memory_space<hbm>> -> memref<1024xi32, #tpu.memory_space<hbm>>
      tpu.wait_dma2 semaphore(%run_scoped3A : memref<!tpu.dma_semaphore, #tpu.memory_space<semaphore_mem>>) src(%dma_wait3A_474 : memref<1024xi32, #tpu.memory_space<hbm>>) dst(%dma_wait3A_473 : memref<1024xi32, #tpu.memory_space<vmem>>)
      tpu.yield
    }) : () -> ()
    %mul3A_91 = arith.constant 1024 : i32
    %mul3A_92 = arith.muli %add3A, %mul3A_91 : i32
    %add3A_93 = arith.constant 720896 : i32
    %add3A_94 = arith.addi %add3A_93, %mul3A_92 : i32
    "tpu.region"() ({
      %run_scoped3A = tpu.sem_alloc : memref<!tpu.dma_semaphore, #tpu.memory_space<semaphore_mem>>
      %dma_start3A_463 = arith.constant 22528 : i32
      %dma_start3A_464 = tpu.memref_slice %arg5[%dma_start3A_463] : memref<26624xi32, #tpu.memory_space<vmem>> -> memref<1024xi32, #tpu.memory_space<vmem>>
      %dma_start3A_465 = tpu.memref_slice %arg2[%add3A_94] : memref<819200xi32, #tpu.memory_space<hbm>> -> memref<1024xi32, #tpu.memory_space<hbm>>
      %dma_start3A_466 = arith.constant 22528 : i32
      %dma_start3A_467 = tpu.memref_slice %arg5[%dma_start3A_466] : memref<26624xi32, #tpu.memory_space<vmem>> -> memref<1024xi32, #tpu.memory_space<vmem>>
      %dma_start3A_468 = tpu.memref_slice %arg2[%add3A_94] : memref<819200xi32, #tpu.memory_space<hbm>> -> memref<1024xi32, #tpu.memory_space<hbm>>
      tpu.enqueue_dma source(%dma_start3A_468 : memref<1024xi32, #tpu.memory_space<hbm>>) target(%dma_start3A_467 : memref<1024xi32, #tpu.memory_space<vmem>>) target_semaphore(%run_scoped3A : memref<!tpu.dma_semaphore, #tpu.memory_space<semaphore_mem>>)
      %dma_wait3A_469 = arith.constant 22528 : i32
      %dma_wait3A_470 = tpu.memref_slice %arg5[%dma_wait3A_469] : memref<26624xi32, #tpu.memory_space<vmem>> -> memref<1024xi32, #tpu.memory_space<vmem>>
      %dma_wait3A_471 = tpu.memref_slice %arg2[%add3A_94] : memref<819200xi32, #tpu.memory_space<hbm>> -> memref<1024xi32, #tpu.memory_space<hbm>>
      %dma_wait3A_472 = arith.constant 22528 : i32
      %dma_wait3A_473 = tpu.memref_slice %arg5[%dma_wait3A_472] : memref<26624xi32, #tpu.memory_space<vmem>> -> memref<1024xi32, #tpu.memory_space<vmem>>
      %dma_wait3A_474 = tpu.memref_slice %arg2[%add3A_94] : memref<819200xi32, #tpu.memory_space<hbm>> -> memref<1024xi32, #tpu.memory_space<hbm>>
      tpu.wait_dma2 semaphore(%run_scoped3A : memref<!tpu.dma_semaphore, #tpu.memory_space<semaphore_mem>>) src(%dma_wait3A_474 : memref<1024xi32, #tpu.memory_space<hbm>>) dst(%dma_wait3A_473 : memref<1024xi32, #tpu.memory_space<vmem>>)
      tpu.yield
    }) : () -> ()
    %mul3A_95 = arith.constant 1024 : i32
    %mul3A_96 = arith.muli %add3A, %mul3A_95 : i32
    %add3A_97 = arith.constant 753664 : i32
    %add3A_98 = arith.addi %add3A_97, %mul3A_96 : i32
    "tpu.region"() ({
      %run_scoped3A = tpu.sem_alloc : memref<!tpu.dma_semaphore, #tpu.memory_space<semaphore_mem>>
      %dma_start3A_463 = arith.constant 23552 : i32
      %dma_start3A_464 = tpu.memref_slice %arg5[%dma_start3A_463] : memref<26624xi32, #tpu.memory_space<vmem>> -> memref<1024xi32, #tpu.memory_space<vmem>>
      %dma_start3A_465 = tpu.memref_slice %arg2[%add3A_98] : memref<819200xi32, #tpu.memory_space<hbm>> -> memref<1024xi32, #tpu.memory_space<hbm>>
      %dma_start3A_466 = arith.constant 23552 : i32
      %dma_start3A_467 = tpu.memref_slice %arg5[%dma_start3A_466] : memref<26624xi32, #tpu.memory_space<vmem>> -> memref<1024xi32, #tpu.memory_space<vmem>>
      %dma_start3A_468 = tpu.memref_slice %arg2[%add3A_98] : memref<819200xi32, #tpu.memory_space<hbm>> -> memref<1024xi32, #tpu.memory_space<hbm>>
      tpu.enqueue_dma source(%dma_start3A_468 : memref<1024xi32, #tpu.memory_space<hbm>>) target(%dma_start3A_467 : memref<1024xi32, #tpu.memory_space<vmem>>) target_semaphore(%run_scoped3A : memref<!tpu.dma_semaphore, #tpu.memory_space<semaphore_mem>>)
      %dma_wait3A_469 = arith.constant 23552 : i32
      %dma_wait3A_470 = tpu.memref_slice %arg5[%dma_wait3A_469] : memref<26624xi32, #tpu.memory_space<vmem>> -> memref<1024xi32, #tpu.memory_space<vmem>>
      %dma_wait3A_471 = tpu.memref_slice %arg2[%add3A_98] : memref<819200xi32, #tpu.memory_space<hbm>> -> memref<1024xi32, #tpu.memory_space<hbm>>
      %dma_wait3A_472 = arith.constant 23552 : i32
      %dma_wait3A_473 = tpu.memref_slice %arg5[%dma_wait3A_472] : memref<26624xi32, #tpu.memory_space<vmem>> -> memref<1024xi32, #tpu.memory_space<vmem>>
      %dma_wait3A_474 = tpu.memref_slice %arg2[%add3A_98] : memref<819200xi32, #tpu.memory_space<hbm>> -> memref<1024xi32, #tpu.memory_space<hbm>>
      tpu.wait_dma2 semaphore(%run_scoped3A : memref<!tpu.dma_semaphore, #tpu.memory_space<semaphore_mem>>) src(%dma_wait3A_474 : memref<1024xi32, #tpu.memory_space<hbm>>) dst(%dma_wait3A_473 : memref<1024xi32, #tpu.memory_space<vmem>>)
      tpu.yield
    }) : () -> ()
    %mul3A_99 = arith.constant 1024 : i32
    %mul3A_100 = arith.muli %add3A, %mul3A_99 : i32
    %add3A_101 = arith.constant 786432 : i32
    %add3A_102 = arith.addi %add3A_101, %mul3A_100 : i32
    "tpu.region"() ({
      %run_scoped3A = tpu.sem_alloc : memref<!tpu.dma_semaphore, #tpu.memory_space<semaphore_mem>>
      %dma_start3A_463 = arith.constant 24576 : i32
      %dma_start3A_464 = tpu.memref_slice %arg5[%dma_start3A_463] : memref<26624xi32, #tpu.memory_space<vmem>> -> memref<1024xi32, #tpu.memory_space<vmem>>
      %dma_start3A_465 = tpu.memref_slice %arg2[%add3A_102] : memref<819200xi32, #tpu.memory_space<hbm>> -> memref<1024xi32, #tpu.memory_space<hbm>>
      %dma_start3A_466 = arith.constant 24576 : i32
      %dma_start3A_467 = tpu.memref_slice %arg5[%dma_start3A_466] : memref<26624xi32, #tpu.memory_space<vmem>> -> memref<1024xi32, #tpu.memory_space<vmem>>
      %dma_start3A_468 = tpu.memref_slice %arg2[%add3A_102] : memref<819200xi32, #tpu.memory_space<hbm>> -> memref<1024xi32, #tpu.memory_space<hbm>>
      tpu.enqueue_dma source(%dma_start3A_468 : memref<1024xi32, #tpu.memory_space<hbm>>) target(%dma_start3A_467 : memref<1024xi32, #tpu.memory_space<vmem>>) target_semaphore(%run_scoped3A : memref<!tpu.dma_semaphore, #tpu.memory_space<semaphore_mem>>)
      %dma_wait3A_469 = arith.constant 24576 : i32
      %dma_wait3A_470 = tpu.memref_slice %arg5[%dma_wait3A_469] : memref<26624xi32, #tpu.memory_space<vmem>> -> memref<1024xi32, #tpu.memory_space<vmem>>
      %dma_wait3A_471 = tpu.memref_slice %arg2[%add3A_102] : memref<819200xi32, #tpu.memory_space<hbm>> -> memref<1024xi32, #tpu.memory_space<hbm>>
      %dma_wait3A_472 = arith.constant 24576 : i32
      %dma_wait3A_473 = tpu.memref_slice %arg5[%dma_wait3A_472] : memref<26624xi32, #tpu.memory_space<vmem>> -> memref<1024xi32, #tpu.memory_space<vmem>>
      %dma_wait3A_474 = tpu.memref_slice %arg2[%add3A_102] : memref<819200xi32, #tpu.memory_space<hbm>> -> memref<1024xi32, #tpu.memory_space<hbm>>
      tpu.wait_dma2 semaphore(%run_scoped3A : memref<!tpu.dma_semaphore, #tpu.memory_space<semaphore_mem>>) src(%dma_wait3A_474 : memref<1024xi32, #tpu.memory_space<hbm>>) dst(%dma_wait3A_473 : memref<1024xi32, #tpu.memory_space<vmem>>)
      tpu.yield
    }) : () -> ()
    %iota3A = tpu.iota {dimensions = array<i32: 0>} : vector<16xi32>
    %mul3A_103 = arith.constant 128 : i32
    %mul3A_104 = vector.broadcast %mul3A_103 : i32 to vector<16xi32>
    %mul3A_105 = arith.muli %iota3A, %mul3A_104 : vector<16xi32>
    %scan3A = arith.constant 0 : i32
    %scan3A_106 = arith.constant 0 : i32
    %scan3A_107 = arith.constant 128 : i32
    %scan3A_108 = arith.addi %scan3A_106, %scan3A_107 : i32
    %scan3A_109 = arith.constant 1 : i32
    scf.for %scan3A_463 = %scan3A_106 to %scan3A_108 step %scan3A_109  : i32 {
      %add3A_464 = arith.constant 0 : i32
      %add3A_465 = arith.addi %add3A_464, %scan3A_463 : i32
      %add3A_466 = vector.broadcast %add3A_465 : i32 to vector<16xi32>
      %add3A_467 = arith.addi %mul3A_105, %add3A_466 : vector<16xi32>
      %gather3A = tpu.vector_load_idx %arg5[%add3A_467] : memref<26624xi32, #tpu.memory_space<vmem>>[vector<16xi32>], vector<16xi32>,
      %mul3A_468 = arith.constant 208 : i32
      %mul3A_469 = arith.muli %scan3A_463, %mul3A_468 : i32
      %add3A_470 = arith.constant 0 : i32
      %add3A_471 = arith.addi %mul3A_469, %add3A_470 : i32
      %swap3A = arith.index_cast %add3A_471 : i32 to index
      %swap3A_472 = tpu.vector_load %arg6[%swap3A] {strides = array<i32>} : memref<26624xi32, #tpu.memory_space<vmem>>, vector<16xi32>,
      tpu.vector_store %arg6[%swap3A], %gather3A {strides = array<i32>} : memref<26624xi32, #tpu.memory_space<vmem>>, vector<16xi32>,
      %add3A_473 = arith.constant 2048 : i32
      %add3A_474 = arith.addi %add3A_473, %scan3A_463 : i32
      %add3A_475 = vector.broadcast %add3A_474 : i32 to vector<16xi32>
      %add3A_476 = arith.addi %mul3A_105, %add3A_475 : vector<16xi32>
      %gather3A_477 = tpu.vector_load_idx %arg5[%add3A_476] : memref<26624xi32, #tpu.memory_space<vmem>>[vector<16xi32>], vector<16xi32>,
      %mul3A_478 = arith.constant 208 : i32
      %mul3A_479 = arith.muli %scan3A_463, %mul3A_478 : i32
      %add3A_480 = arith.constant 16 : i32
      %add3A_481 = arith.addi %mul3A_479, %add3A_480 : i32
      %swap3A_482 = arith.index_cast %add3A_481 : i32 to index
      %swap3A_483 = tpu.vector_load %arg6[%swap3A_482] {strides = array<i32>} : memref<26624xi32, #tpu.memory_space<vmem>>, vector<16xi32>,
      tpu.vector_store %arg6[%swap3A_482], %gather3A_477 {strides = array<i32>} : memref<26624xi32, #tpu.memory_space<vmem>>, vector<16xi32>,
      %add3A_484 = arith.constant 4096 : i32
      %add3A_485 = arith.addi %add3A_484, %scan3A_463 : i32
      %add3A_486 = vector.broadcast %add3A_485 : i32 to vector<16xi32>
      %add3A_487 = arith.addi %mul3A_105, %add3A_486 : vector<16xi32>
      %gather3A_488 = tpu.vector_load_idx %arg5[%add3A_487] : memref<26624xi32, #tpu.memory_space<vmem>>[vector<16xi32>], vector<16xi32>,
      %mul3A_489 = arith.constant 208 : i32
      %mul3A_490 = arith.muli %scan3A_463, %mul3A_489 : i32
      %add3A_491 = arith.constant 32 : i32
      %add3A_492 = arith.addi %mul3A_490, %add3A_491 : i32
      %swap3A_493 = arith.index_cast %add3A_492 : i32 to index
      %swap3A_494 = tpu.vector_load %arg6[%swap3A_493] {strides = array<i32>} : memref<26624xi32, #tpu.memory_space<vmem>>, vector<16xi32>,
      tpu.vector_store %arg6[%swap3A_493], %gather3A_488 {strides = array<i32>} : memref<26624xi32, #tpu.memory_space<vmem>>, vector<16xi32>,
      %add3A_495 = arith.constant 6144 : i32
      %add3A_496 = arith.addi %add3A_495, %scan3A_463 : i32
      %add3A_497 = vector.broadcast %add3A_496 : i32 to vector<16xi32>
      %add3A_498 = arith.addi %mul3A_105, %add3A_497 : vector<16xi32>
      %gather3A_499 = tpu.vector_load_idx %arg5[%add3A_498] : memref<26624xi32, #tpu.memory_space<vmem>>[vector<16xi32>], vector<16xi32>,
      %mul3A_500 = arith.constant 208 : i32
      %mul3A_501 = arith.muli %scan3A_463, %mul3A_500 : i32
      %add3A_502 = arith.constant 48 : i32
      %add3A_503 = arith.addi %mul3A_501, %add3A_502 : i32
      %swap3A_504 = arith.index_cast %add3A_503 : i32 to index
      %swap3A_505 = tpu.vector_load %arg6[%swap3A_504] {strides = array<i32>} : memref<26624xi32, #tpu.memory_space<vmem>>, vector<16xi32>,
      tpu.vector_store %arg6[%swap3A_504], %gather3A_499 {strides = array<i32>} : memref<26624xi32, #tpu.memory_space<vmem>>, vector<16xi32>,
      %add3A_506 = arith.constant 8192 : i32
      %add3A_507 = arith.addi %add3A_506, %scan3A_463 : i32
      %add3A_508 = vector.broadcast %add3A_507 : i32 to vector<16xi32>
      %add3A_509 = arith.addi %mul3A_105, %add3A_508 : vector<16xi32>
      %gather3A_510 = tpu.vector_load_idx %arg5[%add3A_509] : memref<26624xi32, #tpu.memory_space<vmem>>[vector<16xi32>], vector<16xi32>,
      %mul3A_511 = arith.constant 208 : i32
      %mul3A_512 = arith.muli %scan3A_463, %mul3A_511 : i32
      %add3A_513 = arith.constant 64 : i32
      %add3A_514 = arith.addi %mul3A_512, %add3A_513 : i32
      %swap3A_515 = arith.index_cast %add3A_514 : i32 to index
      %swap3A_516 = tpu.vector_load %arg6[%swap3A_515] {strides = array<i32>} : memref<26624xi32, #tpu.memory_space<vmem>>, vector<16xi32>,
      tpu.vector_store %arg6[%swap3A_515], %gather3A_510 {strides = array<i32>} : memref<26624xi32, #tpu.memory_space<vmem>>, vector<16xi32>,
      %add3A_517 = arith.constant 10240 : i32
      %add3A_518 = arith.addi %add3A_517, %scan3A_463 : i32
      %add3A_519 = vector.broadcast %add3A_518 : i32 to vector<16xi32>
      %add3A_520 = arith.addi %mul3A_105, %add3A_519 : vector<16xi32>
      %gather3A_521 = tpu.vector_load_idx %arg5[%add3A_520] : memref<26624xi32, #tpu.memory_space<vmem>>[vector<16xi32>], vector<16xi32>,
      %mul3A_522 = arith.constant 208 : i32
      %mul3A_523 = arith.muli %scan3A_463, %mul3A_522 : i32
      %add3A_524 = arith.constant 80 : i32
      %add3A_525 = arith.addi %mul3A_523, %add3A_524 : i32
      %swap3A_526 = arith.index_cast %add3A_525 : i32 to index
      %swap3A_527 = tpu.vector_load %arg6[%swap3A_526] {strides = array<i32>} : memref<26624xi32, #tpu.memory_space<vmem>>, vector<16xi32>,
      tpu.vector_store %arg6[%swap3A_526], %gather3A_521 {strides = array<i32>} : memref<26624xi32, #tpu.memory_space<vmem>>, vector<16xi32>,
      %add3A_528 = arith.constant 12288 : i32
      %add3A_529 = arith.addi %add3A_528, %scan3A_463 : i32
      %add3A_530 = vector.broadcast %add3A_529 : i32 to vector<16xi32>
      %add3A_531 = arith.addi %mul3A_105, %add3A_530 : vector<16xi32>
      %gather3A_532 = tpu.vector_load_idx %arg5[%add3A_531] : memref<26624xi32, #tpu.memory_space<vmem>>[vector<16xi32>], vector<16xi32>,
      %mul3A_533 = arith.constant 208 : i32
      %mul3A_534 = arith.muli %scan3A_463, %mul3A_533 : i32
      %add3A_535 = arith.constant 96 : i32
      %add3A_536 = arith.addi %mul3A_534, %add3A_535 : i32
      %swap3A_537 = arith.index_cast %add3A_536 : i32 to index
      %swap3A_538 = tpu.vector_load %arg6[%swap3A_537] {strides = array<i32>} : memref<26624xi32, #tpu.memory_space<vmem>>, vector<16xi32>,
      tpu.vector_store %arg6[%swap3A_537], %gather3A_532 {strides = array<i32>} : memref<26624xi32, #tpu.memory_space<vmem>>, vector<16xi32>,
      %add3A_539 = arith.constant 14336 : i32
      %add3A_540 = arith.addi %add3A_539, %scan3A_463 : i32
      %add3A_541 = vector.broadcast %add3A_540 : i32 to vector<16xi32>
      %add3A_542 = arith.addi %mul3A_105, %add3A_541 : vector<16xi32>
      %gather3A_543 = tpu.vector_load_idx %arg5[%add3A_542] : memref<26624xi32, #tpu.memory_space<vmem>>[vector<16xi32>], vector<16xi32>,
      %mul3A_544 = arith.constant 208 : i32
      %mul3A_545 = arith.muli %scan3A_463, %mul3A_544 : i32
      %add3A_546 = arith.constant 112 : i32
      %add3A_547 = arith.addi %mul3A_545, %add3A_546 : i32
      %swap3A_548 = arith.index_cast %add3A_547 : i32 to index
      %swap3A_549 = tpu.vector_load %arg6[%swap3A_548] {strides = array<i32>} : memref<26624xi32, #tpu.memory_space<vmem>>, vector<16xi32>,
      tpu.vector_store %arg6[%swap3A_548], %gather3A_543 {strides = array<i32>} : memref<26624xi32, #tpu.memory_space<vmem>>, vector<16xi32>,
      %add3A_550 = arith.constant 16384 : i32
      %add3A_551 = arith.addi %add3A_550, %scan3A_463 : i32
      %add3A_552 = vector.broadcast %add3A_551 : i32 to vector<16xi32>
      %add3A_553 = arith.addi %mul3A_105, %add3A_552 : vector<16xi32>
      %gather3A_554 = tpu.vector_load_idx %arg5[%add3A_553] : memref<26624xi32, #tpu.memory_space<vmem>>[vector<16xi32>], vector<16xi32>,
      %mul3A_555 = arith.constant 208 : i32
      %mul3A_556 = arith.muli %scan3A_463, %mul3A_555 : i32
      %add3A_557 = arith.constant 128 : i32
      %add3A_558 = arith.addi %mul3A_556, %add3A_557 : i32
      %swap3A_559 = arith.index_cast %add3A_558 : i32 to index
      %swap3A_560 = tpu.vector_load %arg6[%swap3A_559] {strides = array<i32>} : memref<26624xi32, #tpu.memory_space<vmem>>, vector<16xi32>,
      tpu.vector_store %arg6[%swap3A_559], %gather3A_554 {strides = array<i32>} : memref<26624xi32, #tpu.memory_space<vmem>>, vector<16xi32>,
      %add3A_561 = arith.constant 18432 : i32
      %add3A_562 = arith.addi %add3A_561, %scan3A_463 : i32
      %add3A_563 = vector.broadcast %add3A_562 : i32 to vector<16xi32>
      %add3A_564 = arith.addi %mul3A_105, %add3A_563 : vector<16xi32>
      %gather3A_565 = tpu.vector_load_idx %arg5[%add3A_564] : memref<26624xi32, #tpu.memory_space<vmem>>[vector<16xi32>], vector<16xi32>,
      %mul3A_566 = arith.constant 208 : i32
      %mul3A_567 = arith.muli %scan3A_463, %mul3A_566 : i32
      %add3A_568 = arith.constant 144 : i32
      %add3A_569 = arith.addi %mul3A_567, %add3A_568 : i32
      %swap3A_570 = arith.index_cast %add3A_569 : i32 to index
      %swap3A_571 = tpu.vector_load %arg6[%swap3A_570] {strides = array<i32>} : memref<26624xi32, #tpu.memory_space<vmem>>, vector<16xi32>,
      tpu.vector_store %arg6[%swap3A_570], %gather3A_565 {strides = array<i32>} : memref<26624xi32, #tpu.memory_space<vmem>>, vector<16xi32>,
      %add3A_572 = arith.constant 20480 : i32
      %add3A_573 = arith.addi %add3A_572, %scan3A_463 : i32
      %add3A_574 = vector.broadcast %add3A_573 : i32 to vector<16xi32>
      %add3A_575 = arith.addi %mul3A_105, %add3A_574 : vector<16xi32>
      %gather3A_576 = tpu.vector_load_idx %arg5[%add3A_575] : memref<26624xi32, #tpu.memory_space<vmem>>[vector<16xi32>], vector<16xi32>,
      %mul3A_577 = arith.constant 208 : i32
      %mul3A_578 = arith.muli %scan3A_463, %mul3A_577 : i32
      %add3A_579 = arith.constant 160 : i32
      %add3A_580 = arith.addi %mul3A_578, %add3A_579 : i32
      %swap3A_581 = arith.index_cast %add3A_580 : i32 to index
      %swap3A_582 = tpu.vector_load %arg6[%swap3A_581] {strides = array<i32>} : memref<26624xi32, #tpu.memory_space<vmem>>, vector<16xi32>,
      tpu.vector_store %arg6[%swap3A_581], %gather3A_576 {strides = array<i32>} : memref<26624xi32, #tpu.memory_space<vmem>>, vector<16xi32>,
      %add3A_583 = arith.constant 22528 : i32
      %add3A_584 = arith.addi %add3A_583, %scan3A_463 : i32
      %add3A_585 = vector.broadcast %add3A_584 : i32 to vector<16xi32>
      %add3A_586 = arith.addi %mul3A_105, %add3A_585 : vector<16xi32>
      %gather3A_587 = tpu.vector_load_idx %arg5[%add3A_586] : memref<26624xi32, #tpu.memory_space<vmem>>[vector<16xi32>], vector<16xi32>,
      %mul3A_588 = arith.constant 208 : i32
      %mul3A_589 = arith.muli %scan3A_463, %mul3A_588 : i32
      %add3A_590 = arith.constant 176 : i32
      %add3A_591 = arith.addi %mul3A_589, %add3A_590 : i32
      %swap3A_592 = arith.index_cast %add3A_591 : i32 to index
      %swap3A_593 = tpu.vector_load %arg6[%swap3A_592] {strides = array<i32>} : memref<26624xi32, #tpu.memory_space<vmem>>, vector<16xi32>,
      tpu.vector_store %arg6[%swap3A_592], %gather3A_587 {strides = array<i32>} : memref<26624xi32, #tpu.memory_space<vmem>>, vector<16xi32>,
      %add3A_594 = arith.constant 24576 : i32
      %add3A_595 = arith.addi %add3A_594, %scan3A_463 : i32
      %add3A_596 = vector.broadcast %add3A_595 : i32 to vector<16xi32>
      %add3A_597 = arith.addi %mul3A_105, %add3A_596 : vector<16xi32>
      %gather3A_598 = tpu.vector_load_idx %arg5[%add3A_597] : memref<26624xi32, #tpu.memory_space<vmem>>[vector<16xi32>], vector<16xi32>,
      %mul3A_599 = arith.constant 208 : i32
      %mul3A_600 = arith.muli %scan3A_463, %mul3A_599 : i32
      %add3A_601 = arith.constant 192 : i32
      %add3A_602 = arith.addi %mul3A_600, %add3A_601 : i32
      %swap3A_603 = arith.index_cast %add3A_602 : i32 to index
      %swap3A_604 = tpu.vector_load %arg6[%swap3A_603] {strides = array<i32>} : memref<26624xi32, #tpu.memory_space<vmem>>, vector<16xi32>,
      tpu.vector_store %arg6[%swap3A_603], %gather3A_598 {strides = array<i32>} : memref<26624xi32, #tpu.memory_space<vmem>>, vector<16xi32>,
    }
    %scan3A_110 = arith.constant 128 : i32
    %dma_start3A = arith.constant 0 : i32
    %dma_start3A_111 = arith.constant 0 : i32
    %dma_start3A_112 = arith.constant 0 : i32
    %dma_start3A_113 = arith.constant 0 : i32
    %dma_start3A_114 = tpu.memref_slice %arg7[%dma_start3A, %dma_start3A_112, %dma_start3A_113] : memref<2x200x128xf32, #tpu.memory_space<vmem>> -> memref<1x40x128xf32, #tpu.memory_space<vmem>>
    %dma_start3A_115 = tpu.memref_squeeze %dma_start3A_114 : memref<1x40x128xf32, #tpu.memory_space<vmem>> -> memref<40x128xf32, #tpu.memory_space<vmem>>
    %dma_start3A_116 = arith.constant 0 : i32
    %dma_start3A_117 = tpu.memref_slice %arg6[%dma_start3A_116] : memref<26624xi32, #tpu.memory_space<vmem>> -> memref<40xi32, #tpu.memory_space<vmem>>
    %dma_start3A_118 = arith.constant 0 : i32
    %dma_start3A_119 = arith.constant 0 : i32
    %dma_start3A_120 = tpu.memref_slice %arg3[%dma_start3A_118, %dma_start3A_119] : memref<1000000x128xf32, #tpu.memory_space<hbm>> -> memref<1000000x128xf32, #tpu.memory_space<hbm>>
    %dma_start3A_121 = tpu.memref_slice %arg8[%dma_start3A_111] : memref<2x!tpu.dma_semaphore, #tpu.memory_space<semaphore_mem>> -> memref<1x!tpu.dma_semaphore, #tpu.memory_space<semaphore_mem>>
    %dma_start3A_122 = tpu.memref_squeeze %dma_start3A_121 : memref<1x!tpu.dma_semaphore, #tpu.memory_space<semaphore_mem>> -> memref<!tpu.dma_semaphore, #tpu.memory_space<semaphore_mem>>
    tpu.enqueue_indirect_dma source(%dma_start3A_120 : memref<1000000x128xf32, #tpu.memory_space<hbm>>) target(%dma_start3A_115 : memref<40x128xf32, #tpu.memory_space<vmem>>) offsets(%dma_start3A_117 : memref<40xi32, #tpu.memory_space<vmem>>) semaphore(%dma_start3A_122 : memref<!tpu.dma_semaphore, #tpu.memory_space<semaphore_mem>>)
    %dma_start3A_123 = arith.constant 0 : i32
    %dma_start3A_124 = arith.constant 0 : i32
    %dma_start3A_125 = arith.constant 40 : i32
    %dma_start3A_126 = arith.constant 0 : i32
    %dma_start3A_127 = tpu.memref_slice %arg7[%dma_start3A_123, %dma_start3A_125, %dma_start3A_126] : memref<2x200x128xf32, #tpu.memory_space<vmem>> -> memref<1x40x128xf32, #tpu.memory_space<vmem>>
    %dma_start3A_128 = tpu.memref_squeeze %dma_start3A_127 : memref<1x40x128xf32, #tpu.memory_space<vmem>> -> memref<40x128xf32, #tpu.memory_space<vmem>>
    %dma_start3A_129 = arith.constant 40 : i32
    %dma_start3A_130 = tpu.memref_slice %arg6[%dma_start3A_129] : memref<26624xi32, #tpu.memory_space<vmem>> -> memref<40xi32, #tpu.memory_space<vmem>>
    %dma_start3A_131 = arith.constant 0 : i32
    %dma_start3A_132 = arith.constant 0 : i32
    %dma_start3A_133 = tpu.memref_slice %arg3[%dma_start3A_131, %dma_start3A_132] : memref<1000000x128xf32, #tpu.memory_space<hbm>> -> memref<1000000x128xf32, #tpu.memory_space<hbm>>
    %dma_start3A_134 = tpu.memref_slice %arg8[%dma_start3A_124] : memref<2x!tpu.dma_semaphore, #tpu.memory_space<semaphore_mem>> -> memref<1x!tpu.dma_semaphore, #tpu.memory_space<semaphore_mem>>
    %dma_start3A_135 = tpu.memref_squeeze %dma_start3A_134 : memref<1x!tpu.dma_semaphore, #tpu.memory_space<semaphore_mem>> -> memref<!tpu.dma_semaphore, #tpu.memory_space<semaphore_mem>>
    tpu.enqueue_indirect_dma source(%dma_start3A_133 : memref<1000000x128xf32, #tpu.memory_space<hbm>>) target(%dma_start3A_128 : memref<40x128xf32, #tpu.memory_space<vmem>>) offsets(%dma_start3A_130 : memref<40xi32, #tpu.memory_space<vmem>>) semaphore(%dma_start3A_135 : memref<!tpu.dma_semaphore, #tpu.memory_space<semaphore_mem>>)
    %dma_start3A_136 = arith.constant 0 : i32
    %dma_start3A_137 = arith.constant 0 : i32
    %dma_start3A_138 = arith.constant 80 : i32
    %dma_start3A_139 = arith.constant 0 : i32
    %dma_start3A_140 = tpu.memref_slice %arg7[%dma_start3A_136, %dma_start3A_138, %dma_start3A_139] : memref<2x200x128xf32, #tpu.memory_space<vmem>> -> memref<1x40x128xf32, #tpu.memory_space<vmem>>
    %dma_start3A_141 = tpu.memref_squeeze %dma_start3A_140 : memref<1x40x128xf32, #tpu.memory_space<vmem>> -> memref<40x128xf32, #tpu.memory_space<vmem>>
    %dma_start3A_142 = arith.constant 80 : i32
    %dma_start3A_143 = tpu.memref_slice %arg6[%dma_start3A_142] : memref<26624xi32, #tpu.memory_space<vmem>> -> memref<40xi32, #tpu.memory_space<vmem>>
    %dma_start3A_144 = arith.constant 0 : i32
    %dma_start3A_145 = arith.constant 0 : i32
    %dma_start3A_146 = tpu.memref_slice %arg3[%dma_start3A_144, %dma_start3A_145] : memref<1000000x128xf32, #tpu.memory_space<hbm>> -> memref<1000000x128xf32, #tpu.memory_space<hbm>>
    %dma_start3A_147 = tpu.memref_slice %arg8[%dma_start3A_137] : memref<2x!tpu.dma_semaphore, #tpu.memory_space<semaphore_mem>> -> memref<1x!tpu.dma_semaphore, #tpu.memory_space<semaphore_mem>>
    %dma_start3A_148 = tpu.memref_squeeze %dma_start3A_147 : memref<1x!tpu.dma_semaphore, #tpu.memory_space<semaphore_mem>> -> memref<!tpu.dma_semaphore, #tpu.memory_space<semaphore_mem>>
    tpu.enqueue_indirect_dma source(%dma_start3A_146 : memref<1000000x128xf32, #tpu.memory_space<hbm>>) target(%dma_start3A_141 : memref<40x128xf32, #tpu.memory_space<vmem>>) offsets(%dma_start3A_143 : memref<40xi32, #tpu.memory_space<vmem>>) semaphore(%dma_start3A_148 : memref<!tpu.dma_semaphore, #tpu.memory_space<semaphore_mem>>)
    %dma_start3A_149 = arith.constant 0 : i32
    %dma_start3A_150 = arith.constant 0 : i32
    %dma_start3A_151 = arith.constant 120 : i32
    %dma_start3A_152 = arith.constant 0 : i32
    %dma_start3A_153 = tpu.memref_slice %arg7[%dma_start3A_149, %dma_start3A_151, %dma_start3A_152] : memref<2x200x128xf32, #tpu.memory_space<vmem>> -> memref<1x40x128xf32, #tpu.memory_space<vmem>>
    %dma_start3A_154 = tpu.memref_squeeze %dma_start3A_153 : memref<1x40x128xf32, #tpu.memory_space<vmem>> -> memref<40x128xf32, #tpu.memory_space<vmem>>
    %dma_start3A_155 = arith.constant 120 : i32
    %dma_start3A_156 = tpu.memref_slice %arg6[%dma_start3A_155] : memref<26624xi32, #tpu.memory_space<vmem>> -> memref<40xi32, #tpu.memory_space<vmem>>
    %dma_start3A_157 = arith.constant 0 : i32
    %dma_start3A_158 = arith.constant 0 : i32
    %dma_start3A_159 = tpu.memref_slice %arg3[%dma_start3A_157, %dma_start3A_158] : memref<1000000x128xf32, #tpu.memory_space<hbm>> -> memref<1000000x128xf32, #tpu.memory_space<hbm>>
    %dma_start3A_160 = tpu.memref_slice %arg8[%dma_start3A_150] : memref<2x!tpu.dma_semaphore, #tpu.memory_space<semaphore_mem>> -> memref<1x!tpu.dma_semaphore, #tpu.memory_space<semaphore_mem>>
    %dma_start3A_161 = tpu.memref_squeeze %dma_start3A_160 : memref<1x!tpu.dma_semaphore, #tpu.memory_space<semaphore_mem>> -> memref<!tpu.dma_semaphore, #tpu.memory_space<semaphore_mem>>
    tpu.enqueue_indirect_dma source(%dma_start3A_159 : memref<1000000x128xf32, #tpu.memory_space<hbm>>) target(%dma_start3A_154 : memref<40x128xf32, #tpu.memory_space<vmem>>) offsets(%dma_start3A_156 : memref<40xi32, #tpu.memory_space<vmem>>) semaphore(%dma_start3A_161 : memref<!tpu.dma_semaphore, #tpu.memory_space<semaphore_mem>>)
    %dma_start3A_162 = arith.constant 0 : i32
    %dma_start3A_163 = arith.constant 0 : i32
    %dma_start3A_164 = arith.constant 160 : i32
    %dma_start3A_165 = arith.constant 0 : i32
    %dma_start3A_166 = tpu.memref_slice %arg7[%dma_start3A_162, %dma_start3A_164, %dma_start3A_165] : memref<2x200x128xf32, #tpu.memory_space<vmem>> -> memref<1x40x128xf32, #tpu.memory_space<vmem>>
    %dma_start3A_167 = tpu.memref_squeeze %dma_start3A_166 : memref<1x40x128xf32, #tpu.memory_space<vmem>> -> memref<40x128xf32, #tpu.memory_space<vmem>>
    %dma_start3A_168 = arith.constant 160 : i32
    %dma_start3A_169 = tpu.memref_slice %arg6[%dma_start3A_168] : memref<26624xi32, #tpu.memory_space<vmem>> -> memref<40xi32, #tpu.memory_space<vmem>>
    %dma_start3A_170 = arith.constant 0 : i32
    %dma_start3A_171 = arith.constant 0 : i32
    %dma_start3A_172 = tpu.memref_slice %arg3[%dma_start3A_170, %dma_start3A_171] : memref<1000000x128xf32, #tpu.memory_space<hbm>> -> memref<1000000x128xf32, #tpu.memory_space<hbm>>
    %dma_start3A_173 = tpu.memref_slice %arg8[%dma_start3A_163] : memref<2x!tpu.dma_semaphore, #tpu.memory_space<semaphore_mem>> -> memref<1x!tpu.dma_semaphore, #tpu.memory_space<semaphore_mem>>
    %dma_start3A_174 = tpu.memref_squeeze %dma_start3A_173 : memref<1x!tpu.dma_semaphore, #tpu.memory_space<semaphore_mem>> -> memref<!tpu.dma_semaphore, #tpu.memory_space<semaphore_mem>>
    tpu.enqueue_indirect_dma source(%dma_start3A_172 : memref<1000000x128xf32, #tpu.memory_space<hbm>>) target(%dma_start3A_167 : memref<40x128xf32, #tpu.memory_space<vmem>>) offsets(%dma_start3A_169 : memref<40xi32, #tpu.memory_space<vmem>>) semaphore(%dma_start3A_174 : memref<!tpu.dma_semaphore, #tpu.memory_space<semaphore_mem>>)
    %dma_start3A_175 = arith.constant 1 : i32
    %dma_start3A_176 = arith.constant 1 : i32
    %dma_start3A_177 = arith.constant 0 : i32
    %dma_start3A_178 = arith.constant 0 : i32
    %dma_start3A_179 = tpu.memref_slice %arg7[%dma_start3A_175, %dma_start3A_177, %dma_start3A_178] : memref<2x200x128xf32, #tpu.memory_space<vmem>> -> memref<1x40x128xf32, #tpu.memory_space<vmem>>
    %dma_start3A_180 = tpu.memref_squeeze %dma_start3A_179 : memref<1x40x128xf32, #tpu.memory_space<vmem>> -> memref<40x128xf32, #tpu.memory_space<vmem>>
    %dma_start3A_181 = arith.constant 208 : i32
    %dma_start3A_182 = tpu.memref_slice %arg6[%dma_start3A_181] : memref<26624xi32, #tpu.memory_space<vmem>> -> memref<40xi32, #tpu.memory_space<vmem>>
    %dma_start3A_183 = arith.constant 0 : i32
    %dma_start3A_184 = arith.constant 0 : i32
    %dma_start3A_185 = tpu.memref_slice %arg3[%dma_start3A_183, %dma_start3A_184] : memref<1000000x128xf32, #tpu.memory_space<hbm>> -> memref<1000000x128xf32, #tpu.memory_space<hbm>>
    %dma_start3A_186 = tpu.memref_slice %arg8[%dma_start3A_176] : memref<2x!tpu.dma_semaphore, #tpu.memory_space<semaphore_mem>> -> memref<1x!tpu.dma_semaphore, #tpu.memory_space<semaphore_mem>>
    %dma_start3A_187 = tpu.memref_squeeze %dma_start3A_186 : memref<1x!tpu.dma_semaphore, #tpu.memory_space<semaphore_mem>> -> memref<!tpu.dma_semaphore, #tpu.memory_space<semaphore_mem>>
    tpu.enqueue_indirect_dma source(%dma_start3A_185 : memref<1000000x128xf32, #tpu.memory_space<hbm>>) target(%dma_start3A_180 : memref<40x128xf32, #tpu.memory_space<vmem>>) offsets(%dma_start3A_182 : memref<40xi32, #tpu.memory_space<vmem>>) semaphore(%dma_start3A_187 : memref<!tpu.dma_semaphore, #tpu.memory_space<semaphore_mem>>)
    %dma_start3A_188 = arith.constant 1 : i32
    %dma_start3A_189 = arith.constant 1 : i32
    %dma_start3A_190 = arith.constant 40 : i32
    %dma_start3A_191 = arith.constant 0 : i32
    %dma_start3A_192 = tpu.memref_slice %arg7[%dma_start3A_188, %dma_start3A_190, %dma_start3A_191] : memref<2x200x128xf32, #tpu.memory_space<vmem>> -> memref<1x40x128xf32, #tpu.memory_space<vmem>>
    %dma_start3A_193 = tpu.memref_squeeze %dma_start3A_192 : memref<1x40x128xf32, #tpu.memory_space<vmem>> -> memref<40x128xf32, #tpu.memory_space<vmem>>
    %dma_start3A_194 = arith.constant 248 : i32
    %dma_start3A_195 = tpu.memref_slice %arg6[%dma_start3A_194] : memref<26624xi32, #tpu.memory_space<vmem>> -> memref<40xi32, #tpu.memory_space<vmem>>
    %dma_start3A_196 = arith.constant 0 : i32
    %dma_start3A_197 = arith.constant 0 : i32
    %dma_start3A_198 = tpu.memref_slice %arg3[%dma_start3A_196, %dma_start3A_197] : memref<1000000x128xf32, #tpu.memory_space<hbm>> -> memref<1000000x128xf32, #tpu.memory_space<hbm>>
    %dma_start3A_199 = tpu.memref_slice %arg8[%dma_start3A_189] : memref<2x!tpu.dma_semaphore, #tpu.memory_space<semaphore_mem>> -> memref<1x!tpu.dma_semaphore, #tpu.memory_space<semaphore_mem>>
    %dma_start3A_200 = tpu.memref_squeeze %dma_start3A_199 : memref<1x!tpu.dma_semaphore, #tpu.memory_space<semaphore_mem>> -> memref<!tpu.dma_semaphore, #tpu.memory_space<semaphore_mem>>
    tpu.enqueue_indirect_dma source(%dma_start3A_198 : memref<1000000x128xf32, #tpu.memory_space<hbm>>) target(%dma_start3A_193 : memref<40x128xf32, #tpu.memory_space<vmem>>) offsets(%dma_start3A_195 : memref<40xi32, #tpu.memory_space<vmem>>) semaphore(%dma_start3A_200 : memref<!tpu.dma_semaphore, #tpu.memory_space<semaphore_mem>>)
    %dma_start3A_201 = arith.constant 1 : i32
    %dma_start3A_202 = arith.constant 1 : i32
    %dma_start3A_203 = arith.constant 80 : i32
    %dma_start3A_204 = arith.constant 0 : i32
    %dma_start3A_205 = tpu.memref_slice %arg7[%dma_start3A_201, %dma_start3A_203, %dma_start3A_204] : memref<2x200x128xf32, #tpu.memory_space<vmem>> -> memref<1x40x128xf32, #tpu.memory_space<vmem>>
    %dma_start3A_206 = tpu.memref_squeeze %dma_start3A_205 : memref<1x40x128xf32, #tpu.memory_space<vmem>> -> memref<40x128xf32, #tpu.memory_space<vmem>>
    %dma_start3A_207 = arith.constant 288 : i32
    %dma_start3A_208 = tpu.memref_slice %arg6[%dma_start3A_207] : memref<26624xi32, #tpu.memory_space<vmem>> -> memref<40xi32, #tpu.memory_space<vmem>>
    %dma_start3A_209 = arith.constant 0 : i32
    %dma_start3A_210 = arith.constant 0 : i32
    %dma_start3A_211 = tpu.memref_slice %arg3[%dma_start3A_209, %dma_start3A_210] : memref<1000000x128xf32, #tpu.memory_space<hbm>> -> memref<1000000x128xf32, #tpu.memory_space<hbm>>
    %dma_start3A_212 = tpu.memref_slice %arg8[%dma_start3A_202] : memref<2x!tpu.dma_semaphore, #tpu.memory_space<semaphore_mem>> -> memref<1x!tpu.dma_semaphore, #tpu.memory_space<semaphore_mem>>
    %dma_start3A_213 = tpu.memref_squeeze %dma_start3A_212 : memref<1x!tpu.dma_semaphore, #tpu.memory_space<semaphore_mem>> -> memref<!tpu.dma_semaphore, #tpu.memory_space<semaphore_mem>>
    tpu.enqueue_indirect_dma source(%dma_start3A_211 : memref<1000000x128xf32, #tpu.memory_space<hbm>>) target(%dma_start3A_206 : memref<40x128xf32, #tpu.memory_space<vmem>>) offsets(%dma_start3A_208 : memref<40xi32, #tpu.memory_space<vmem>>) semaphore(%dma_start3A_213 : memref<!tpu.dma_semaphore, #tpu.memory_space<semaphore_mem>>)
    %dma_start3A_214 = arith.constant 1 : i32
    %dma_start3A_215 = arith.constant 1 : i32
    %dma_start3A_216 = arith.constant 120 : i32
    %dma_start3A_217 = arith.constant 0 : i32
    %dma_start3A_218 = tpu.memref_slice %arg7[%dma_start3A_214, %dma_start3A_216, %dma_start3A_217] : memref<2x200x128xf32, #tpu.memory_space<vmem>> -> memref<1x40x128xf32, #tpu.memory_space<vmem>>
    %dma_start3A_219 = tpu.memref_squeeze %dma_start3A_218 : memref<1x40x128xf32, #tpu.memory_space<vmem>> -> memref<40x128xf32, #tpu.memory_space<vmem>>
    %dma_start3A_220 = arith.constant 328 : i32
    %dma_start3A_221 = tpu.memref_slice %arg6[%dma_start3A_220] : memref<26624xi32, #tpu.memory_space<vmem>> -> memref<40xi32, #tpu.memory_space<vmem>>
    %dma_start3A_222 = arith.constant 0 : i32
    %dma_start3A_223 = arith.constant 0 : i32
    %dma_start3A_224 = tpu.memref_slice %arg3[%dma_start3A_222, %dma_start3A_223] : memref<1000000x128xf32, #tpu.memory_space<hbm>> -> memref<1000000x128xf32, #tpu.memory_space<hbm>>
    %dma_start3A_225 = tpu.memref_slice %arg8[%dma_start3A_215] : memref<2x!tpu.dma_semaphore, #tpu.memory_space<semaphore_mem>> -> memref<1x!tpu.dma_semaphore, #tpu.memory_space<semaphore_mem>>
    %dma_start3A_226 = tpu.memref_squeeze %dma_start3A_225 : memref<1x!tpu.dma_semaphore, #tpu.memory_space<semaphore_mem>> -> memref<!tpu.dma_semaphore, #tpu.memory_space<semaphore_mem>>
    tpu.enqueue_indirect_dma source(%dma_start3A_224 : memref<1000000x128xf32, #tpu.memory_space<hbm>>) target(%dma_start3A_219 : memref<40x128xf32, #tpu.memory_space<vmem>>) offsets(%dma_start3A_221 : memref<40xi32, #tpu.memory_space<vmem>>) semaphore(%dma_start3A_226 : memref<!tpu.dma_semaphore, #tpu.memory_space<semaphore_mem>>)
    %dma_start3A_227 = arith.constant 1 : i32
    %dma_start3A_228 = arith.constant 1 : i32
    %dma_start3A_229 = arith.constant 160 : i32
    %dma_start3A_230 = arith.constant 0 : i32
    %dma_start3A_231 = tpu.memref_slice %arg7[%dma_start3A_227, %dma_start3A_229, %dma_start3A_230] : memref<2x200x128xf32, #tpu.memory_space<vmem>> -> memref<1x40x128xf32, #tpu.memory_space<vmem>>
    %dma_start3A_232 = tpu.memref_squeeze %dma_start3A_231 : memref<1x40x128xf32, #tpu.memory_space<vmem>> -> memref<40x128xf32, #tpu.memory_space<vmem>>
    %dma_start3A_233 = arith.constant 368 : i32
    %dma_start3A_234 = tpu.memref_slice %arg6[%dma_start3A_233] : memref<26624xi32, #tpu.memory_space<vmem>> -> memref<40xi32, #tpu.memory_space<vmem>>
    %dma_start3A_235 = arith.constant 0 : i32
    %dma_start3A_236 = arith.constant 0 : i32
    %dma_start3A_237 = tpu.memref_slice %arg3[%dma_start3A_235, %dma_start3A_236] : memref<1000000x128xf32, #tpu.memory_space<hbm>> -> memref<1000000x128xf32, #tpu.memory_space<hbm>>
    %dma_start3A_238 = tpu.memref_slice %arg8[%dma_start3A_228] : memref<2x!tpu.dma_semaphore, #tpu.memory_space<semaphore_mem>> -> memref<1x!tpu.dma_semaphore, #tpu.memory_space<semaphore_mem>>
    %dma_start3A_239 = tpu.memref_squeeze %dma_start3A_238 : memref<1x!tpu.dma_semaphore, #tpu.memory_space<semaphore_mem>> -> memref<!tpu.dma_semaphore, #tpu.memory_space<semaphore_mem>>
    tpu.enqueue_indirect_dma source(%dma_start3A_237 : memref<1000000x128xf32, #tpu.memory_space<hbm>>) target(%dma_start3A_232 : memref<40x128xf32, #tpu.memory_space<vmem>>) offsets(%dma_start3A_234 : memref<40xi32, #tpu.memory_space<vmem>>) semaphore(%dma_start3A_239 : memref<!tpu.dma_semaphore, #tpu.memory_space<semaphore_mem>>)
    %scan3A_240 = arith.constant 0 : i32
    %scan3A_241 = arith.constant 0 : i32
    %scan3A_242 = arith.constant 63 : i32
    %scan3A_243 = arith.addi %scan3A_241, %scan3A_242 : i32
    %scan3A_244 = arith.constant 1 : i32
    scf.for %scan3A_463 = %scan3A_241 to %scan3A_243 step %scan3A_244  : i32 {
      %mul3A_464 = arith.constant 2 : i32
      %mul3A_465 = arith.muli %mul3A_464, %scan3A_463 : i32
      %add3A_466 = arith.constant 0 : i32
      %add3A_467 = arith.addi %mul3A_465, %add3A_466 : i32
      %mul3A_468 = arith.constant 208 : i32
      %mul3A_469 = arith.muli %add3A_467, %mul3A_468 : i32
      %add3A_470 = arith.constant 0 : i32
      %add3A_471 = arith.addi %mul3A_469, %add3A_470 : i32
      %dma_wait3A_472 = arith.constant 0 : i32
      %dma_wait3A_473 = arith.constant 0 : i32
      %dma_wait3A_474 = arith.constant 0 : i32
      %dma_wait3A_475 = arith.constant 0 : i32
      %dma_wait3A_476 = tpu.memref_slice %arg7[%dma_wait3A_472, %dma_wait3A_474, %dma_wait3A_475] : memref<2x200x128xf32, #tpu.memory_space<vmem>> -> memref<1x40x128xf32, #tpu.memory_space<vmem>>
      %dma_wait3A_477 = tpu.memref_squeeze %dma_wait3A_476 : memref<1x40x128xf32, #tpu.memory_space<vmem>> -> memref<40x128xf32, #tpu.memory_space<vmem>>
      %dma_wait3A_478 = tpu.memref_slice %arg6[%add3A_471] : memref<26624xi32, #tpu.memory_space<vmem>> -> memref<40xi32, #tpu.memory_space<vmem>>
      %dma_wait3A_479 = arith.constant 0 : i32
      %dma_wait3A_480 = arith.constant 0 : i32
      %dma_wait3A_481 = tpu.memref_slice %arg3[%dma_wait3A_479, %dma_wait3A_480] : memref<1000000x128xf32, #tpu.memory_space<hbm>> -> memref<1000000x128xf32, #tpu.memory_space<hbm>>
      %dma_wait3A_482 = tpu.memref_slice %arg8[%dma_wait3A_473] : memref<2x!tpu.dma_semaphore, #tpu.memory_space<semaphore_mem>> -> memref<1x!tpu.dma_semaphore, #tpu.memory_space<semaphore_mem>>
      %dma_wait3A_483 = tpu.memref_squeeze %dma_wait3A_482 : memref<1x!tpu.dma_semaphore, #tpu.memory_space<semaphore_mem>> -> memref<!tpu.dma_semaphore, #tpu.memory_space<semaphore_mem>>
      tpu.wait_indirect_dma semaphore(%dma_wait3A_483 : memref<!tpu.dma_semaphore, #tpu.memory_space<semaphore_mem>>) src(%dma_wait3A_481 : memref<1000000x128xf32, #tpu.memory_space<hbm>>) dst(%dma_wait3A_477 : memref<40x128xf32, #tpu.memory_space<vmem>>)
      %mul3A_484 = arith.constant 208 : i32
      %mul3A_485 = arith.muli %add3A_467, %mul3A_484 : i32
      %add3A_486 = arith.constant 40 : i32
      %add3A_487 = arith.addi %mul3A_485, %add3A_486 : i32
      %dma_wait3A_488 = arith.constant 0 : i32
      %dma_wait3A_489 = arith.constant 0 : i32
      %dma_wait3A_490 = arith.constant 40 : i32
      %dma_wait3A_491 = arith.constant 0 : i32
      %dma_wait3A_492 = tpu.memref_slice %arg7[%dma_wait3A_488, %dma_wait3A_490, %dma_wait3A_491] : memref<2x200x128xf32, #tpu.memory_space<vmem>> -> memref<1x40x128xf32, #tpu.memory_space<vmem>>
      %dma_wait3A_493 = tpu.memref_squeeze %dma_wait3A_492 : memref<1x40x128xf32, #tpu.memory_space<vmem>> -> memref<40x128xf32, #tpu.memory_space<vmem>>
      %dma_wait3A_494 = tpu.memref_slice %arg6[%add3A_487] : memref<26624xi32, #tpu.memory_space<vmem>> -> memref<40xi32, #tpu.memory_space<vmem>>
      %dma_wait3A_495 = arith.constant 0 : i32
      %dma_wait3A_496 = arith.constant 0 : i32
      %dma_wait3A_497 = tpu.memref_slice %arg3[%dma_wait3A_495, %dma_wait3A_496] : memref<1000000x128xf32, #tpu.memory_space<hbm>> -> memref<1000000x128xf32, #tpu.memory_space<hbm>>
      %dma_wait3A_498 = tpu.memref_slice %arg8[%dma_wait3A_489] : memref<2x!tpu.dma_semaphore, #tpu.memory_space<semaphore_mem>> -> memref<1x!tpu.dma_semaphore, #tpu.memory_space<semaphore_mem>>
      %dma_wait3A_499 = tpu.memref_squeeze %dma_wait3A_498 : memref<1x!tpu.dma_semaphore, #tpu.memory_space<semaphore_mem>> -> memref<!tpu.dma_semaphore, #tpu.memory_space<semaphore_mem>>
      tpu.wait_indirect_dma semaphore(%dma_wait3A_499 : memref<!tpu.dma_semaphore, #tpu.memory_space<semaphore_mem>>) src(%dma_wait3A_497 : memref<1000000x128xf32, #tpu.memory_space<hbm>>) dst(%dma_wait3A_493 : memref<40x128xf32, #tpu.memory_space<vmem>>)
      %mul3A_500 = arith.constant 208 : i32
      %mul3A_501 = arith.muli %add3A_467, %mul3A_500 : i32
      %add3A_502 = arith.constant 80 : i32
      %add3A_503 = arith.addi %mul3A_501, %add3A_502 : i32
      %dma_wait3A_504 = arith.constant 0 : i32
      %dma_wait3A_505 = arith.constant 0 : i32
      %dma_wait3A_506 = arith.constant 80 : i32
      %dma_wait3A_507 = arith.constant 0 : i32
      %dma_wait3A_508 = tpu.memref_slice %arg7[%dma_wait3A_504, %dma_wait3A_506, %dma_wait3A_507] : memref<2x200x128xf32, #tpu.memory_space<vmem>> -> memref<1x40x128xf32, #tpu.memory_space<vmem>>
      %dma_wait3A_509 = tpu.memref_squeeze %dma_wait3A_508 : memref<1x40x128xf32, #tpu.memory_space<vmem>> -> memref<40x128xf32, #tpu.memory_space<vmem>>
      %dma_wait3A_510 = tpu.memref_slice %arg6[%add3A_503] : memref<26624xi32, #tpu.memory_space<vmem>> -> memref<40xi32, #tpu.memory_space<vmem>>
      %dma_wait3A_511 = arith.constant 0 : i32
      %dma_wait3A_512 = arith.constant 0 : i32
      %dma_wait3A_513 = tpu.memref_slice %arg3[%dma_wait3A_511, %dma_wait3A_512] : memref<1000000x128xf32, #tpu.memory_space<hbm>> -> memref<1000000x128xf32, #tpu.memory_space<hbm>>
      %dma_wait3A_514 = tpu.memref_slice %arg8[%dma_wait3A_505] : memref<2x!tpu.dma_semaphore, #tpu.memory_space<semaphore_mem>> -> memref<1x!tpu.dma_semaphore, #tpu.memory_space<semaphore_mem>>
      %dma_wait3A_515 = tpu.memref_squeeze %dma_wait3A_514 : memref<1x!tpu.dma_semaphore, #tpu.memory_space<semaphore_mem>> -> memref<!tpu.dma_semaphore, #tpu.memory_space<semaphore_mem>>
      tpu.wait_indirect_dma semaphore(%dma_wait3A_515 : memref<!tpu.dma_semaphore, #tpu.memory_space<semaphore_mem>>) src(%dma_wait3A_513 : memref<1000000x128xf32, #tpu.memory_space<hbm>>) dst(%dma_wait3A_509 : memref<40x128xf32, #tpu.memory_space<vmem>>)
      %mul3A_516 = arith.constant 208 : i32
      %mul3A_517 = arith.muli %add3A_467, %mul3A_516 : i32
      %add3A_518 = arith.constant 120 : i32
      %add3A_519 = arith.addi %mul3A_517, %add3A_518 : i32
      %dma_wait3A_520 = arith.constant 0 : i32
      %dma_wait3A_521 = arith.constant 0 : i32
      %dma_wait3A_522 = arith.constant 120 : i32
      %dma_wait3A_523 = arith.constant 0 : i32
      %dma_wait3A_524 = tpu.memref_slice %arg7[%dma_wait3A_520, %dma_wait3A_522, %dma_wait3A_523] : memref<2x200x128xf32, #tpu.memory_space<vmem>> -> memref<1x40x128xf32, #tpu.memory_space<vmem>>
      %dma_wait3A_525 = tpu.memref_squeeze %dma_wait3A_524 : memref<1x40x128xf32, #tpu.memory_space<vmem>> -> memref<40x128xf32, #tpu.memory_space<vmem>>
      %dma_wait3A_526 = tpu.memref_slice %arg6[%add3A_519] : memref<26624xi32, #tpu.memory_space<vmem>> -> memref<40xi32, #tpu.memory_space<vmem>>
      %dma_wait3A_527 = arith.constant 0 : i32
      %dma_wait3A_528 = arith.constant 0 : i32
      %dma_wait3A_529 = tpu.memref_slice %arg3[%dma_wait3A_527, %dma_wait3A_528] : memref<1000000x128xf32, #tpu.memory_space<hbm>> -> memref<1000000x128xf32, #tpu.memory_space<hbm>>
      %dma_wait3A_530 = tpu.memref_slice %arg8[%dma_wait3A_521] : memref<2x!tpu.dma_semaphore, #tpu.memory_space<semaphore_mem>> -> memref<1x!tpu.dma_semaphore, #tpu.memory_space<semaphore_mem>>
      %dma_wait3A_531 = tpu.memref_squeeze %dma_wait3A_530 : memref<1x!tpu.dma_semaphore, #tpu.memory_space<semaphore_mem>> -> memref<!tpu.dma_semaphore, #tpu.memory_space<semaphore_mem>>
      tpu.wait_indirect_dma semaphore(%dma_wait3A_531 : memref<!tpu.dma_semaphore, #tpu.memory_space<semaphore_mem>>) src(%dma_wait3A_529 : memref<1000000x128xf32, #tpu.memory_space<hbm>>) dst(%dma_wait3A_525 : memref<40x128xf32, #tpu.memory_space<vmem>>)
      %mul3A_532 = arith.constant 208 : i32
      %mul3A_533 = arith.muli %add3A_467, %mul3A_532 : i32
      %add3A_534 = arith.constant 160 : i32
      %add3A_535 = arith.addi %mul3A_533, %add3A_534 : i32
      %dma_wait3A_536 = arith.constant 0 : i32
      %dma_wait3A_537 = arith.constant 0 : i32
      %dma_wait3A_538 = arith.constant 160 : i32
      %dma_wait3A_539 = arith.constant 0 : i32
      %dma_wait3A_540 = tpu.memref_slice %arg7[%dma_wait3A_536, %dma_wait3A_538, %dma_wait3A_539] : memref<2x200x128xf32, #tpu.memory_space<vmem>> -> memref<1x40x128xf32, #tpu.memory_space<vmem>>
      %dma_wait3A_541 = tpu.memref_squeeze %dma_wait3A_540 : memref<1x40x128xf32, #tpu.memory_space<vmem>> -> memref<40x128xf32, #tpu.memory_space<vmem>>
      %dma_wait3A_542 = tpu.memref_slice %arg6[%add3A_535] : memref<26624xi32, #tpu.memory_space<vmem>> -> memref<40xi32, #tpu.memory_space<vmem>>
      %dma_wait3A_543 = arith.constant 0 : i32
      %dma_wait3A_544 = arith.constant 0 : i32
      %dma_wait3A_545 = tpu.memref_slice %arg3[%dma_wait3A_543, %dma_wait3A_544] : memref<1000000x128xf32, #tpu.memory_space<hbm>> -> memref<1000000x128xf32, #tpu.memory_space<hbm>>
      %dma_wait3A_546 = tpu.memref_slice %arg8[%dma_wait3A_537] : memref<2x!tpu.dma_semaphore, #tpu.memory_space<semaphore_mem>> -> memref<1x!tpu.dma_semaphore, #tpu.memory_space<semaphore_mem>>
      %dma_wait3A_547 = tpu.memref_squeeze %dma_wait3A_546 : memref<1x!tpu.dma_semaphore, #tpu.memory_space<semaphore_mem>> -> memref<!tpu.dma_semaphore, #tpu.memory_space<semaphore_mem>>
      tpu.wait_indirect_dma semaphore(%dma_wait3A_547 : memref<!tpu.dma_semaphore, #tpu.memory_space<semaphore_mem>>) src(%dma_wait3A_545 : memref<1000000x128xf32, #tpu.memory_space<hbm>>) dst(%dma_wait3A_541 : memref<40x128xf32, #tpu.memory_space<vmem>>)
      %add3A_548 = arith.constant 0 : i32
      %add3A_549 = arith.addi %mul3A_465, %add3A_548 : i32
      %add3A_550 = arith.addi %mul3A_2, %add3A_549 : i32
      %dma_start3A_551 = arith.constant 0 : i32
      %dma_start3A_552 = arith.constant 0 : i32
      %dma_start3A_553 = arith.constant 0 : i32
      %dma_start3A_554 = arith.constant 0 : i32
      %dma_start3A_555 = tpu.memref_slice %arg7[%dma_start3A_551, %dma_start3A_553, %dma_start3A_554] : memref<2x200x128xf32, #tpu.memory_space<vmem>> -> memref<1x200x64xf32, #tpu.memory_space<vmem>>
      %dma_start3A_556 = tpu.memref_squeeze %dma_start3A_555 : memref<1x200x64xf32, #tpu.memory_space<vmem>> -> memref<200x64xf32, #tpu.memory_space<vmem>>
      %dma_start3A_557 = arith.constant 0 : i32
      %dma_start3A_558 = arith.constant 0 : i32
      %dma_start3A_559 = tpu.memref_slice %arg4[%add3A_550, %dma_start3A_557, %dma_start3A_558] : memref<4096x200x64xf32, #tpu.memory_space<hbm>> -> memref<1x200x64xf32, #tpu.memory_space<hbm>>
      %dma_start3A_560 = tpu.memref_squeeze %dma_start3A_559 : memref<1x200x64xf32, #tpu.memory_space<hbm>> -> memref<200x64xf32, #tpu.memory_space<hbm>>
      %dma_start3A_561 = tpu.memref_slice %arg9[%dma_start3A_552] : memref<2x!tpu.dma_semaphore, #tpu.memory_space<semaphore_mem>> -> memref<1x!tpu.dma_semaphore, #tpu.memory_space<semaphore_mem>>
      %dma_start3A_562 = tpu.memref_squeeze %dma_start3A_561 : memref<1x!tpu.dma_semaphore, #tpu.memory_space<semaphore_mem>> -> memref<!tpu.dma_semaphore, #tpu.memory_space<semaphore_mem>>
      %dma_start3A_563 = arith.constant 0 : i32
      %dma_start3A_564 = arith.constant 0 : i32
      %dma_start3A_565 = tpu.memref_slice %arg4[%add3A_550, %dma_start3A_563, %dma_start3A_564] : memref<4096x200x64xf32, #tpu.memory_space<hbm>> -> memref<1x200x64xf32, #tpu.memory_space<hbm>>
      %dma_start3A_566 = tpu.memref_squeeze %dma_start3A_565 : memref<1x200x64xf32, #tpu.memory_space<hbm>> -> memref<200x64xf32, #tpu.memory_space<hbm>>
      %dma_start3A_567 = arith.constant 0 : i32
      %dma_start3A_568 = arith.constant 0 : i32
      %dma_start3A_569 = tpu.memref_slice %arg7[%dma_start3A_551, %dma_start3A_567, %dma_start3A_568] : memref<2x200x128xf32, #tpu.memory_space<vmem>> -> memref<1x200x64xf32, #tpu.memory_space<vmem>>
      %dma_start3A_570 = tpu.memref_squeeze %dma_start3A_569 : memref<1x200x64xf32, #tpu.memory_space<vmem>> -> memref<200x64xf32, #tpu.memory_space<vmem>>
      tpu.enqueue_dma source(%dma_start3A_570 : memref<200x64xf32, #tpu.memory_space<vmem>>) target(%dma_start3A_566 : memref<200x64xf32, #tpu.memory_space<hbm>>) target_semaphore(%dma_start3A_562 : memref<!tpu.dma_semaphore, #tpu.memory_space<semaphore_mem>>)
      %add3A_571 = arith.constant 0 : i32
      %add3A_572 = arith.addi %mul3A_465, %add3A_571 : i32
      %add3A_573 = arith.addi %mul3A_2, %add3A_572 : i32
      %dma_wait3A_574 = arith.constant 0 : i32
      %dma_wait3A_575 = arith.constant 0 : i32
      %dma_wait3A_576 = arith.constant 0 : i32
      %dma_wait3A_577 = arith.constant 0 : i32
      %dma_wait3A_578 = tpu.memref_slice %arg7[%dma_wait3A_574, %dma_wait3A_576, %dma_wait3A_577] : memref<2x200x128xf32, #tpu.memory_space<vmem>> -> memref<1x200x64xf32, #tpu.memory_space<vmem>>
      %dma_wait3A_579 = tpu.memref_squeeze %dma_wait3A_578 : memref<1x200x64xf32, #tpu.memory_space<vmem>> -> memref<200x64xf32, #tpu.memory_space<vmem>>
      %dma_wait3A_580 = arith.constant 0 : i32
      %dma_wait3A_581 = arith.constant 0 : i32
      %dma_wait3A_582 = tpu.memref_slice %arg4[%add3A_573, %dma_wait3A_580, %dma_wait3A_581] : memref<4096x200x64xf32, #tpu.memory_space<hbm>> -> memref<1x200x64xf32, #tpu.memory_space<hbm>>
      %dma_wait3A_583 = tpu.memref_squeeze %dma_wait3A_582 : memref<1x200x64xf32, #tpu.memory_space<hbm>> -> memref<200x64xf32, #tpu.memory_space<hbm>>
      %dma_wait3A_584 = tpu.memref_slice %arg9[%dma_wait3A_575] : memref<2x!tpu.dma_semaphore, #tpu.memory_space<semaphore_mem>> -> memref<1x!tpu.dma_semaphore, #tpu.memory_space<semaphore_mem>>
      %dma_wait3A_585 = tpu.memref_squeeze %dma_wait3A_584 : memref<1x!tpu.dma_semaphore, #tpu.memory_space<semaphore_mem>> -> memref<!tpu.dma_semaphore, #tpu.memory_space<semaphore_mem>>
      %dma_wait3A_586 = arith.constant 0 : i32
      %dma_wait3A_587 = arith.constant 0 : i32
      %dma_wait3A_588 = tpu.memref_slice %arg4[%add3A_573, %dma_wait3A_586, %dma_wait3A_587] : memref<4096x200x64xf32, #tpu.memory_space<hbm>> -> memref<1x200x64xf32, #tpu.memory_space<hbm>>
      %dma_wait3A_589 = tpu.memref_squeeze %dma_wait3A_588 : memref<1x200x64xf32, #tpu.memory_space<hbm>> -> memref<200x64xf32, #tpu.memory_space<hbm>>
      %dma_wait3A_590 = arith.constant 0 : i32
      %dma_wait3A_591 = arith.constant 0 : i32
      %dma_wait3A_592 = tpu.memref_slice %arg7[%dma_wait3A_574, %dma_wait3A_590, %dma_wait3A_591] : memref<2x200x128xf32, #tpu.memory_space<vmem>> -> memref<1x200x64xf32, #tpu.memory_space<vmem>>
      %dma_wait3A_593 = tpu.memref_squeeze %dma_wait3A_592 : memref<1x200x64xf32, #tpu.memory_space<vmem>> -> memref<200x64xf32, #tpu.memory_space<vmem>>
      tpu.wait_dma2 semaphore(%dma_wait3A_585 : memref<!tpu.dma_semaphore, #tpu.memory_space<semaphore_mem>>) src(%dma_wait3A_593 : memref<200x64xf32, #tpu.memory_space<vmem>>) dst(%dma_wait3A_589 : memref<200x64xf32, #tpu.memory_space<hbm>>)
      %add3A_594 = arith.constant 0 : i32
      %add3A_595 = arith.addi %mul3A_465, %add3A_594 : i32
      %add3A_596 = arith.constant 2 : i32
      %add3A_597 = arith.addi %add3A_595, %add3A_596 : i32
      %mul3A_598 = arith.constant 208 : i32
      %mul3A_599 = arith.muli %add3A_597, %mul3A_598 : i32
      %add3A_600 = arith.constant 0 : i32
      %add3A_601 = arith.addi %mul3A_599, %add3A_600 : i32
      %dma_start3A_602 = arith.constant 0 : i32
      %dma_start3A_603 = arith.constant 0 : i32
      %dma_start3A_604 = arith.constant 0 : i32
      %dma_start3A_605 = arith.constant 0 : i32
      %dma_start3A_606 = tpu.memref_slice %arg7[%dma_start3A_602, %dma_start3A_604, %dma_start3A_605] : memref<2x200x128xf32, #tpu.memory_space<vmem>> -> memref<1x40x128xf32, #tpu.memory_space<vmem>>
      %dma_start3A_607 = tpu.memref_squeeze %dma_start3A_606 : memref<1x40x128xf32, #tpu.memory_space<vmem>> -> memref<40x128xf32, #tpu.memory_space<vmem>>
      %dma_start3A_608 = tpu.memref_slice %arg6[%add3A_601] : memref<26624xi32, #tpu.memory_space<vmem>> -> memref<40xi32, #tpu.memory_space<vmem>>
      %dma_start3A_609 = arith.constant 0 : i32
      %dma_start3A_610 = arith.constant 0 : i32
      %dma_start3A_611 = tpu.memref_slice %arg3[%dma_start3A_609, %dma_start3A_610] : memref<1000000x128xf32, #tpu.memory_space<hbm>> -> memref<1000000x128xf32, #tpu.memory_space<hbm>>
      %dma_start3A_612 = tpu.memref_slice %arg8[%dma_start3A_603] : memref<2x!tpu.dma_semaphore, #tpu.memory_space<semaphore_mem>> -> memref<1x!tpu.dma_semaphore, #tpu.memory_space<semaphore_mem>>
      %dma_start3A_613 = tpu.memref_squeeze %dma_start3A_612 : memref<1x!tpu.dma_semaphore, #tpu.memory_space<semaphore_mem>> -> memref<!tpu.dma_semaphore, #tpu.memory_space<semaphore_mem>>
      tpu.enqueue_indirect_dma source(%dma_start3A_611 : memref<1000000x128xf32, #tpu.memory_space<hbm>>) target(%dma_start3A_607 : memref<40x128xf32, #tpu.memory_space<vmem>>) offsets(%dma_start3A_608 : memref<40xi32, #tpu.memory_space<vmem>>) semaphore(%dma_start3A_613 : memref<!tpu.dma_semaphore, #tpu.memory_space<semaphore_mem>>)
      %mul3A_614 = arith.constant 208 : i32
      %mul3A_615 = arith.muli %add3A_597, %mul3A_614 : i32
      %add3A_616 = arith.constant 40 : i32
      %add3A_617 = arith.addi %mul3A_615, %add3A_616 : i32
      %dma_start3A_618 = arith.constant 0 : i32
      %dma_start3A_619 = arith.constant 0 : i32
      %dma_start3A_620 = arith.constant 40 : i32
      %dma_start3A_621 = arith.constant 0 : i32
      %dma_start3A_622 = tpu.memref_slice %arg7[%dma_start3A_618, %dma_start3A_620, %dma_start3A_621] : memref<2x200x128xf32, #tpu.memory_space<vmem>> -> memref<1x40x128xf32, #tpu.memory_space<vmem>>
      %dma_start3A_623 = tpu.memref_squeeze %dma_start3A_622 : memref<1x40x128xf32, #tpu.memory_space<vmem>> -> memref<40x128xf32, #tpu.memory_space<vmem>>
      %dma_start3A_624 = tpu.memref_slice %arg6[%add3A_617] : memref<26624xi32, #tpu.memory_space<vmem>> -> memref<40xi32, #tpu.memory_space<vmem>>
      %dma_start3A_625 = arith.constant 0 : i32
      %dma_start3A_626 = arith.constant 0 : i32
      %dma_start3A_627 = tpu.memref_slice %arg3[%dma_start3A_625, %dma_start3A_626] : memref<1000000x128xf32, #tpu.memory_space<hbm>> -> memref<1000000x128xf32, #tpu.memory_space<hbm>>
      %dma_start3A_628 = tpu.memref_slice %arg8[%dma_start3A_619] : memref<2x!tpu.dma_semaphore, #tpu.memory_space<semaphore_mem>> -> memref<1x!tpu.dma_semaphore, #tpu.memory_space<semaphore_mem>>
      %dma_start3A_629 = tpu.memref_squeeze %dma_start3A_628 : memref<1x!tpu.dma_semaphore, #tpu.memory_space<semaphore_mem>> -> memref<!tpu.dma_semaphore, #tpu.memory_space<semaphore_mem>>
      tpu.enqueue_indirect_dma source(%dma_start3A_627 : memref<1000000x128xf32, #tpu.memory_space<hbm>>) target(%dma_start3A_623 : memref<40x128xf32, #tpu.memory_space<vmem>>) offsets(%dma_start3A_624 : memref<40xi32, #tpu.memory_space<vmem>>) semaphore(%dma_start3A_629 : memref<!tpu.dma_semaphore, #tpu.memory_space<semaphore_mem>>)
      %mul3A_630 = arith.constant 208 : i32
      %mul3A_631 = arith.muli %add3A_597, %mul3A_630 : i32
      %add3A_632 = arith.constant 80 : i32
      %add3A_633 = arith.addi %mul3A_631, %add3A_632 : i32
      %dma_start3A_634 = arith.constant 0 : i32
      %dma_start3A_635 = arith.constant 0 : i32
      %dma_start3A_636 = arith.constant 80 : i32
      %dma_start3A_637 = arith.constant 0 : i32
      %dma_start3A_638 = tpu.memref_slice %arg7[%dma_start3A_634, %dma_start3A_636, %dma_start3A_637] : memref<2x200x128xf32, #tpu.memory_space<vmem>> -> memref<1x40x128xf32, #tpu.memory_space<vmem>>
      %dma_start3A_639 = tpu.memref_squeeze %dma_start3A_638 : memref<1x40x128xf32, #tpu.memory_space<vmem>> -> memref<40x128xf32, #tpu.memory_space<vmem>>
      %dma_start3A_640 = tpu.memref_slice %arg6[%add3A_633] : memref<26624xi32, #tpu.memory_space<vmem>> -> memref<40xi32, #tpu.memory_space<vmem>>
      %dma_start3A_641 = arith.constant 0 : i32
      %dma_start3A_642 = arith.constant 0 : i32
      %dma_start3A_643 = tpu.memref_slice %arg3[%dma_start3A_641, %dma_start3A_642] : memref<1000000x128xf32, #tpu.memory_space<hbm>> -> memref<1000000x128xf32, #tpu.memory_space<hbm>>
      %dma_start3A_644 = tpu.memref_slice %arg8[%dma_start3A_635] : memref<2x!tpu.dma_semaphore, #tpu.memory_space<semaphore_mem>> -> memref<1x!tpu.dma_semaphore, #tpu.memory_space<semaphore_mem>>
      %dma_start3A_645 = tpu.memref_squeeze %dma_start3A_644 : memref<1x!tpu.dma_semaphore, #tpu.memory_space<semaphore_mem>> -> memref<!tpu.dma_semaphore, #tpu.memory_space<semaphore_mem>>
      tpu.enqueue_indirect_dma source(%dma_start3A_643 : memref<1000000x128xf32, #tpu.memory_space<hbm>>) target(%dma_start3A_639 : memref<40x128xf32, #tpu.memory_space<vmem>>) offsets(%dma_start3A_640 : memref<40xi32, #tpu.memory_space<vmem>>) semaphore(%dma_start3A_645 : memref<!tpu.dma_semaphore, #tpu.memory_space<semaphore_mem>>)
      %mul3A_646 = arith.constant 208 : i32
      %mul3A_647 = arith.muli %add3A_597, %mul3A_646 : i32
      %add3A_648 = arith.constant 120 : i32
      %add3A_649 = arith.addi %mul3A_647, %add3A_648 : i32
      %dma_start3A_650 = arith.constant 0 : i32
      %dma_start3A_651 = arith.constant 0 : i32
      %dma_start3A_652 = arith.constant 120 : i32
      %dma_start3A_653 = arith.constant 0 : i32
      %dma_start3A_654 = tpu.memref_slice %arg7[%dma_start3A_650, %dma_start3A_652, %dma_start3A_653] : memref<2x200x128xf32, #tpu.memory_space<vmem>> -> memref<1x40x128xf32, #tpu.memory_space<vmem>>
      %dma_start3A_655 = tpu.memref_squeeze %dma_start3A_654 : memref<1x40x128xf32, #tpu.memory_space<vmem>> -> memref<40x128xf32, #tpu.memory_space<vmem>>
      %dma_start3A_656 = tpu.memref_slice %arg6[%add3A_649] : memref<26624xi32, #tpu.memory_space<vmem>> -> memref<40xi32, #tpu.memory_space<vmem>>
      %dma_start3A_657 = arith.constant 0 : i32
      %dma_start3A_658 = arith.constant 0 : i32
      %dma_start3A_659 = tpu.memref_slice %arg3[%dma_start3A_657, %dma_start3A_658] : memref<1000000x128xf32, #tpu.memory_space<hbm>> -> memref<1000000x128xf32, #tpu.memory_space<hbm>>
      %dma_start3A_660 = tpu.memref_slice %arg8[%dma_start3A_651] : memref<2x!tpu.dma_semaphore, #tpu.memory_space<semaphore_mem>> -> memref<1x!tpu.dma_semaphore, #tpu.memory_space<semaphore_mem>>
      %dma_start3A_661 = tpu.memref_squeeze %dma_start3A_660 : memref<1x!tpu.dma_semaphore, #tpu.memory_space<semaphore_mem>> -> memref<!tpu.dma_semaphore, #tpu.memory_space<semaphore_mem>>
      tpu.enqueue_indirect_dma source(%dma_start3A_659 : memref<1000000x128xf32, #tpu.memory_space<hbm>>) target(%dma_start3A_655 : memref<40x128xf32, #tpu.memory_space<vmem>>) offsets(%dma_start3A_656 : memref<40xi32, #tpu.memory_space<vmem>>) semaphore(%dma_start3A_661 : memref<!tpu.dma_semaphore, #tpu.memory_space<semaphore_mem>>)
      %mul3A_662 = arith.constant 208 : i32
      %mul3A_663 = arith.muli %add3A_597, %mul3A_662 : i32
      %add3A_664 = arith.constant 160 : i32
      %add3A_665 = arith.addi %mul3A_663, %add3A_664 : i32
      %dma_start3A_666 = arith.constant 0 : i32
      %dma_start3A_667 = arith.constant 0 : i32
      %dma_start3A_668 = arith.constant 160 : i32
      %dma_start3A_669 = arith.constant 0 : i32
      %dma_start3A_670 = tpu.memref_slice %arg7[%dma_start3A_666, %dma_start3A_668, %dma_start3A_669] : memref<2x200x128xf32, #tpu.memory_space<vmem>> -> memref<1x40x128xf32, #tpu.memory_space<vmem>>
      %dma_start3A_671 = tpu.memref_squeeze %dma_start3A_670 : memref<1x40x128xf32, #tpu.memory_space<vmem>> -> memref<40x128xf32, #tpu.memory_space<vmem>>
      %dma_start3A_672 = tpu.memref_slice %arg6[%add3A_665] : memref<26624xi32, #tpu.memory_space<vmem>> -> memref<40xi32, #tpu.memory_space<vmem>>
      %dma_start3A_673 = arith.constant 0 : i32
      %dma_start3A_674 = arith.constant 0 : i32
      %dma_start3A_675 = tpu.memref_slice %arg3[%dma_start3A_673, %dma_start3A_674] : memref<1000000x128xf32, #tpu.memory_space<hbm>> -> memref<1000000x128xf32, #tpu.memory_space<hbm>>
      %dma_start3A_676 = tpu.memref_slice %arg8[%dma_start3A_667] : memref<2x!tpu.dma_semaphore, #tpu.memory_space<semaphore_mem>> -> memref<1x!tpu.dma_semaphore, #tpu.memory_space<semaphore_mem>>
      %dma_start3A_677 = tpu.memref_squeeze %dma_start3A_676 : memref<1x!tpu.dma_semaphore, #tpu.memory_space<semaphore_mem>> -> memref<!tpu.dma_semaphore, #tpu.memory_space<semaphore_mem>>
      tpu.enqueue_indirect_dma source(%dma_start3A_675 : memref<1000000x128xf32, #tpu.memory_space<hbm>>) target(%dma_start3A_671 : memref<40x128xf32, #tpu.memory_space<vmem>>) offsets(%dma_start3A_672 : memref<40xi32, #tpu.memory_space<vmem>>) semaphore(%dma_start3A_677 : memref<!tpu.dma_semaphore, #tpu.memory_space<semaphore_mem>>)
      %add3A_678 = arith.constant 1 : i32
      %add3A_679 = arith.addi %mul3A_465, %add3A_678 : i32
      %mul3A_680 = arith.constant 208 : i32
      %mul3A_681 = arith.muli %add3A_679, %mul3A_680 : i32
      %add3A_682 = arith.constant 0 : i32
      %add3A_683 = arith.addi %mul3A_681, %add3A_682 : i32
      %dma_wait3A_684 = arith.constant 1 : i32
      %dma_wait3A_685 = arith.constant 1 : i32
      %dma_wait3A_686 = arith.constant 0 : i32
      %dma_wait3A_687 = arith.constant 0 : i32
      %dma_wait3A_688 = tpu.memref_slice %arg7[%dma_wait3A_684, %dma_wait3A_686, %dma_wait3A_687] : memref<2x200x128xf32, #tpu.memory_space<vmem>> -> memref<1x40x128xf32, #tpu.memory_space<vmem>>
      %dma_wait3A_689 = tpu.memref_squeeze %dma_wait3A_688 : memref<1x40x128xf32, #tpu.memory_space<vmem>> -> memref<40x128xf32, #tpu.memory_space<vmem>>
      %dma_wait3A_690 = tpu.memref_slice %arg6[%add3A_683] : memref<26624xi32, #tpu.memory_space<vmem>> -> memref<40xi32, #tpu.memory_space<vmem>>
      %dma_wait3A_691 = arith.constant 0 : i32
      %dma_wait3A_692 = arith.constant 0 : i32
      %dma_wait3A_693 = tpu.memref_slice %arg3[%dma_wait3A_691, %dma_wait3A_692] : memref<1000000x128xf32, #tpu.memory_space<hbm>> -> memref<1000000x128xf32, #tpu.memory_space<hbm>>
      %dma_wait3A_694 = tpu.memref_slice %arg8[%dma_wait3A_685] : memref<2x!tpu.dma_semaphore, #tpu.memory_space<semaphore_mem>> -> memref<1x!tpu.dma_semaphore, #tpu.memory_space<semaphore_mem>>
      %dma_wait3A_695 = tpu.memref_squeeze %dma_wait3A_694 : memref<1x!tpu.dma_semaphore, #tpu.memory_space<semaphore_mem>> -> memref<!tpu.dma_semaphore, #tpu.memory_space<semaphore_mem>>
      tpu.wait_indirect_dma semaphore(%dma_wait3A_695 : memref<!tpu.dma_semaphore, #tpu.memory_space<semaphore_mem>>) src(%dma_wait3A_693 : memref<1000000x128xf32, #tpu.memory_space<hbm>>) dst(%dma_wait3A_689 : memref<40x128xf32, #tpu.memory_space<vmem>>)
      %mul3A_696 = arith.constant 208 : i32
      %mul3A_697 = arith.muli %add3A_679, %mul3A_696 : i32
      %add3A_698 = arith.constant 40 : i32
      %add3A_699 = arith.addi %mul3A_697, %add3A_698 : i32
      %dma_wait3A_700 = arith.constant 1 : i32
      %dma_wait3A_701 = arith.constant 1 : i32
      %dma_wait3A_702 = arith.constant 40 : i32
      %dma_wait3A_703 = arith.constant 0 : i32
      %dma_wait3A_704 = tpu.memref_slice %arg7[%dma_wait3A_700, %dma_wait3A_702, %dma_wait3A_703] : memref<2x200x128xf32, #tpu.memory_space<vmem>> -> memref<1x40x128xf32, #tpu.memory_space<vmem>>
      %dma_wait3A_705 = tpu.memref_squeeze %dma_wait3A_704 : memref<1x40x128xf32, #tpu.memory_space<vmem>> -> memref<40x128xf32, #tpu.memory_space<vmem>>
      %dma_wait3A_706 = tpu.memref_slice %arg6[%add3A_699] : memref<26624xi32, #tpu.memory_space<vmem>> -> memref<40xi32, #tpu.memory_space<vmem>>
      %dma_wait3A_707 = arith.constant 0 : i32
      %dma_wait3A_708 = arith.constant 0 : i32
      %dma_wait3A_709 = tpu.memref_slice %arg3[%dma_wait3A_707, %dma_wait3A_708] : memref<1000000x128xf32, #tpu.memory_space<hbm>> -> memref<1000000x128xf32, #tpu.memory_space<hbm>>
      %dma_wait3A_710 = tpu.memref_slice %arg8[%dma_wait3A_701] : memref<2x!tpu.dma_semaphore, #tpu.memory_space<semaphore_mem>> -> memref<1x!tpu.dma_semaphore, #tpu.memory_space<semaphore_mem>>
      %dma_wait3A_711 = tpu.memref_squeeze %dma_wait3A_710 : memref<1x!tpu.dma_semaphore, #tpu.memory_space<semaphore_mem>> -> memref<!tpu.dma_semaphore, #tpu.memory_space<semaphore_mem>>
      tpu.wait_indirect_dma semaphore(%dma_wait3A_711 : memref<!tpu.dma_semaphore, #tpu.memory_space<semaphore_mem>>) src(%dma_wait3A_709 : memref<1000000x128xf32, #tpu.memory_space<hbm>>) dst(%dma_wait3A_705 : memref<40x128xf32, #tpu.memory_space<vmem>>)
      %mul3A_712 = arith.constant 208 : i32
      %mul3A_713 = arith.muli %add3A_679, %mul3A_712 : i32
      %add3A_714 = arith.constant 80 : i32
      %add3A_715 = arith.addi %mul3A_713, %add3A_714 : i32
      %dma_wait3A_716 = arith.constant 1 : i32
      %dma_wait3A_717 = arith.constant 1 : i32
      %dma_wait3A_718 = arith.constant 80 : i32
      %dma_wait3A_719 = arith.constant 0 : i32
      %dma_wait3A_720 = tpu.memref_slice %arg7[%dma_wait3A_716, %dma_wait3A_718, %dma_wait3A_719] : memref<2x200x128xf32, #tpu.memory_space<vmem>> -> memref<1x40x128xf32, #tpu.memory_space<vmem>>
      %dma_wait3A_721 = tpu.memref_squeeze %dma_wait3A_720 : memref<1x40x128xf32, #tpu.memory_space<vmem>> -> memref<40x128xf32, #tpu.memory_space<vmem>>
      %dma_wait3A_722 = tpu.memref_slice %arg6[%add3A_715] : memref<26624xi32, #tpu.memory_space<vmem>> -> memref<40xi32, #tpu.memory_space<vmem>>
      %dma_wait3A_723 = arith.constant 0 : i32
      %dma_wait3A_724 = arith.constant 0 : i32
      %dma_wait3A_725 = tpu.memref_slice %arg3[%dma_wait3A_723, %dma_wait3A_724] : memref<1000000x128xf32, #tpu.memory_space<hbm>> -> memref<1000000x128xf32, #tpu.memory_space<hbm>>
      %dma_wait3A_726 = tpu.memref_slice %arg8[%dma_wait3A_717] : memref<2x!tpu.dma_semaphore, #tpu.memory_space<semaphore_mem>> -> memref<1x!tpu.dma_semaphore, #tpu.memory_space<semaphore_mem>>
      %dma_wait3A_727 = tpu.memref_squeeze %dma_wait3A_726 : memref<1x!tpu.dma_semaphore, #tpu.memory_space<semaphore_mem>> -> memref<!tpu.dma_semaphore, #tpu.memory_space<semaphore_mem>>
      tpu.wait_indirect_dma semaphore(%dma_wait3A_727 : memref<!tpu.dma_semaphore, #tpu.memory_space<semaphore_mem>>) src(%dma_wait3A_725 : memref<1000000x128xf32, #tpu.memory_space<hbm>>) dst(%dma_wait3A_721 : memref<40x128xf32, #tpu.memory_space<vmem>>)
      %mul3A_728 = arith.constant 208 : i32
      %mul3A_729 = arith.muli %add3A_679, %mul3A_728 : i32
      %add3A_730 = arith.constant 120 : i32
      %add3A_731 = arith.addi %mul3A_729, %add3A_730 : i32
      %dma_wait3A_732 = arith.constant 1 : i32
      %dma_wait3A_733 = arith.constant 1 : i32
      %dma_wait3A_734 = arith.constant 120 : i32
      %dma_wait3A_735 = arith.constant 0 : i32
      %dma_wait3A_736 = tpu.memref_slice %arg7[%dma_wait3A_732, %dma_wait3A_734, %dma_wait3A_735] : memref<2x200x128xf32, #tpu.memory_space<vmem>> -> memref<1x40x128xf32, #tpu.memory_space<vmem>>
      %dma_wait3A_737 = tpu.memref_squeeze %dma_wait3A_736 : memref<1x40x128xf32, #tpu.memory_space<vmem>> -> memref<40x128xf32, #tpu.memory_space<vmem>>
      %dma_wait3A_738 = tpu.memref_slice %arg6[%add3A_731] : memref<26624xi32, #tpu.memory_space<vmem>> -> memref<40xi32, #tpu.memory_space<vmem>>
      %dma_wait3A_739 = arith.constant 0 : i32
      %dma_wait3A_740 = arith.constant 0 : i32
      %dma_wait3A_741 = tpu.memref_slice %arg3[%dma_wait3A_739, %dma_wait3A_740] : memref<1000000x128xf32, #tpu.memory_space<hbm>> -> memref<1000000x128xf32, #tpu.memory_space<hbm>>
      %dma_wait3A_742 = tpu.memref_slice %arg8[%dma_wait3A_733] : memref<2x!tpu.dma_semaphore, #tpu.memory_space<semaphore_mem>> -> memref<1x!tpu.dma_semaphore, #tpu.memory_space<semaphore_mem>>
      %dma_wait3A_743 = tpu.memref_squeeze %dma_wait3A_742 : memref<1x!tpu.dma_semaphore, #tpu.memory_space<semaphore_mem>> -> memref<!tpu.dma_semaphore, #tpu.memory_space<semaphore_mem>>
      tpu.wait_indirect_dma semaphore(%dma_wait3A_743 : memref<!tpu.dma_semaphore, #tpu.memory_space<semaphore_mem>>) src(%dma_wait3A_741 : memref<1000000x128xf32, #tpu.memory_space<hbm>>) dst(%dma_wait3A_737 : memref<40x128xf32, #tpu.memory_space<vmem>>)
      %mul3A_744 = arith.constant 208 : i32
      %mul3A_745 = arith.muli %add3A_679, %mul3A_744 : i32
      %add3A_746 = arith.constant 160 : i32
      %add3A_747 = arith.addi %mul3A_745, %add3A_746 : i32
      %dma_wait3A_748 = arith.constant 1 : i32
      %dma_wait3A_749 = arith.constant 1 : i32
      %dma_wait3A_750 = arith.constant 160 : i32
      %dma_wait3A_751 = arith.constant 0 : i32
      %dma_wait3A_752 = tpu.memref_slice %arg7[%dma_wait3A_748, %dma_wait3A_750, %dma_wait3A_751] : memref<2x200x128xf32, #tpu.memory_space<vmem>> -> memref<1x40x128xf32, #tpu.memory_space<vmem>>
      %dma_wait3A_753 = tpu.memref_squeeze %dma_wait3A_752 : memref<1x40x128xf32, #tpu.memory_space<vmem>> -> memref<40x128xf32, #tpu.memory_space<vmem>>
      %dma_wait3A_754 = tpu.memref_slice %arg6[%add3A_747] : memref<26624xi32, #tpu.memory_space<vmem>> -> memref<40xi32, #tpu.memory_space<vmem>>
      %dma_wait3A_755 = arith.constant 0 : i32
      %dma_wait3A_756 = arith.constant 0 : i32
      %dma_wait3A_757 = tpu.memref_slice %arg3[%dma_wait3A_755, %dma_wait3A_756] : memref<1000000x128xf32, #tpu.memory_space<hbm>> -> memref<1000000x128xf32, #tpu.memory_space<hbm>>
      %dma_wait3A_758 = tpu.memref_slice %arg8[%dma_wait3A_749] : memref<2x!tpu.dma_semaphore, #tpu.memory_space<semaphore_mem>> -> memref<1x!tpu.dma_semaphore, #tpu.memory_space<semaphore_mem>>
      %dma_wait3A_759 = tpu.memref_squeeze %dma_wait3A_758 : memref<1x!tpu.dma_semaphore, #tpu.memory_space<semaphore_mem>> -> memref<!tpu.dma_semaphore, #tpu.memory_space<semaphore_mem>>
      tpu.wait_indirect_dma semaphore(%dma_wait3A_759 : memref<!tpu.dma_semaphore, #tpu.memory_space<semaphore_mem>>) src(%dma_wait3A_757 : memref<1000000x128xf32, #tpu.memory_space<hbm>>) dst(%dma_wait3A_753 : memref<40x128xf32, #tpu.memory_space<vmem>>)
      %add3A_760 = arith.constant 1 : i32
      %add3A_761 = arith.addi %mul3A_465, %add3A_760 : i32
      %add3A_762 = arith.addi %mul3A_2, %add3A_761 : i32
      %dma_start3A_763 = arith.constant 1 : i32
      %dma_start3A_764 = arith.constant 1 : i32
      %dma_start3A_765 = arith.constant 0 : i32
      %dma_start3A_766 = arith.constant 0 : i32
      %dma_start3A_767 = tpu.memref_slice %arg7[%dma_start3A_763, %dma_start3A_765, %dma_start3A_766] : memref<2x200x128xf32, #tpu.memory_space<vmem>> -> memref<1x200x64xf32, #tpu.memory_space<vmem>>
      %dma_start3A_768 = tpu.memref_squeeze %dma_start3A_767 : memref<1x200x64xf32, #tpu.memory_space<vmem>> -> memref<200x64xf32, #tpu.memory_space<vmem>>
      %dma_start3A_769 = arith.constant 0 : i32
      %dma_start3A_770 = arith.constant 0 : i32
      %dma_start3A_771 = tpu.memref_slice %arg4[%add3A_762, %dma_start3A_769, %dma_start3A_770] : memref<4096x200x64xf32, #tpu.memory_space<hbm>> -> memref<1x200x64xf32, #tpu.memory_space<hbm>>
      %dma_start3A_772 = tpu.memref_squeeze %dma_start3A_771 : memref<1x200x64xf32, #tpu.memory_space<hbm>> -> memref<200x64xf32, #tpu.memory_space<hbm>>
      %dma_start3A_773 = tpu.memref_slice %arg9[%dma_start3A_764] : memref<2x!tpu.dma_semaphore, #tpu.memory_space<semaphore_mem>> -> memref<1x!tpu.dma_semaphore, #tpu.memory_space<semaphore_mem>>
      %dma_start3A_774 = tpu.memref_squeeze %dma_start3A_773 : memref<1x!tpu.dma_semaphore, #tpu.memory_space<semaphore_mem>> -> memref<!tpu.dma_semaphore, #tpu.memory_space<semaphore_mem>>
      %dma_start3A_775 = arith.constant 0 : i32
      %dma_start3A_776 = arith.constant 0 : i32
      %dma_start3A_777 = tpu.memref_slice %arg4[%add3A_762, %dma_start3A_775, %dma_start3A_776] : memref<4096x200x64xf32, #tpu.memory_space<hbm>> -> memref<1x200x64xf32, #tpu.memory_space<hbm>>
      %dma_start3A_778 = tpu.memref_squeeze %dma_start3A_777 : memref<1x200x64xf32, #tpu.memory_space<hbm>> -> memref<200x64xf32, #tpu.memory_space<hbm>>
      %dma_start3A_779 = arith.constant 0 : i32
      %dma_start3A_780 = arith.constant 0 : i32
      %dma_start3A_781 = tpu.memref_slice %arg7[%dma_start3A_763, %dma_start3A_779, %dma_start3A_780] : memref<2x200x128xf32, #tpu.memory_space<vmem>> -> memref<1x200x64xf32, #tpu.memory_space<vmem>>
      %dma_start3A_782 = tpu.memref_squeeze %dma_start3A_781 : memref<1x200x64xf32, #tpu.memory_space<vmem>> -> memref<200x64xf32, #tpu.memory_space<vmem>>
      tpu.enqueue_dma source(%dma_start3A_782 : memref<200x64xf32, #tpu.memory_space<vmem>>) target(%dma_start3A_778 : memref<200x64xf32, #tpu.memory_space<hbm>>) target_semaphore(%dma_start3A_774 : memref<!tpu.dma_semaphore, #tpu.memory_space<semaphore_mem>>)
      %add3A_783 = arith.constant 1 : i32
      %add3A_784 = arith.addi %mul3A_465, %add3A_783 : i32
      %add3A_785 = arith.addi %mul3A_2, %add3A_784 : i32
      %dma_wait3A_786 = arith.constant 1 : i32
      %dma_wait3A_787 = arith.constant 1 : i32
      %dma_wait3A_788 = arith.constant 0 : i32
      %dma_wait3A_789 = arith.constant 0 : i32
      %dma_wait3A_790 = tpu.memref_slice %arg7[%dma_wait3A_786, %dma_wait3A_788, %dma_wait3A_789] : memref<2x200x128xf32, #tpu.memory_space<vmem>> -> memref<1x200x64xf32, #tpu.memory_space<vmem>>
      %dma_wait3A_791 = tpu.memref_squeeze %dma_wait3A_790 : memref<1x200x64xf32, #tpu.memory_space<vmem>> -> memref<200x64xf32, #tpu.memory_space<vmem>>
      %dma_wait3A_792 = arith.constant 0 : i32
      %dma_wait3A_793 = arith.constant 0 : i32
      %dma_wait3A_794 = tpu.memref_slice %arg4[%add3A_785, %dma_wait3A_792, %dma_wait3A_793] : memref<4096x200x64xf32, #tpu.memory_space<hbm>> -> memref<1x200x64xf32, #tpu.memory_space<hbm>>
      %dma_wait3A_795 = tpu.memref_squeeze %dma_wait3A_794 : memref<1x200x64xf32, #tpu.memory_space<hbm>> -> memref<200x64xf32, #tpu.memory_space<hbm>>
      %dma_wait3A_796 = tpu.memref_slice %arg9[%dma_wait3A_787] : memref<2x!tpu.dma_semaphore, #tpu.memory_space<semaphore_mem>> -> memref<1x!tpu.dma_semaphore, #tpu.memory_space<semaphore_mem>>
      %dma_wait3A_797 = tpu.memref_squeeze %dma_wait3A_796 : memref<1x!tpu.dma_semaphore, #tpu.memory_space<semaphore_mem>> -> memref<!tpu.dma_semaphore, #tpu.memory_space<semaphore_mem>>
      %dma_wait3A_798 = arith.constant 0 : i32
      %dma_wait3A_799 = arith.constant 0 : i32
      %dma_wait3A_800 = tpu.memref_slice %arg4[%add3A_785, %dma_wait3A_798, %dma_wait3A_799] : memref<4096x200x64xf32, #tpu.memory_space<hbm>> -> memref<1x200x64xf32, #tpu.memory_space<hbm>>
      %dma_wait3A_801 = tpu.memref_squeeze %dma_wait3A_800 : memref<1x200x64xf32, #tpu.memory_space<hbm>> -> memref<200x64xf32, #tpu.memory_space<hbm>>
      %dma_wait3A_802 = arith.constant 0 : i32
      %dma_wait3A_803 = arith.constant 0 : i32
      %dma_wait3A_804 = tpu.memref_slice %arg7[%dma_wait3A_786, %dma_wait3A_802, %dma_wait3A_803] : memref<2x200x128xf32, #tpu.memory_space<vmem>> -> memref<1x200x64xf32, #tpu.memory_space<vmem>>
      %dma_wait3A_805 = tpu.memref_squeeze %dma_wait3A_804 : memref<1x200x64xf32, #tpu.memory_space<vmem>> -> memref<200x64xf32, #tpu.memory_space<vmem>>
      tpu.wait_dma2 semaphore(%dma_wait3A_797 : memref<!tpu.dma_semaphore, #tpu.memory_space<semaphore_mem>>) src(%dma_wait3A_805 : memref<200x64xf32, #tpu.memory_space<vmem>>) dst(%dma_wait3A_801 : memref<200x64xf32, #tpu.memory_space<hbm>>)
      %add3A_806 = arith.constant 1 : i32
      %add3A_807 = arith.addi %mul3A_465, %add3A_806 : i32
      %add3A_808 = arith.constant 2 : i32
      %add3A_809 = arith.addi %add3A_807, %add3A_808 : i32
      %mul3A_810 = arith.constant 208 : i32
      %mul3A_811 = arith.muli %add3A_809, %mul3A_810 : i32
      %add3A_812 = arith.constant 0 : i32
      %add3A_813 = arith.addi %mul3A_811, %add3A_812 : i32
      %dma_start3A_814 = arith.constant 1 : i32
      %dma_start3A_815 = arith.constant 1 : i32
      %dma_start3A_816 = arith.constant 0 : i32
      %dma_start3A_817 = arith.constant 0 : i32
      %dma_start3A_818 = tpu.memref_slice %arg7[%dma_start3A_814, %dma_start3A_816, %dma_start3A_817] : memref<2x200x128xf32, #tpu.memory_space<vmem>> -> memref<1x40x128xf32, #tpu.memory_space<vmem>>
      %dma_start3A_819 = tpu.memref_squeeze %dma_start3A_818 : memref<1x40x128xf32, #tpu.memory_space<vmem>> -> memref<40x128xf32, #tpu.memory_space<vmem>>
      %dma_start3A_820 = tpu.memref_slice %arg6[%add3A_813] : memref<26624xi32, #tpu.memory_space<vmem>> -> memref<40xi32, #tpu.memory_space<vmem>>
      %dma_start3A_821 = arith.constant 0 : i32
      %dma_start3A_822 = arith.constant 0 : i32
      %dma_start3A_823 = tpu.memref_slice %arg3[%dma_start3A_821, %dma_start3A_822] : memref<1000000x128xf32, #tpu.memory_space<hbm>> -> memref<1000000x128xf32, #tpu.memory_space<hbm>>
      %dma_start3A_824 = tpu.memref_slice %arg8[%dma_start3A_815] : memref<2x!tpu.dma_semaphore, #tpu.memory_space<semaphore_mem>> -> memref<1x!tpu.dma_semaphore, #tpu.memory_space<semaphore_mem>>
      %dma_start3A_825 = tpu.memref_squeeze %dma_start3A_824 : memref<1x!tpu.dma_semaphore, #tpu.memory_space<semaphore_mem>> -> memref<!tpu.dma_semaphore, #tpu.memory_space<semaphore_mem>>
      tpu.enqueue_indirect_dma source(%dma_start3A_823 : memref<1000000x128xf32, #tpu.memory_space<hbm>>) target(%dma_start3A_819 : memref<40x128xf32, #tpu.memory_space<vmem>>) offsets(%dma_start3A_820 : memref<40xi32, #tpu.memory_space<vmem>>) semaphore(%dma_start3A_825 : memref<!tpu.dma_semaphore, #tpu.memory_space<semaphore_mem>>)
      %mul3A_826 = arith.constant 208 : i32
      %mul3A_827 = arith.muli %add3A_809, %mul3A_826 : i32
      %add3A_828 = arith.constant 40 : i32
      %add3A_829 = arith.addi %mul3A_827, %add3A_828 : i32
      %dma_start3A_830 = arith.constant 1 : i32
      %dma_start3A_831 = arith.constant 1 : i32
      %dma_start3A_832 = arith.constant 40 : i32
      %dma_start3A_833 = arith.constant 0 : i32
      %dma_start3A_834 = tpu.memref_slice %arg7[%dma_start3A_830, %dma_start3A_832, %dma_start3A_833] : memref<2x200x128xf32, #tpu.memory_space<vmem>> -> memref<1x40x128xf32, #tpu.memory_space<vmem>>
      %dma_start3A_835 = tpu.memref_squeeze %dma_start3A_834 : memref<1x40x128xf32, #tpu.memory_space<vmem>> -> memref<40x128xf32, #tpu.memory_space<vmem>>
      %dma_start3A_836 = tpu.memref_slice %arg6[%add3A_829] : memref<26624xi32, #tpu.memory_space<vmem>> -> memref<40xi32, #tpu.memory_space<vmem>>
      %dma_start3A_837 = arith.constant 0 : i32
      %dma_start3A_838 = arith.constant 0 : i32
      %dma_start3A_839 = tpu.memref_slice %arg3[%dma_start3A_837, %dma_start3A_838] : memref<1000000x128xf32, #tpu.memory_space<hbm>> -> memref<1000000x128xf32, #tpu.memory_space<hbm>>
      %dma_start3A_840 = tpu.memref_slice %arg8[%dma_start3A_831] : memref<2x!tpu.dma_semaphore, #tpu.memory_space<semaphore_mem>> -> memref<1x!tpu.dma_semaphore, #tpu.memory_space<semaphore_mem>>
      %dma_start3A_841 = tpu.memref_squeeze %dma_start3A_840 : memref<1x!tpu.dma_semaphore, #tpu.memory_space<semaphore_mem>> -> memref<!tpu.dma_semaphore, #tpu.memory_space<semaphore_mem>>
      tpu.enqueue_indirect_dma source(%dma_start3A_839 : memref<1000000x128xf32, #tpu.memory_space<hbm>>) target(%dma_start3A_835 : memref<40x128xf32, #tpu.memory_space<vmem>>) offsets(%dma_start3A_836 : memref<40xi32, #tpu.memory_space<vmem>>) semaphore(%dma_start3A_841 : memref<!tpu.dma_semaphore, #tpu.memory_space<semaphore_mem>>)
      %mul3A_842 = arith.constant 208 : i32
      %mul3A_843 = arith.muli %add3A_809, %mul3A_842 : i32
      %add3A_844 = arith.constant 80 : i32
      %add3A_845 = arith.addi %mul3A_843, %add3A_844 : i32
      %dma_start3A_846 = arith.constant 1 : i32
      %dma_start3A_847 = arith.constant 1 : i32
      %dma_start3A_848 = arith.constant 80 : i32
      %dma_start3A_849 = arith.constant 0 : i32
      %dma_start3A_850 = tpu.memref_slice %arg7[%dma_start3A_846, %dma_start3A_848, %dma_start3A_849] : memref<2x200x128xf32, #tpu.memory_space<vmem>> -> memref<1x40x128xf32, #tpu.memory_space<vmem>>
      %dma_start3A_851 = tpu.memref_squeeze %dma_start3A_850 : memref<1x40x128xf32, #tpu.memory_space<vmem>> -> memref<40x128xf32, #tpu.memory_space<vmem>>
      %dma_start3A_852 = tpu.memref_slice %arg6[%add3A_845] : memref<26624xi32, #tpu.memory_space<vmem>> -> memref<40xi32, #tpu.memory_space<vmem>>
      %dma_start3A_853 = arith.constant 0 : i32
      %dma_start3A_854 = arith.constant 0 : i32
      %dma_start3A_855 = tpu.memref_slice %arg3[%dma_start3A_853, %dma_start3A_854] : memref<1000000x128xf32, #tpu.memory_space<hbm>> -> memref<1000000x128xf32, #tpu.memory_space<hbm>>
      %dma_start3A_856 = tpu.memref_slice %arg8[%dma_start3A_847] : memref<2x!tpu.dma_semaphore, #tpu.memory_space<semaphore_mem>> -> memref<1x!tpu.dma_semaphore, #tpu.memory_space<semaphore_mem>>
      %dma_start3A_857 = tpu.memref_squeeze %dma_start3A_856 : memref<1x!tpu.dma_semaphore, #tpu.memory_space<semaphore_mem>> -> memref<!tpu.dma_semaphore, #tpu.memory_space<semaphore_mem>>
      tpu.enqueue_indirect_dma source(%dma_start3A_855 : memref<1000000x128xf32, #tpu.memory_space<hbm>>) target(%dma_start3A_851 : memref<40x128xf32, #tpu.memory_space<vmem>>) offsets(%dma_start3A_852 : memref<40xi32, #tpu.memory_space<vmem>>) semaphore(%dma_start3A_857 : memref<!tpu.dma_semaphore, #tpu.memory_space<semaphore_mem>>)
      %mul3A_858 = arith.constant 208 : i32
      %mul3A_859 = arith.muli %add3A_809, %mul3A_858 : i32
      %add3A_860 = arith.constant 120 : i32
      %add3A_861 = arith.addi %mul3A_859, %add3A_860 : i32
      %dma_start3A_862 = arith.constant 1 : i32
      %dma_start3A_863 = arith.constant 1 : i32
      %dma_start3A_864 = arith.constant 120 : i32
      %dma_start3A_865 = arith.constant 0 : i32
      %dma_start3A_866 = tpu.memref_slice %arg7[%dma_start3A_862, %dma_start3A_864, %dma_start3A_865] : memref<2x200x128xf32, #tpu.memory_space<vmem>> -> memref<1x40x128xf32, #tpu.memory_space<vmem>>
      %dma_start3A_867 = tpu.memref_squeeze %dma_start3A_866 : memref<1x40x128xf32, #tpu.memory_space<vmem>> -> memref<40x128xf32, #tpu.memory_space<vmem>>
      %dma_start3A_868 = tpu.memref_slice %arg6[%add3A_861] : memref<26624xi32, #tpu.memory_space<vmem>> -> memref<40xi32, #tpu.memory_space<vmem>>
      %dma_start3A_869 = arith.constant 0 : i32
      %dma_start3A_870 = arith.constant 0 : i32
      %dma_start3A_871 = tpu.memref_slice %arg3[%dma_start3A_869, %dma_start3A_870] : memref<1000000x128xf32, #tpu.memory_space<hbm>> -> memref<1000000x128xf32, #tpu.memory_space<hbm>>
      %dma_start3A_872 = tpu.memref_slice %arg8[%dma_start3A_863] : memref<2x!tpu.dma_semaphore, #tpu.memory_space<semaphore_mem>> -> memref<1x!tpu.dma_semaphore, #tpu.memory_space<semaphore_mem>>
      %dma_start3A_873 = tpu.memref_squeeze %dma_start3A_872 : memref<1x!tpu.dma_semaphore, #tpu.memory_space<semaphore_mem>> -> memref<!tpu.dma_semaphore, #tpu.memory_space<semaphore_mem>>
      tpu.enqueue_indirect_dma source(%dma_start3A_871 : memref<1000000x128xf32, #tpu.memory_space<hbm>>) target(%dma_start3A_867 : memref<40x128xf32, #tpu.memory_space<vmem>>) offsets(%dma_start3A_868 : memref<40xi32, #tpu.memory_space<vmem>>) semaphore(%dma_start3A_873 : memref<!tpu.dma_semaphore, #tpu.memory_space<semaphore_mem>>)
      %mul3A_874 = arith.constant 208 : i32
      %mul3A_875 = arith.muli %add3A_809, %mul3A_874 : i32
      %add3A_876 = arith.constant 160 : i32
      %add3A_877 = arith.addi %mul3A_875, %add3A_876 : i32
      %dma_start3A_878 = arith.constant 1 : i32
      %dma_start3A_879 = arith.constant 1 : i32
      %dma_start3A_880 = arith.constant 160 : i32
      %dma_start3A_881 = arith.constant 0 : i32
      %dma_start3A_882 = tpu.memref_slice %arg7[%dma_start3A_878, %dma_start3A_880, %dma_start3A_881] : memref<2x200x128xf32, #tpu.memory_space<vmem>> -> memref<1x40x128xf32, #tpu.memory_space<vmem>>
      %dma_start3A_883 = tpu.memref_squeeze %dma_start3A_882 : memref<1x40x128xf32, #tpu.memory_space<vmem>> -> memref<40x128xf32, #tpu.memory_space<vmem>>
      %dma_start3A_884 = tpu.memref_slice %arg6[%add3A_877] : memref<26624xi32, #tpu.memory_space<vmem>> -> memref<40xi32, #tpu.memory_space<vmem>>
      %dma_start3A_885 = arith.constant 0 : i32
      %dma_start3A_886 = arith.constant 0 : i32
      %dma_start3A_887 = tpu.memref_slice %arg3[%dma_start3A_885, %dma_start3A_886] : memref<1000000x128xf32, #tpu.memory_space<hbm>> -> memref<1000000x128xf32, #tpu.memory_space<hbm>>
      %dma_start3A_888 = tpu.memref_slice %arg8[%dma_start3A_879] : memref<2x!tpu.dma_semaphore, #tpu.memory_space<semaphore_mem>> -> memref<1x!tpu.dma_semaphore, #tpu.memory_space<semaphore_mem>>
      %dma_start3A_889 = tpu.memref_squeeze %dma_start3A_888 : memref<1x!tpu.dma_semaphore, #tpu.memory_space<semaphore_mem>> -> memref<!tpu.dma_semaphore, #tpu.memory_space<semaphore_mem>>
      tpu.enqueue_indirect_dma source(%dma_start3A_887 : memref<1000000x128xf32, #tpu.memory_space<hbm>>) target(%dma_start3A_883 : memref<40x128xf32, #tpu.memory_space<vmem>>) offsets(%dma_start3A_884 : memref<40xi32, #tpu.memory_space<vmem>>) semaphore(%dma_start3A_889 : memref<!tpu.dma_semaphore, #tpu.memory_space<semaphore_mem>>)
    }
    %scan3A_245 = arith.constant 63 : i32
    %dma_wait3A = arith.constant 0 : i32
    %dma_wait3A_246 = arith.constant 0 : i32
    %dma_wait3A_247 = arith.constant 0 : i32
    %dma_wait3A_248 = arith.constant 0 : i32
    %dma_wait3A_249 = tpu.memref_slice %arg7[%dma_wait3A, %dma_wait3A_247, %dma_wait3A_248] : memref<2x200x128xf32, #tpu.memory_space<vmem>> -> memref<1x40x128xf32, #tpu.memory_space<vmem>>
    %dma_wait3A_250 = tpu.memref_squeeze %dma_wait3A_249 : memref<1x40x128xf32, #tpu.memory_space<vmem>> -> memref<40x128xf32, #tpu.memory_space<vmem>>
    %dma_wait3A_251 = arith.constant 26208 : i32
    %dma_wait3A_252 = tpu.memref_slice %arg6[%dma_wait3A_251] : memref<26624xi32, #tpu.memory_space<vmem>> -> memref<40xi32, #tpu.memory_space<vmem>>
    %dma_wait3A_253 = arith.constant 0 : i32
    %dma_wait3A_254 = arith.constant 0 : i32
    %dma_wait3A_255 = tpu.memref_slice %arg3[%dma_wait3A_253, %dma_wait3A_254] : memref<1000000x128xf32, #tpu.memory_space<hbm>> -> memref<1000000x128xf32, #tpu.memory_space<hbm>>
    %dma_wait3A_256 = tpu.memref_slice %arg8[%dma_wait3A_246] : memref<2x!tpu.dma_semaphore, #tpu.memory_space<semaphore_mem>> -> memref<1x!tpu.dma_semaphore, #tpu.memory_space<semaphore_mem>>
    %dma_wait3A_257 = tpu.memref_squeeze %dma_wait3A_256 : memref<1x!tpu.dma_semaphore, #tpu.memory_space<semaphore_mem>> -> memref<!tpu.dma_semaphore, #tpu.memory_space<semaphore_mem>>
    tpu.wait_indirect_dma semaphore(%dma_wait3A_257 : memref<!tpu.dma_semaphore, #tpu.memory_space<semaphore_mem>>) src(%dma_wait3A_255 : memref<1000000x128xf32, #tpu.memory_space<hbm>>) dst(%dma_wait3A_250 : memref<40x128xf32, #tpu.memory_space<vmem>>)
    %dma_wait3A_258 = arith.constant 0 : i32
    %dma_wait3A_259 = arith.constant 0 : i32
    %dma_wait3A_260 = arith.constant 40 : i32
    %dma_wait3A_261 = arith.constant 0 : i32
    %dma_wait3A_262 = tpu.memref_slice %arg7[%dma_wait3A_258, %dma_wait3A_260, %dma_wait3A_261] : memref<2x200x128xf32, #tpu.memory_space<vmem>> -> memref<1x40x128xf32, #tpu.memory_space<vmem>>
    %dma_wait3A_263 = tpu.memref_squeeze %dma_wait3A_262 : memref<1x40x128xf32, #tpu.memory_space<vmem>> -> memref<40x128xf32, #tpu.memory_space<vmem>>
    %dma_wait3A_264 = arith.constant 26248 : i32
    %dma_wait3A_265 = tpu.memref_slice %arg6[%dma_wait3A_264] : memref<26624xi32, #tpu.memory_space<vmem>> -> memref<40xi32, #tpu.memory_space<vmem>>
    %dma_wait3A_266 = arith.constant 0 : i32
    %dma_wait3A_267 = arith.constant 0 : i32
    %dma_wait3A_268 = tpu.memref_slice %arg3[%dma_wait3A_266, %dma_wait3A_267] : memref<1000000x128xf32, #tpu.memory_space<hbm>> -> memref<1000000x128xf32, #tpu.memory_space<hbm>>
    %dma_wait3A_269 = tpu.memref_slice %arg8[%dma_wait3A_259] : memref<2x!tpu.dma_semaphore, #tpu.memory_space<semaphore_mem>> -> memref<1x!tpu.dma_semaphore, #tpu.memory_space<semaphore_mem>>
    %dma_wait3A_270 = tpu.memref_squeeze %dma_wait3A_269 : memref<1x!tpu.dma_semaphore, #tpu.memory_space<semaphore_mem>> -> memref<!tpu.dma_semaphore, #tpu.memory_space<semaphore_mem>>
    tpu.wait_indirect_dma semaphore(%dma_wait3A_270 : memref<!tpu.dma_semaphore, #tpu.memory_space<semaphore_mem>>) src(%dma_wait3A_268 : memref<1000000x128xf32, #tpu.memory_space<hbm>>) dst(%dma_wait3A_263 : memref<40x128xf32, #tpu.memory_space<vmem>>)
    %dma_wait3A_271 = arith.constant 0 : i32
    %dma_wait3A_272 = arith.constant 0 : i32
    %dma_wait3A_273 = arith.constant 80 : i32
    %dma_wait3A_274 = arith.constant 0 : i32
    %dma_wait3A_275 = tpu.memref_slice %arg7[%dma_wait3A_271, %dma_wait3A_273, %dma_wait3A_274] : memref<2x200x128xf32, #tpu.memory_space<vmem>> -> memref<1x40x128xf32, #tpu.memory_space<vmem>>
    %dma_wait3A_276 = tpu.memref_squeeze %dma_wait3A_275 : memref<1x40x128xf32, #tpu.memory_space<vmem>> -> memref<40x128xf32, #tpu.memory_space<vmem>>
    %dma_wait3A_277 = arith.constant 26288 : i32
    %dma_wait3A_278 = tpu.memref_slice %arg6[%dma_wait3A_277] : memref<26624xi32, #tpu.memory_space<vmem>> -> memref<40xi32, #tpu.memory_space<vmem>>
    %dma_wait3A_279 = arith.constant 0 : i32
    %dma_wait3A_280 = arith.constant 0 : i32
    %dma_wait3A_281 = tpu.memref_slice %arg3[%dma_wait3A_279, %dma_wait3A_280] : memref<1000000x128xf32, #tpu.memory_space<hbm>> -> memref<1000000x128xf32, #tpu.memory_space<hbm>>
    %dma_wait3A_282 = tpu.memref_slice %arg8[%dma_wait3A_272] : memref<2x!tpu.dma_semaphore, #tpu.memory_space<semaphore_mem>> -> memref<1x!tpu.dma_semaphore, #tpu.memory_space<semaphore_mem>>
    %dma_wait3A_283 = tpu.memref_squeeze %dma_wait3A_282 : memref<1x!tpu.dma_semaphore, #tpu.memory_space<semaphore_mem>> -> memref<!tpu.dma_semaphore, #tpu.memory_space<semaphore_mem>>
    tpu.wait_indirect_dma semaphore(%dma_wait3A_283 : memref<!tpu.dma_semaphore, #tpu.memory_space<semaphore_mem>>) src(%dma_wait3A_281 : memref<1000000x128xf32, #tpu.memory_space<hbm>>) dst(%dma_wait3A_276 : memref<40x128xf32, #tpu.memory_space<vmem>>)
    %dma_wait3A_284 = arith.constant 0 : i32
    %dma_wait3A_285 = arith.constant 0 : i32
    %dma_wait3A_286 = arith.constant 120 : i32
    %dma_wait3A_287 = arith.constant 0 : i32
    %dma_wait3A_288 = tpu.memref_slice %arg7[%dma_wait3A_284, %dma_wait3A_286, %dma_wait3A_287] : memref<2x200x128xf32, #tpu.memory_space<vmem>> -> memref<1x40x128xf32, #tpu.memory_space<vmem>>
    %dma_wait3A_289 = tpu.memref_squeeze %dma_wait3A_288 : memref<1x40x128xf32, #tpu.memory_space<vmem>> -> memref<40x128xf32, #tpu.memory_space<vmem>>
    %dma_wait3A_290 = arith.constant 26328 : i32
    %dma_wait3A_291 = tpu.memref_slice %arg6[%dma_wait3A_290] : memref<26624xi32, #tpu.memory_space<vmem>> -> memref<40xi32, #tpu.memory_space<vmem>>
    %dma_wait3A_292 = arith.constant 0 : i32
    %dma_wait3A_293 = arith.constant 0 : i32
    %dma_wait3A_294 = tpu.memref_slice %arg3[%dma_wait3A_292, %dma_wait3A_293] : memref<1000000x128xf32, #tpu.memory_space<hbm>> -> memref<1000000x128xf32, #tpu.memory_space<hbm>>
    %dma_wait3A_295 = tpu.memref_slice %arg8[%dma_wait3A_285] : memref<2x!tpu.dma_semaphore, #tpu.memory_space<semaphore_mem>> -> memref<1x!tpu.dma_semaphore, #tpu.memory_space<semaphore_mem>>
    %dma_wait3A_296 = tpu.memref_squeeze %dma_wait3A_295 : memref<1x!tpu.dma_semaphore, #tpu.memory_space<semaphore_mem>> -> memref<!tpu.dma_semaphore, #tpu.memory_space<semaphore_mem>>
    tpu.wait_indirect_dma semaphore(%dma_wait3A_296 : memref<!tpu.dma_semaphore, #tpu.memory_space<semaphore_mem>>) src(%dma_wait3A_294 : memref<1000000x128xf32, #tpu.memory_space<hbm>>) dst(%dma_wait3A_289 : memref<40x128xf32, #tpu.memory_space<vmem>>)
    %dma_wait3A_297 = arith.constant 0 : i32
    %dma_wait3A_298 = arith.constant 0 : i32
    %dma_wait3A_299 = arith.constant 160 : i32
    %dma_wait3A_300 = arith.constant 0 : i32
    %dma_wait3A_301 = tpu.memref_slice %arg7[%dma_wait3A_297, %dma_wait3A_299, %dma_wait3A_300] : memref<2x200x128xf32, #tpu.memory_space<vmem>> -> memref<1x40x128xf32, #tpu.memory_space<vmem>>
    %dma_wait3A_302 = tpu.memref_squeeze %dma_wait3A_301 : memref<1x40x128xf32, #tpu.memory_space<vmem>> -> memref<40x128xf32, #tpu.memory_space<vmem>>
    %dma_wait3A_303 = arith.constant 26368 : i32
    %dma_wait3A_304 = tpu.memref_slice %arg6[%dma_wait3A_303] : memref<26624xi32, #tpu.memory_space<vmem>> -> memref<40xi32, #tpu.memory_space<vmem>>
    %dma_wait3A_305 = arith.constant 0 : i32
    %dma_wait3A_306 = arith.constant 0 : i32
    %dma_wait3A_307 = tpu.memref_slice %arg3[%dma_wait3A_305, %dma_wait3A_306] : memref<1000000x128xf32, #tpu.memory_space<hbm>> -> memref<1000000x128xf32, #tpu.memory_space<hbm>>
    %dma_wait3A_308 = tpu.memref_slice %arg8[%dma_wait3A_298] : memref<2x!tpu.dma_semaphore, #tpu.memory_space<semaphore_mem>> -> memref<1x!tpu.dma_semaphore, #tpu.memory_space<semaphore_mem>>
    %dma_wait3A_309 = tpu.memref_squeeze %dma_wait3A_308 : memref<1x!tpu.dma_semaphore, #tpu.memory_space<semaphore_mem>> -> memref<!tpu.dma_semaphore, #tpu.memory_space<semaphore_mem>>
    tpu.wait_indirect_dma semaphore(%dma_wait3A_309 : memref<!tpu.dma_semaphore, #tpu.memory_space<semaphore_mem>>) src(%dma_wait3A_307 : memref<1000000x128xf32, #tpu.memory_space<hbm>>) dst(%dma_wait3A_302 : memref<40x128xf32, #tpu.memory_space<vmem>>)
    %add3A_310 = arith.constant 126 : i32
    %add3A_311 = arith.addi %mul3A_2, %add3A_310 : i32
    %dma_start3A_312 = arith.constant 0 : i32
    %dma_start3A_313 = arith.constant 0 : i32
    %dma_start3A_314 = arith.constant 0 : i32
    %dma_start3A_315 = arith.constant 0 : i32
    %dma_start3A_316 = tpu.memref_slice %arg7[%dma_start3A_312, %dma_start3A_314, %dma_start3A_315] : memref<2x200x128xf32, #tpu.memory_space<vmem>> -> memref<1x200x64xf32, #tpu.memory_space<vmem>>
    %dma_start3A_317 = tpu.memref_squeeze %dma_start3A_316 : memref<1x200x64xf32, #tpu.memory_space<vmem>> -> memref<200x64xf32, #tpu.memory_space<vmem>>
    %dma_start3A_318 = arith.constant 0 : i32
    %dma_start3A_319 = arith.constant 0 : i32
    %dma_start3A_320 = tpu.memref_slice %arg4[%add3A_311, %dma_start3A_318, %dma_start3A_319] : memref<4096x200x64xf32, #tpu.memory_space<hbm>> -> memref<1x200x64xf32, #tpu.memory_space<hbm>>
    %dma_start3A_321 = tpu.memref_squeeze %dma_start3A_320 : memref<1x200x64xf32, #tpu.memory_space<hbm>> -> memref<200x64xf32, #tpu.memory_space<hbm>>
    %dma_start3A_322 = tpu.memref_slice %arg9[%dma_start3A_313] : memref<2x!tpu.dma_semaphore, #tpu.memory_space<semaphore_mem>> -> memref<1x!tpu.dma_semaphore, #tpu.memory_space<semaphore_mem>>
    %dma_start3A_323 = tpu.memref_squeeze %dma_start3A_322 : memref<1x!tpu.dma_semaphore, #tpu.memory_space<semaphore_mem>> -> memref<!tpu.dma_semaphore, #tpu.memory_space<semaphore_mem>>
    %dma_start3A_324 = arith.constant 0 : i32
    %dma_start3A_325 = arith.constant 0 : i32
    %dma_start3A_326 = tpu.memref_slice %arg4[%add3A_311, %dma_start3A_324, %dma_start3A_325] : memref<4096x200x64xf32, #tpu.memory_space<hbm>> -> memref<1x200x64xf32, #tpu.memory_space<hbm>>
    %dma_start3A_327 = tpu.memref_squeeze %dma_start3A_326 : memref<1x200x64xf32, #tpu.memory_space<hbm>> -> memref<200x64xf32, #tpu.memory_space<hbm>>
    %dma_start3A_328 = arith.constant 0 : i32
    %dma_start3A_329 = arith.constant 0 : i32
    %dma_start3A_330 = tpu.memref_slice %arg7[%dma_start3A_312, %dma_start3A_328, %dma_start3A_329] : memref<2x200x128xf32, #tpu.memory_space<vmem>> -> memref<1x200x64xf32, #tpu.memory_space<vmem>>
    %dma_start3A_331 = tpu.memref_squeeze %dma_start3A_330 : memref<1x200x64xf32, #tpu.memory_space<vmem>> -> memref<200x64xf32, #tpu.memory_space<vmem>>
    tpu.enqueue_dma source(%dma_start3A_331 : memref<200x64xf32, #tpu.memory_space<vmem>>) target(%dma_start3A_327 : memref<200x64xf32, #tpu.memory_space<hbm>>) target_semaphore(%dma_start3A_323 : memref<!tpu.dma_semaphore, #tpu.memory_space<semaphore_mem>>)
    %dma_wait3A_332 = arith.constant 1 : i32
    %dma_wait3A_333 = arith.constant 1 : i32
    %dma_wait3A_334 = arith.constant 0 : i32
    %dma_wait3A_335 = arith.constant 0 : i32
    %dma_wait3A_336 = tpu.memref_slice %arg7[%dma_wait3A_332, %dma_wait3A_334, %dma_wait3A_335] : memref<2x200x128xf32, #tpu.memory_space<vmem>> -> memref<1x40x128xf32, #tpu.memory_space<vmem>>
    %dma_wait3A_337 = tpu.memref_squeeze %dma_wait3A_336 : memref<1x40x128xf32, #tpu.memory_space<vmem>> -> memref<40x128xf32, #tpu.memory_space<vmem>>
    %dma_wait3A_338 = arith.constant 26416 : i32
    %dma_wait3A_339 = tpu.memref_slice %arg6[%dma_wait3A_338] : memref<26624xi32, #tpu.memory_space<vmem>> -> memref<40xi32, #tpu.memory_space<vmem>>
    %dma_wait3A_340 = arith.constant 0 : i32
    %dma_wait3A_341 = arith.constant 0 : i32
    %dma_wait3A_342 = tpu.memref_slice %arg3[%dma_wait3A_340, %dma_wait3A_341] : memref<1000000x128xf32, #tpu.memory_space<hbm>> -> memref<1000000x128xf32, #tpu.memory_space<hbm>>
    %dma_wait3A_343 = tpu.memref_slice %arg8[%dma_wait3A_333] : memref<2x!tpu.dma_semaphore, #tpu.memory_space<semaphore_mem>> -> memref<1x!tpu.dma_semaphore, #tpu.memory_space<semaphore_mem>>
    %dma_wait3A_344 = tpu.memref_squeeze %dma_wait3A_343 : memref<1x!tpu.dma_semaphore, #tpu.memory_space<semaphore_mem>> -> memref<!tpu.dma_semaphore, #tpu.memory_space<semaphore_mem>>
    tpu.wait_indirect_dma semaphore(%dma_wait3A_344 : memref<!tpu.dma_semaphore, #tpu.memory_space<semaphore_mem>>) src(%dma_wait3A_342 : memref<1000000x128xf32, #tpu.memory_space<hbm>>) dst(%dma_wait3A_337 : memref<40x128xf32, #tpu.memory_space<vmem>>)
    %dma_wait3A_345 = arith.constant 1 : i32
    %dma_wait3A_346 = arith.constant 1 : i32
    %dma_wait3A_347 = arith.constant 40 : i32
    %dma_wait3A_348 = arith.constant 0 : i32
    %dma_wait3A_349 = tpu.memref_slice %arg7[%dma_wait3A_345, %dma_wait3A_347, %dma_wait3A_348] : memref<2x200x128xf32, #tpu.memory_space<vmem>> -> memref<1x40x128xf32, #tpu.memory_space<vmem>>
    %dma_wait3A_350 = tpu.memref_squeeze %dma_wait3A_349 : memref<1x40x128xf32, #tpu.memory_space<vmem>> -> memref<40x128xf32, #tpu.memory_space<vmem>>
    %dma_wait3A_351 = arith.constant 26456 : i32
    %dma_wait3A_352 = tpu.memref_slice %arg6[%dma_wait3A_351] : memref<26624xi32, #tpu.memory_space<vmem>> -> memref<40xi32, #tpu.memory_space<vmem>>
    %dma_wait3A_353 = arith.constant 0 : i32
    %dma_wait3A_354 = arith.constant 0 : i32
    %dma_wait3A_355 = tpu.memref_slice %arg3[%dma_wait3A_353, %dma_wait3A_354] : memref<1000000x128xf32, #tpu.memory_space<hbm>> -> memref<1000000x128xf32, #tpu.memory_space<hbm>>
    %dma_wait3A_356 = tpu.memref_slice %arg8[%dma_wait3A_346] : memref<2x!tpu.dma_semaphore, #tpu.memory_space<semaphore_mem>> -> memref<1x!tpu.dma_semaphore, #tpu.memory_space<semaphore_mem>>
    %dma_wait3A_357 = tpu.memref_squeeze %dma_wait3A_356 : memref<1x!tpu.dma_semaphore, #tpu.memory_space<semaphore_mem>> -> memref<!tpu.dma_semaphore, #tpu.memory_space<semaphore_mem>>
    tpu.wait_indirect_dma semaphore(%dma_wait3A_357 : memref<!tpu.dma_semaphore, #tpu.memory_space<semaphore_mem>>) src(%dma_wait3A_355 : memref<1000000x128xf32, #tpu.memory_space<hbm>>) dst(%dma_wait3A_350 : memref<40x128xf32, #tpu.memory_space<vmem>>)
    %dma_wait3A_358 = arith.constant 1 : i32
    %dma_wait3A_359 = arith.constant 1 : i32
    %dma_wait3A_360 = arith.constant 80 : i32
    %dma_wait3A_361 = arith.constant 0 : i32
    %dma_wait3A_362 = tpu.memref_slice %arg7[%dma_wait3A_358, %dma_wait3A_360, %dma_wait3A_361] : memref<2x200x128xf32, #tpu.memory_space<vmem>> -> memref<1x40x128xf32, #tpu.memory_space<vmem>>
    %dma_wait3A_363 = tpu.memref_squeeze %dma_wait3A_362 : memref<1x40x128xf32, #tpu.memory_space<vmem>> -> memref<40x128xf32, #tpu.memory_space<vmem>>
    %dma_wait3A_364 = arith.constant 26496 : i32
    %dma_wait3A_365 = tpu.memref_slice %arg6[%dma_wait3A_364] : memref<26624xi32, #tpu.memory_space<vmem>> -> memref<40xi32, #tpu.memory_space<vmem>>
    %dma_wait3A_366 = arith.constant 0 : i32
    %dma_wait3A_367 = arith.constant 0 : i32
    %dma_wait3A_368 = tpu.memref_slice %arg3[%dma_wait3A_366, %dma_wait3A_367] : memref<1000000x128xf32, #tpu.memory_space<hbm>> -> memref<1000000x128xf32, #tpu.memory_space<hbm>>
    %dma_wait3A_369 = tpu.memref_slice %arg8[%dma_wait3A_359] : memref<2x!tpu.dma_semaphore, #tpu.memory_space<semaphore_mem>> -> memref<1x!tpu.dma_semaphore, #tpu.memory_space<semaphore_mem>>
    %dma_wait3A_370 = tpu.memref_squeeze %dma_wait3A_369 : memref<1x!tpu.dma_semaphore, #tpu.memory_space<semaphore_mem>> -> memref<!tpu.dma_semaphore, #tpu.memory_space<semaphore_mem>>
    tpu.wait_indirect_dma semaphore(%dma_wait3A_370 : memref<!tpu.dma_semaphore, #tpu.memory_space<semaphore_mem>>) src(%dma_wait3A_368 : memref<1000000x128xf32, #tpu.memory_space<hbm>>) dst(%dma_wait3A_363 : memref<40x128xf32, #tpu.memory_space<vmem>>)
    %dma_wait3A_371 = arith.constant 1 : i32
    %dma_wait3A_372 = arith.constant 1 : i32
    %dma_wait3A_373 = arith.constant 120 : i32
    %dma_wait3A_374 = arith.constant 0 : i32
    %dma_wait3A_375 = tpu.memref_slice %arg7[%dma_wait3A_371, %dma_wait3A_373, %dma_wait3A_374] : memref<2x200x128xf32, #tpu.memory_space<vmem>> -> memref<1x40x128xf32, #tpu.memory_space<vmem>>
    %dma_wait3A_376 = tpu.memref_squeeze %dma_wait3A_375 : memref<1x40x128xf32, #tpu.memory_space<vmem>> -> memref<40x128xf32, #tpu.memory_space<vmem>>
    %dma_wait3A_377 = arith.constant 26536 : i32
    %dma_wait3A_378 = tpu.memref_slice %arg6[%dma_wait3A_377] : memref<26624xi32, #tpu.memory_space<vmem>> -> memref<40xi32, #tpu.memory_space<vmem>>
    %dma_wait3A_379 = arith.constant 0 : i32
    %dma_wait3A_380 = arith.constant 0 : i32
    %dma_wait3A_381 = tpu.memref_slice %arg3[%dma_wait3A_379, %dma_wait3A_380] : memref<1000000x128xf32, #tpu.memory_space<hbm>> -> memref<1000000x128xf32, #tpu.memory_space<hbm>>
    %dma_wait3A_382 = tpu.memref_slice %arg8[%dma_wait3A_372] : memref<2x!tpu.dma_semaphore, #tpu.memory_space<semaphore_mem>> -> memref<1x!tpu.dma_semaphore, #tpu.memory_space<semaphore_mem>>
    %dma_wait3A_383 = tpu.memref_squeeze %dma_wait3A_382 : memref<1x!tpu.dma_semaphore, #tpu.memory_space<semaphore_mem>> -> memref<!tpu.dma_semaphore, #tpu.memory_space<semaphore_mem>>
    tpu.wait_indirect_dma semaphore(%dma_wait3A_383 : memref<!tpu.dma_semaphore, #tpu.memory_space<semaphore_mem>>) src(%dma_wait3A_381 : memref<1000000x128xf32, #tpu.memory_space<hbm>>) dst(%dma_wait3A_376 : memref<40x128xf32, #tpu.memory_space<vmem>>)
    %dma_wait3A_384 = arith.constant 1 : i32
    %dma_wait3A_385 = arith.constant 1 : i32
    %dma_wait3A_386 = arith.constant 160 : i32
    %dma_wait3A_387 = arith.constant 0 : i32
    %dma_wait3A_388 = tpu.memref_slice %arg7[%dma_wait3A_384, %dma_wait3A_386, %dma_wait3A_387] : memref<2x200x128xf32, #tpu.memory_space<vmem>> -> memref<1x40x128xf32, #tpu.memory_space<vmem>>
    %dma_wait3A_389 = tpu.memref_squeeze %dma_wait3A_388 : memref<1x40x128xf32, #tpu.memory_space<vmem>> -> memref<40x128xf32, #tpu.memory_space<vmem>>
    %dma_wait3A_390 = arith.constant 26576 : i32
    %dma_wait3A_391 = tpu.memref_slice %arg6[%dma_wait3A_390] : memref<26624xi32, #tpu.memory_space<vmem>> -> memref<40xi32, #tpu.memory_space<vmem>>
    %dma_wait3A_392 = arith.constant 0 : i32
    %dma_wait3A_393 = arith.constant 0 : i32
    %dma_wait3A_394 = tpu.memref_slice %arg3[%dma_wait3A_392, %dma_wait3A_393] : memref<1000000x128xf32, #tpu.memory_space<hbm>> -> memref<1000000x128xf32, #tpu.memory_space<hbm>>
    %dma_wait3A_395 = tpu.memref_slice %arg8[%dma_wait3A_385] : memref<2x!tpu.dma_semaphore, #tpu.memory_space<semaphore_mem>> -> memref<1x!tpu.dma_semaphore, #tpu.memory_space<semaphore_mem>>
    %dma_wait3A_396 = tpu.memref_squeeze %dma_wait3A_395 : memref<1x!tpu.dma_semaphore, #tpu.memory_space<semaphore_mem>> -> memref<!tpu.dma_semaphore, #tpu.memory_space<semaphore_mem>>
    tpu.wait_indirect_dma semaphore(%dma_wait3A_396 : memref<!tpu.dma_semaphore, #tpu.memory_space<semaphore_mem>>) src(%dma_wait3A_394 : memref<1000000x128xf32, #tpu.memory_space<hbm>>) dst(%dma_wait3A_389 : memref<40x128xf32, #tpu.memory_space<vmem>>)
    %add3A_397 = arith.constant 127 : i32
    %add3A_398 = arith.addi %mul3A_2, %add3A_397 : i32
    %dma_start3A_399 = arith.constant 1 : i32
    %dma_start3A_400 = arith.constant 1 : i32
    %dma_start3A_401 = arith.constant 0 : i32
    %dma_start3A_402 = arith.constant 0 : i32
    %dma_start3A_403 = tpu.memref_slice %arg7[%dma_start3A_399, %dma_start3A_401, %dma_start3A_402] : memref<2x200x128xf32, #tpu.memory_space<vmem>> -> memref<1x200x64xf32, #tpu.memory_space<vmem>>
    %dma_start3A_404 = tpu.memref_squeeze %dma_start3A_403 : memref<1x200x64xf32, #tpu.memory_space<vmem>> -> memref<200x64xf32, #tpu.memory_space<vmem>>
    %dma_start3A_405 = arith.constant 0 : i32
    %dma_start3A_406 = arith.constant 0 : i32
    %dma_start3A_407 = tpu.memref_slice %arg4[%add3A_398, %dma_start3A_405, %dma_start3A_406] : memref<4096x200x64xf32, #tpu.memory_space<hbm>> -> memref<1x200x64xf32, #tpu.memory_space<hbm>>
    %dma_start3A_408 = tpu.memref_squeeze %dma_start3A_407 : memref<1x200x64xf32, #tpu.memory_space<hbm>> -> memref<200x64xf32, #tpu.memory_space<hbm>>
    %dma_start3A_409 = tpu.memref_slice %arg9[%dma_start3A_400] : memref<2x!tpu.dma_semaphore, #tpu.memory_space<semaphore_mem>> -> memref<1x!tpu.dma_semaphore, #tpu.memory_space<semaphore_mem>>
    %dma_start3A_410 = tpu.memref_squeeze %dma_start3A_409 : memref<1x!tpu.dma_semaphore, #tpu.memory_space<semaphore_mem>> -> memref<!tpu.dma_semaphore, #tpu.memory_space<semaphore_mem>>
    %dma_start3A_411 = arith.constant 0 : i32
    %dma_start3A_412 = arith.constant 0 : i32
    %dma_start3A_413 = tpu.memref_slice %arg4[%add3A_398, %dma_start3A_411, %dma_start3A_412] : memref<4096x200x64xf32, #tpu.memory_space<hbm>> -> memref<1x200x64xf32, #tpu.memory_space<hbm>>
    %dma_start3A_414 = tpu.memref_squeeze %dma_start3A_413 : memref<1x200x64xf32, #tpu.memory_space<hbm>> -> memref<200x64xf32, #tpu.memory_space<hbm>>
    %dma_start3A_415 = arith.constant 0 : i32
    %dma_start3A_416 = arith.constant 0 : i32
    %dma_start3A_417 = tpu.memref_slice %arg7[%dma_start3A_399, %dma_start3A_415, %dma_start3A_416] : memref<2x200x128xf32, #tpu.memory_space<vmem>> -> memref<1x200x64xf32, #tpu.memory_space<vmem>>
    %dma_start3A_418 = tpu.memref_squeeze %dma_start3A_417 : memref<1x200x64xf32, #tpu.memory_space<vmem>> -> memref<200x64xf32, #tpu.memory_space<vmem>>
    tpu.enqueue_dma source(%dma_start3A_418 : memref<200x64xf32, #tpu.memory_space<vmem>>) target(%dma_start3A_414 : memref<200x64xf32, #tpu.memory_space<hbm>>) target_semaphore(%dma_start3A_410 : memref<!tpu.dma_semaphore, #tpu.memory_space<semaphore_mem>>)
    %add3A_419 = arith.constant 126 : i32
    %add3A_420 = arith.addi %mul3A_2, %add3A_419 : i32
    %dma_wait3A_421 = arith.constant 0 : i32
    %dma_wait3A_422 = arith.constant 0 : i32
    %dma_wait3A_423 = arith.constant 0 : i32
    %dma_wait3A_424 = arith.constant 0 : i32
    %dma_wait3A_425 = tpu.memref_slice %arg7[%dma_wait3A_421, %dma_wait3A_423, %dma_wait3A_424] : memref<2x200x128xf32, #tpu.memory_space<vmem>> -> memref<1x200x64xf32, #tpu.memory_space<vmem>>
    %dma_wait3A_426 = tpu.memref_squeeze %dma_wait3A_425 : memref<1x200x64xf32, #tpu.memory_space<vmem>> -> memref<200x64xf32, #tpu.memory_space<vmem>>
    %dma_wait3A_427 = arith.constant 0 : i32
    %dma_wait3A_428 = arith.constant 0 : i32
    %dma_wait3A_429 = tpu.memref_slice %arg4[%add3A_420, %dma_wait3A_427, %dma_wait3A_428] : memref<4096x200x64xf32, #tpu.memory_space<hbm>> -> memref<1x200x64xf32, #tpu.memory_space<hbm>>
    %dma_wait3A_430 = tpu.memref_squeeze %dma_wait3A_429 : memref<1x200x64xf32, #tpu.memory_space<hbm>> -> memref<200x64xf32, #tpu.memory_space<hbm>>
    %dma_wait3A_431 = tpu.memref_slice %arg9[%dma_wait3A_422] : memref<2x!tpu.dma_semaphore, #tpu.memory_space<semaphore_mem>> -> memref<1x!tpu.dma_semaphore, #tpu.memory_space<semaphore_mem>>
    %dma_wait3A_432 = tpu.memref_squeeze %dma_wait3A_431 : memref<1x!tpu.dma_semaphore, #tpu.memory_space<semaphore_mem>> -> memref<!tpu.dma_semaphore, #tpu.memory_space<semaphore_mem>>
    %dma_wait3A_433 = arith.constant 0 : i32
    %dma_wait3A_434 = arith.constant 0 : i32
    %dma_wait3A_435 = tpu.memref_slice %arg4[%add3A_420, %dma_wait3A_433, %dma_wait3A_434] : memref<4096x200x64xf32, #tpu.memory_space<hbm>> -> memref<1x200x64xf32, #tpu.memory_space<hbm>>
    %dma_wait3A_436 = tpu.memref_squeeze %dma_wait3A_435 : memref<1x200x64xf32, #tpu.memory_space<hbm>> -> memref<200x64xf32, #tpu.memory_space<hbm>>
    %dma_wait3A_437 = arith.constant 0 : i32
    %dma_wait3A_438 = arith.constant 0 : i32
    %dma_wait3A_439 = tpu.memref_slice %arg7[%dma_wait3A_421, %dma_wait3A_437, %dma_wait3A_438] : memref<2x200x128xf32, #tpu.memory_space<vmem>> -> memref<1x200x64xf32, #tpu.memory_space<vmem>>
    %dma_wait3A_440 = tpu.memref_squeeze %dma_wait3A_439 : memref<1x200x64xf32, #tpu.memory_space<vmem>> -> memref<200x64xf32, #tpu.memory_space<vmem>>
    tpu.wait_dma2 semaphore(%dma_wait3A_432 : memref<!tpu.dma_semaphore, #tpu.memory_space<semaphore_mem>>) src(%dma_wait3A_440 : memref<200x64xf32, #tpu.memory_space<vmem>>) dst(%dma_wait3A_436 : memref<200x64xf32, #tpu.memory_space<hbm>>)
    %add3A_441 = arith.constant 127 : i32
    %add3A_442 = arith.addi %mul3A_2, %add3A_441 : i32
    %dma_wait3A_443 = arith.constant 1 : i32
    %dma_wait3A_444 = arith.constant 1 : i32
    %dma_wait3A_445 = arith.constant 0 : i32
    %dma_wait3A_446 = arith.constant 0 : i32
    %dma_wait3A_447 = tpu.memref_slice %arg7[%dma_wait3A_443, %dma_wait3A_445, %dma_wait3A_446] : memref<2x200x128xf32, #tpu.memory_space<vmem>> -> memref<1x200x64xf32, #tpu.memory_space<vmem>>
    %dma_wait3A_448 = tpu.memref_squeeze %dma_wait3A_447 : memref<1x200x64xf32, #tpu.memory_space<vmem>> -> memref<200x64xf32, #tpu.memory_space<vmem>>
    %dma_wait3A_449 = arith.constant 0 : i32
    %dma_wait3A_450 = arith.constant 0 : i32
    %dma_wait3A_451 = tpu.memref_slice %arg4[%add3A_442, %dma_wait3A_449, %dma_wait3A_450] : memref<4096x200x64xf32, #tpu.memory_space<hbm>> -> memref<1x200x64xf32, #tpu.memory_space<hbm>>
    %dma_wait3A_452 = tpu.memref_squeeze %dma_wait3A_451 : memref<1x200x64xf32, #tpu.memory_space<hbm>> -> memref<200x64xf32, #tpu.memory_space<hbm>>
    %dma_wait3A_453 = tpu.memref_slice %arg9[%dma_wait3A_444] : memref<2x!tpu.dma_semaphore, #tpu.memory_space<semaphore_mem>> -> memref<1x!tpu.dma_semaphore, #tpu.memory_space<semaphore_mem>>
    %dma_wait3A_454 = tpu.memref_squeeze %dma_wait3A_453 : memref<1x!tpu.dma_semaphore, #tpu.memory_space<semaphore_mem>> -> memref<!tpu.dma_semaphore, #tpu.memory_space<semaphore_mem>>
    %dma_wait3A_455 = arith.constant 0 : i32
    %dma_wait3A_456 = arith.constant 0 : i32
    %dma_wait3A_457 = tpu.memref_slice %arg4[%add3A_442, %dma_wait3A_455, %dma_wait3A_456] : memref<4096x200x64xf32, #tpu.memory_space<hbm>> -> memref<1x200x64xf32, #tpu.memory_space<hbm>>
    %dma_wait3A_458 = tpu.memref_squeeze %dma_wait3A_457 : memref<1x200x64xf32, #tpu.memory_space<hbm>> -> memref<200x64xf32, #tpu.memory_space<hbm>>
    %dma_wait3A_459 = arith.constant 0 : i32
    %dma_wait3A_460 = arith.constant 0 : i32
    %dma_wait3A_461 = tpu.memref_slice %arg7[%dma_wait3A_443, %dma_wait3A_459, %dma_wait3A_460] : memref<2x200x128xf32, #tpu.memory_space<vmem>> -> memref<1x200x64xf32, #tpu.memory_space<vmem>>
    %dma_wait3A_462 = tpu.memref_squeeze %dma_wait3A_461 : memref<1x200x64xf32, #tpu.memory_space<vmem>> -> memref<200x64xf32, #tpu.memory_space<vmem>>
    tpu.wait_dma2 semaphore(%dma_wait3A_454 : memref<!tpu.dma_semaphore, #tpu.memory_space<semaphore_mem>>) src(%dma_wait3A_462 : memref<200x64xf32, #tpu.memory_space<vmem>>) dst(%dma_wait3A_458 : memref<200x64xf32, #tpu.memory_space<hbm>>)
    return
  }
}

</mosaic_0001>

<sc_bundles>
// kernel: _embedding_gather.3.cloned.1.call-start
scs
__scs_entry_jumppad:
0x0: {  	(pc) =	sbr.rel $0x88, $3  }
0x1: {  	(tag) =	ssettag $0x0;
	lr =	simm.s32 $0x1  }
0x2: {  	[smem:$0x3F9F] =	sst lr;
	_ =	strace $0xD0000000  }
0x3: {  	_ = 	snop  }
0x4: {  	_ = 	snop  }
0x5: {  	_ = 	snop  }
0x6: {  	_ = 	snop  }
0x7: {  	_ = 	snop  }
__scs_overlays_trampoline_lowered:
0x8: {  	[smem:$0x3FAE] =	sst s0  }
0x9: {  	[smem:$0x3FAF] =	sst s1  }
0xa: {  	[smem:$0x3FB0] =	sst s2  }
0xb: {  	[smem:$0x3FB1] =	sst s3  }
0xc: {  	[smem:$0x3FB2] =	sst s4  }
0xd: {  	[smem:$0x3FB3] =	sst s5  }
0xe: {  	[smem:$0x3FB4] =	sst s6  }
0xf: {  	[smem:$0x3FB5] =	sst s7  }
0x10: {  	[smem:$0x3FB6] =	sst s8  }
0x11: {  	[smem:$0x3FB7] =	sst s9;
	s0 =	simm.s32 @!p0 $0x0  }
0x12: {  	s1 =	sld [smem:$0x3F9D];
	s0 =	simm.s32 @p0 $0x1  }
0x13: {  	[smem:$0x3FB8] =	sst s0;
	s0 =	simm.s32 @!p1 $0x0  }
0x14: {  	s2 =	sld [smem:$0x3F9C];
	s0 =	simm.s32 @p1 $0x1  }
0x15: {  	[smem:$0x3FB9] =	sst s0;
	s0 =	simm.s32 @!p2 $0x0  }
0x16: {  	s3 =	sld [smem:$0x3FDB];
	s0 =	simm.s32 @p2 $0x1  }
0x17: {  	s4 =	simm.s32 $0x1BF5;
	[smem:$0x3FBB] =	sst s0  }
0x18: {  	s0 =	sld [smem:$0x3F9E];
	_ =	swait.ge [sflag:s4], $0x0  }
0x19: {  	s7 =	sld [smem:$0x3F9F]  }
0x1a: {  	s8 =	sadd.s32 $0xFFFFE003, lr  }
0x1b: {  	s9 =	sadd.s32 $0xFFFFFEF7, lr;
	s5 =	simm.s32 $0xFFFFFFFF;
	p2 =	slt.u32 s8, $0xFFFFF086  }
0x1c: {  	p1 =	slt.u32 s9, $0xF7A;
	s5 =	simm.s32 @!p2 $0x0  }
0x1d: {  	s5 =	simm.s32 @p1 $0x1;
	p0 =	seq.s32 s7, s2  }
0x1e: {  	s7 =	smul.u32 @!p0 $0xF7A, s2;
	p2 =	seq.s32 @!p0 s5, $0x0  }
0x1f: {  	s9 =	smul.u32 $0xF7A, s1;
	s8 =	simm.s32 @!p0 $0x1BF5;
	p2 =	por !p2, p0  }
0x20: {  	[sflag:s8] =	ssyncset.s32 @!p0 $0xFFFFF086;
	s6 =	sadd.s32 @!p0 s3, s7;
	s7 =	simm.s32 @!p0 $0x108  }
0x21: {  	s3 =	sadd.s32 s3, s9;
	s6 =	sadd.s32 @!p0 $0x88, s6;
	s7 =	simm.s32 @p2 $0x1082  }
0x22: {  	[simem:s7], [sflag:s8] =	dma.local @!p0 [hbm:s6], $0xF7A  }
0x23: {  	s9 =	sor.u32 $0xD0000000, s2;
	s6 =	simm.s32 $0x108;
	_ =	swait.ge @!p0 [sflag:s8], $0x0  }
0x24: {  	s3 =	sadd.s32 $0x88, s3;
	s6 =	simm.s32 @!p1 $0x1082;
	[sflag:s4] =	ssyncset.s32 $0xFFFFF086  }
0x25: {  	[simem:s6], [sflag:s4] =	dma.local [hbm:s3], $0xF7A  }
0x26: {  	[smem:$0x3F9F] =	sst s1;
	(tag) =	ssettag s2;
	_ =	strace s9  }
0x27: {  	s1 =	sld [smem:$0x3FAF]  }
0x28: {  	s2 =	sld [smem:$0x3FB0]  }
0x29: {  	s4 =	sld [smem:$0x3FB2]  }
0x2a: {  	p0 =	seq.s32 s5, $0x0;
	s5 =	sld [smem:$0x3FB3]  }
0x2b: {  	s6 =	sld [smem:$0x3FB4]  }
0x2c: {  	s7 =	sld [smem:$0x3FB5]  }
0x2d: {  	s3 =	simm.s32 $0x108;
	s8 =	sld [smem:$0x3FB6]  }
0x2e: {  	s3 =	simm.s32 @!p0 $0x1082;
	s9 =	sld [smem:$0x3FB7]  }
0x2f: {  	lr =	sadd.s32 s0, s3;
	s0 =	sld [smem:$0x3FAE]  }
0x30: {  	s3 =	sld [smem:$0x3FB1]  }
0x31: {  	[smem:$0x3FBA] =	sst s10  }
0x32: {  	s10 =	sld [smem:$0x3FB8];
	_ =	sdelay $0x3  }
0x33: {  	p0 =	seq.s32 s10, $0x1;
	s10 =	sld [smem:$0x3FBA];
	_ =	sdelay $0x3  }
0x34: {  	[smem:$0x3FBA] =	sst s10  }
0x35: {  	s10 =	sld [smem:$0x3FB9];
	_ =	sdelay $0x3  }
0x36: {  	p1 =	seq.s32 s10, $0x1;
	s10 =	sld [smem:$0x3FBA];
	_ =	sdelay $0x3  }
0x37: {  	[smem:$0x3FBA] =	sst s10  }
0x38: {  	s10 =	sld [smem:$0x3FBB]  }
0x39: {  	_ = 	snop;
	(pc) =	sbr.ind lr, $3  }
0x3a: {  	_ = 	snop  }
0x3b: {  	_ = 	snop  }
0x3c: {  	p2 =	seq.s32 s10, $0x1;
	s10 =	sld [smem:$0x3FBA]  }
0x3d: {  	_ =	shalt  }
0x3e: {  	_ =	shalt  }
0x3f: {  	_ =	shalt  }
0x40: {  	_ =	shalt  }
0x41: {  	_ =	shalt  }
0x42: {  	_ =	shalt  }
0x43: {  	_ =	shalt  }
0x44: {  	_ =	shalt  }
0x45: {  	_ =	shalt  }
0x46: {  	_ =	shalt  }
0x47: {  	_ =	shalt  }
0x48: {  	_ =	shalt  }
0x49: {  	_ =	shalt  }
0x4a: {  	_ =	shalt  }
0x4b: {  	_ =	shalt  }
0x4c: {  	_ =	shalt  }
0x4d: {  	_ =	shalt  }
0x4e: {  	_ =	shalt  }
0x4f: {  	_ =	shalt  }
0x50: {  	_ =	shalt  }
0x51: {  	_ =	shalt  }
0x52: {  	_ =	shalt  }
0x53: {  	_ =	shalt  }
0x54: {  	_ =	shalt  }
0x55: {  	_ =	shalt  }
0x56: {  	_ =	shalt  }
0x57: {  	_ =	shalt  }
0x58: {  	_ =	shalt  }
0x59: {  	_ =	shalt  }
0x5a: {  	_ =	shalt  }
0x5b: {  	_ =	shalt  }
0x5c: {  	_ =	shalt  }
0x5d: {  	_ =	shalt  }
0x5e: {  	_ =	shalt  }
0x5f: {  	_ =	shalt  }
0x60: {  	_ =	shalt  }
0x61: {  	_ =	shalt  }
0x62: {  	_ =	shalt  }
0x63: {  	_ =	shalt  }
0x64: {  	_ =	shalt  }
0x65: {  	_ =	shalt  }
0x66: {  	_ =	shalt  }
0x67: {  	_ =	shalt  }
0x68: {  	_ =	shalt  }
0x69: {  	_ =	shalt  }
0x6a: {  	_ =	shalt  }
0x6b: {  	_ =	shalt  }
0x6c: {  	_ =	shalt  }
0x6d: {  	_ =	shalt  }
0x6e: {  	_ =	shalt  }
0x6f: {  	_ =	shalt  }
0x70: {  	_ =	shalt  }
0x71: {  	_ =	shalt  }
0x72: {  	_ =	shalt  }
0x73: {  	_ =	shalt  }
0x74: {  	_ =	shalt  }
0x75: {  	_ =	shalt  }
0x76: {  	_ =	shalt  }
0x77: {  	_ =	shalt  }
0x78: {  	_ =	shalt  }
0x79: {  	_ =	shalt  }
0x7a: {  	_ =	shalt  }
0x7b: {  	_ =	shalt  }
0x7c: {  	_ =	shalt  }
0x7d: {  	_ =	shalt  }
0x7e: {  	_ =	shalt  }
0x7f: {  	_ =	shalt  }
0x80: {  	_ =	shalt  }
0x81: {  	_ =	shalt  }
0x82: {  	_ =	shalt  }
0x83: {  	_ =	shalt  }
0x84: {  	_ =	shalt  }
0x85: {  	_ =	shalt  }
0x86: {  	_ =	shalt  }
0x87: {  	_ =	shalt  }
.Lfunc_end0:
.L_simem_size_0:
called_computation_lowered:
.L_overlay_start_0:
0x88: {  	s2 =	sld [smem:$0x3FD9]  }
0x89: {  	s3 =	sld [smem:$0x3FFE];
	_ =	sdelay $0x1  }
0x8a: {  	s1 =	srdreg.scid  }
0x8b: {  	s0 =	sand.u32 $0x1, s1  }
0x8c: {  	s17 =	sshll.u32 s0, $0xA;
	s2 =	sadd.s32 s3, s2  }
0x8d: {  	s2 =	sadd.s32 s2, s17  }
0x8e: {  	[smem:$0x3FC6] =	sst s2  }
0x8f: {  	_ = 	snop  }
0x90: {  	s2 =	sld [smem:$0x3FC9]  }
0x91: {  	s18 =	sld [smem:$0x3FC8];
	(tm) =	ssettm $0x1  }
0x92: {  	s4 =	sld [smem:$0x3FFB];
	_ =	sdelay $0x3  }
0x93: {  	_ =	strace s4  }
0x94: {  	s4 =	sld [smem:$0x3FFC];
	_ =	sdelay $0x3  }
0x95: {  	_ =	strace s4  }
0x96: {  	s4 =	sld [smem:$0x3FFD];
	_ =	sdelay $0x3  }
0x97: {  	_ =	strace s4  }
0x98: {  	_ =	strace $0x8FFFFFFF  }
0x99: {  	s19 =	sld [smem:$0x3FDB];
	_ =	sdelay $0x1  }
0x9a: {  	s5 =	simm.s32 $_scs_section_size  }
0x9b: {  	s6 =	simm.s32 $_size__tile_overlayer_lowered;
	s7 =	simm.s32 $_tile_overlayer_lowered  }
0x9c: {  	s22 =	simm.s32 $0x1BFF;
	s21 =	sshll.u32 s7, $0x1;
	s4 =	sadd.s32 s5, s19  }
0x9d: {  	s8 =	simm.s32 $0x0;
	s20 =	sshll.u32 s6, $0x1;
	s6 =	sadd.s32 s21, s4  }
0x9e: {  	[timem:s8], [sflag:s22] =	dma.local [hbm:s6], s20  }
0x9f: {  	_ =	swait.ge [sflag:s22], s20  }
0xa0: {  	s5 =	ssub.s32 $0x0, s20;
	[sflag:s22] =	ssyncset.done $0x0  }
0xa1: {  	[sflag:s22] =	ssyncadd.s32 s5;
	_ =	sdelay $0x1  }
0xa2: {  	s23 =	simm.s32 $0x1B8B  }
0xa3: {  	_ =	swait.ge [sflag:s23], $0x1  }
0xa4: {  	[sflag:s23] =	ssyncset.done $0x0  }
0xa5: {  	s25 =	simm.s32 $0x1B8E;
	s24 =	sld [smem:$0x3FFE];
	[sflag:s23] =	ssyncadd.s32 $0xFFFFFFFF  }
0xa6: {  	s26 =	simm.s32 $execute0_lowered;
	[smem:$0x3FD2] =	sst s25  }
0xa7: {  	s6 =	sshll.u32 s26, $0x1;
	_ =	strace $0x80000046;
	[dreg:$0x1] =	wrdreg $0xFFFFFFFF  }
0xa8: {  	s28 =	simm.s32 $_size_execute0_lowered;
	s4 =	sadd.s32 s4, s6;
	[dreg:$0x0] =	wrdreg $0x0  }
0xa9: {  	s6 =	sshll.u32 s28, $0x1;
	[dreg:$0x2] =	wrdreg s4  }
0xaa: {  	[dreg:$0x3] =	wrdreg s6  }
0xab: {  	[dreg:$0x4] =	wrdreg $0xC0  }
0xac: {  	_ =	task [dreg:s8], $0x5FFFF  }
0xad: {  	[dreg:$0x1] =	wrdreg $0xFFFFFFFF  }
0xae: {  	[dreg:$0x0] =	wrdreg $0x60  }
0xaf: {  	[dreg:$0x2] =	wrdreg s2  }
0xb0: {  	[dreg:$0x3] =	wrdreg s18  }
0xb1: {  	[dreg:$0x4] =	wrdreg s24  }
0xb2: {  	[dreg:$0x5] =	wrdreg $0x9  }
0xb3: {  	_ =	task.clear_ibuf [dreg:s8], $0x6FFFF;
	_ =	strace $0x90000046  }
0xb4: {  	s29 =	simm.s32 $0x9;
	_ =	strace $0x80000048  }
0xb5: {  	_ =	swait.ge [sflag:s29], $0x1  }
0xb6: {  	[sflag:s29] =	ssyncadd.s32 $0xFFFFFFFF  }
0xb7: {  	_ =	strace $0x90000048  }
0xb8: {  	_ =	sfence  }
0xb9: {  	s30 =	sld [smem:$0x0];
	_ =	sdelay $0x2  }
0xba: {  	s31 =	sshll.u32 s1, $0xD;
	s1 =	sshrl.u32 s1, $0x2  }
0xbb: {  	s3 =	sand.u32 $0x4000, s31;
	s1 =	sadd.s32 s1, s30  }
0xbc: {  	s0 =	sor.u32 s3, s0;
	s1 =	sshll.u32 s1, $0x11  }
0xbd: {  	s0 =	sor.u32 s1, s0  }
0xbe: {  	s0 =	sadd.s32 $0x8F2B, s0  }
0xbf: {  	[sflag:s0] =	ssyncadd.remote.s32 $0x1  }
0xc0: {  	_ =	sfence.sel $0xFFFF  }
0xc1: {  	[dreg:$0x0] =	wrdreg $0xFFFFFFFF;
	(pc) =	sbr.abs _section_cstart, $3  }
0xc2: {  	[dreg:$0x1] =	wrdreg $0xFFFFFFFF  }
0xc3: {  	_ =	task.clear_ibuf [dreg:s8], $0x2FFFF;
	_ =	strace $0x9FFFFFFF  }
0xc4: {  	(tm) =	ssettm $0x7FFFFFFF  }
0xc5: {  	_ =	shalt  }
tec
execute0_lowered:
.L_overlay_start_1:
0x0: {  	(tag) =	ssettag $0x1  }
0x1: {  	s4 =	srdreg.scid;
	s5 =	stileid.u32  }
0x2: {  	s0 =	rddreg [dreg:$0x0];
	s4 =	sand.u32 $0x1, s4;
	s5 =	sshll.u32 s5, $0x1  }
0x3: {  	s2 =	rddreg [dreg:$0x1];
	s6 =	ssub.s32 $0x2, s4;
	s7 =	sor.u32 s4, s5  }
0x4: {  	s1 =	rddreg [dreg:$0x2];
	s8 =	sshrl.u32 s6, $0x1;
	s4 =	sshll.u32 s7, $0x7  }
0x5: {  	s3 =	simm.s32 $0x0;
	s26 =	ssub.s32 s6, s8;
	s6 =	sadd.s32 s0, s4  }
0x6: {  	[smem:$0x7FF] =	sst s3;
	s0 =	sadd.s32 $0x1000, s6  }
0x7: {  	_ =	strace $0x80000047;
	s28 =	sadd.s32 $0x2000, s6;
	[dreg:$0x4] =	wrdreg s0  }
0x8: {  	s29 =	sadd.s32 $0x3000, s6;
	[dreg:$0x5] =	wrdreg s28  }
0x9: {  	s30 =	sadd.s32 $0x4000, s6;
	[dreg:$0x6] =	wrdreg s29  }
0xa: {  	s31 =	sadd.s32 $0x5000, s6;
	[dreg:$0x7] =	wrdreg s30  }
0xb: {  	s8 =	sadd.s32 $0x6000, s6;
	[dreg:$0x8] =	wrdreg s31  }
0xc: {  	s9 =	sadd.s32 $0x7000, s6;
	[dreg:$0x9] =	wrdreg s8  }
0xd: {  	s10 =	sadd.s32 $0x8000, s6;
	[dreg:$0xa] =	wrdreg s9  }
0xe: {  	s12 =	sadd.s32 $0x9000, s6;
	[dreg:$0xb] =	wrdreg s10  }
0xf: {  	s13 =	sadd.s32 $0xA000, s6;
	[dreg:$0xc] =	wrdreg s12  }
0x10: {  	s14 =	sadd.s32 $0xB000, s6;
	[dreg:$0xd] =	wrdreg s13  }
0x11: {  	s15 =	sadd.s32 $0xC000, s6;
	[dreg:$0xe] =	wrdreg s14  }
0x12: {  	s16 =	sadd.s32 $0xD000, s6;
	[dreg:$0xf] =	wrdreg s15  }
0x13: {  	s17 =	sadd.s32 $0xE000, s6;
	[dreg:$0x10] =	wrdreg s16  }
0x14: {  	s18 =	sadd.s32 $0xF000, s6;
	[dreg:$0x11] =	wrdreg s17  }
0x15: {  	s19 =	sadd.s32 $0x10000, s6;
	[dreg:$0x12] =	wrdreg s18  }
0x16: {  	s20 =	smax.u32 s26, $0x1;
	[dreg:$0x13] =	wrdreg s19  }
0x17: {  	s21 =	sadd.s32 $0x11000, s6;
	[dreg:$0x14] =	wrdreg s20  }
0x18: {  	s22 =	sadd.s32 $0x12000, s6;
	[dreg:$0x15] =	wrdreg s21  }
0x19: {  	s11 =	smul.u32 $0x190000, s7;
	s25 =	sadd.s32 $0x13000, s6;
	[dreg:$0x16] =	wrdreg s22  }
0x1a: {  	s5 =	sadd.s32 $0x400, s1;
	s26 =	sadd.s32 $0x14000, s6;
	[dreg:$0x17] =	wrdreg s25  }
0x1b: {  	s0 =	sshrl.u32 s11, $0x3;
	[dreg:$0x18] =	wrdreg s26;
	s28 =	sadd.s32 $0x15000, s6  }
0x1c: {  	s29 =	sadd.s32 $0x16000, s6;
	s30 =	sadd.s32 $0x17000, s6;
	s31 =	sadd.s32 $0x18000, s6  }
0x1d: {  	s8 =	simm.s32 $0x5;
	s9 =	simm.s32 $0x28;
	s10 =	simm.s32 $0xD000  }
0x1e: {  	s11 =	simm.s32 $0xE400;
	s12 =	simm.s32 $0xF800;
	s13 =	simm.s32 $0x10C00  }
0x1f: {  	s14 =	simm.s32 $0x12000;
	s15 =	simm.s32 $0x13400;
	s16 =	simm.s32 $0x14800  }
0x20: {  	s17 =	simm.s32 $0x15C00;
	s18 =	simm.s32 $0x17000;
	s19 =	simm.s32 $0x18400  }
0x21: {  	s20 =	simm.s32 $0x1;
	s21 =	simm.s32 $0x3;
	[dreg:$0x19] =	wrdreg s28  }
0x22: {  	s22 =	simm.s32 $0x2;
	s25 =	simm.s32 $0x4;
	[dreg:$0x1a] =	wrdreg s29  }
0x23: {  	v0 =	vlaneseq.u32;
	s26 =	simm.s32 $0x0;
	s0 =	sadd.s32 s5, s0;
	[dreg:$0x1b] =	wrdreg s30  }
0x24: {  	v0 =	vmul.u32 $0x80, v0;
	[dreg:$0x1c] =	wrdreg s31;
	s23 =	sadd.s32 $0x31380, s0;
	s24 =	sadd.s32 $0x319C0, s0  }
.LBB2_1:
0x25: {  	[tilespmem:s3], [sflag:$0x5] =	stream.linear.gather [hbm4b:s6+s3], $0x400, $0x38;
	[tilespmem:$0x19800] =	vst v63  }
0x26: {  	_ =	swait.ge [sflag:s8], $0x400  }
0x27: {  	[sflag:s8] =	ssyncset.done $0x0  }
0x28: {  	s1 =	simm.s32 $0x400;
	s0 =	rddreg [dreg:$0x4];
	[sflag:s8] =	ssyncadd.s32 $0xFFFFFC00  }
0x29: {  	[tilespmem:s1], [sflag:$0x5] =	stream.linear.gather [hbm4b:s0+s3], $0x400, $0x38;
	[tilespmem:$0x19800] =	vst v63  }
0x2a: {  	_ =	swait.ge [sflag:s8], $0x400  }
0x2b: {  	[sflag:s8] =	ssyncset.done $0x0  }
0x2c: {  	s31 =	simm.s32 $0x800;
	s7 =	rddreg [dreg:$0x5];
	[sflag:s8] =	ssyncadd.s32 $0xFFFFFC00  }
0x2d: {  	[tilespmem:s31], [sflag:$0x5] =	stream.linear.gather [hbm4b:s7+s3], $0x400, $0x38;
	[tilespmem:$0x19800] =	vst v63  }
0x2e: {  	_ =	swait.ge [sflag:s8], $0x400  }
0x2f: {  	[sflag:s8] =	ssyncset.done $0x0  }
0x30: {  	s31 =	simm.s32 $0xC00;
	s7 =	rddreg [dreg:$0x6];
	[sflag:s8] =	ssyncadd.s32 $0xFFFFFC00  }
0x31: {  	[tilespmem:s31], [sflag:$0x5] =	stream.linear.gather [hbm4b:s7+s3], $0x400, $0x38;
	[tilespmem:$0x19800] =	vst v63  }
0x32: {  	_ =	swait.ge [sflag:s8], $0x400  }
0x33: {  	[sflag:s8] =	ssyncset.done $0x0  }
0x34: {  	s31 =	simm.s32 $0x1000;
	s7 =	rddreg [dreg:$0x7];
	[sflag:s8] =	ssyncadd.s32 $0xFFFFFC00  }
0x35: {  	[tilespmem:s31], [sflag:$0x5] =	stream.linear.gather [hbm4b:s7+s3], $0x400, $0x38;
	[tilespmem:$0x19800] =	vst v63  }
0x36: {  	_ =	swait.ge [sflag:s8], $0x400  }
0x37: {  	[sflag:s8] =	ssyncset.done $0x0  }
0x38: {  	s31 =	simm.s32 $0x1400;
	s7 =	rddreg [dreg:$0x8];
	[sflag:s8] =	ssyncadd.s32 $0xFFFFFC00  }
0x39: {  	[tilespmem:s31], [sflag:$0x5] =	stream.linear.gather [hbm4b:s7+s3], $0x400, $0x38;
	[tilespmem:$0x19800] =	vst v63  }
0x3a: {  	_ =	swait.ge [sflag:s8], $0x400  }
0x3b: {  	[sflag:s8] =	ssyncset.done $0x0  }
0x3c: {  	s31 =	simm.s32 $0x1800;
	s7 =	rddreg [dreg:$0x9];
	[sflag:s8] =	ssyncadd.s32 $0xFFFFFC00  }
0x3d: {  	[tilespmem:s31], [sflag:$0x5] =	stream.linear.gather [hbm4b:s7+s3], $0x400, $0x38;
	[tilespmem:$0x19800] =	vst v63  }
0x3e: {  	_ =	swait.ge [sflag:s8], $0x400  }
0x3f: {  	[sflag:s8] =	ssyncset.done $0x0  }
0x40: {  	s31 =	simm.s32 $0x1C00;
	s7 =	rddreg [dreg:$0xa];
	[sflag:s8] =	ssyncadd.s32 $0xFFFFFC00  }
0x41: {  	[tilespmem:s31], [sflag:$0x5] =	stream.linear.gather [hbm4b:s7+s3], $0x400, $0x38;
	[tilespmem:$0x19800] =	vst v63  }
0x42: {  	_ =	swait.ge [sflag:s8], $0x400  }
0x43: {  	[sflag:s8] =	ssyncset.done $0x0  }
0x44: {  	s31 =	simm.s32 $0x2000;
	s7 =	rddreg [dreg:$0xb];
	[sflag:s8] =	ssyncadd.s32 $0xFFFFFC00  }
0x45: {  	[tilespmem:s31], [sflag:$0x5] =	stream.linear.gather [hbm4b:s7+s3], $0x400, $0x38;
	[tilespmem:$0x19800] =	vst v63  }
0x46: {  	_ =	swait.ge [sflag:s8], $0x400  }
0x47: {  	[sflag:s8] =	ssyncset.done $0x0  }
0x48: {  	s31 =	simm.s32 $0x2400;
	s7 =	rddreg [dreg:$0xc];
	[sflag:s8] =	ssyncadd.s32 $0xFFFFFC00  }
0x49: {  	[tilespmem:s31], [sflag:$0x5] =	stream.linear.gather [hbm4b:s7+s3], $0x400, $0x38;
	[tilespmem:$0x19800] =	vst v63  }
0x4a: {  	_ =	swait.ge [sflag:s8], $0x400  }
0x4b: {  	[sflag:s8] =	ssyncset.done $0x0  }
0x4c: {  	s31 =	simm.s32 $0x2800;
	s7 =	rddreg [dreg:$0xd];
	[sflag:s8] =	ssyncadd.s32 $0xFFFFFC00  }
0x4d: {  	[tilespmem:s31], [sflag:$0x5] =	stream.linear.gather [hbm4b:s7+s3], $0x400, $0x38;
	[tilespmem:$0x19800] =	vst v63  }
0x4e: {  	_ =	swait.ge [sflag:s8], $0x400  }
0x4f: {  	[sflag:s8] =	ssyncset.done $0x0  }
0x50: {  	s31 =	simm.s32 $0x2C00;
	s7 =	rddreg [dreg:$0xe];
	[sflag:s8] =	ssyncadd.s32 $0xFFFFFC00  }
0x51: {  	[tilespmem:s31], [sflag:$0x5] =	stream.linear.gather [hbm4b:s7+s3], $0x400, $0x38;
	[tilespmem:$0x19800] =	vst v63  }
0x52: {  	_ =	swait.ge [sflag:s8], $0x400  }
0x53: {  	[sflag:s8] =	ssyncset.done $0x0  }
0x54: {  	s31 =	simm.s32 $0x3000;
	s7 =	rddreg [dreg:$0xf];
	[sflag:s8] =	ssyncadd.s32 $0xFFFFFC00  }
0x55: {  	[tilespmem:s31], [sflag:$0x5] =	stream.linear.gather [hbm4b:s7+s3], $0x400, $0x38;
	[tilespmem:$0x19800] =	vst v63  }
0x56: {  	_ =	swait.ge [sflag:s8], $0x400  }
0x57: {  	[sflag:s8] =	ssyncset.done $0x0  }
0x58: {  	s31 =	simm.s32 $0x3400;
	s7 =	rddreg [dreg:$0x10];
	[sflag:s8] =	ssyncadd.s32 $0xFFFFFC00  }
0x59: {  	[tilespmem:s31], [sflag:$0x5] =	stream.linear.gather [hbm4b:s7+s3], $0x400, $0x38;
	[tilespmem:$0x19800] =	vst v63  }
0x5a: {  	_ =	swait.ge [sflag:s8], $0x400  }
0x5b: {  	[sflag:s8] =	ssyncset.done $0x0  }
0x5c: {  	s31 =	simm.s32 $0x3800;
	s7 =	rddreg [dreg:$0x11];
	[sflag:s8] =	ssyncadd.s32 $0xFFFFFC00  }
0x5d: {  	[tilespmem:s31], [sflag:$0x5] =	stream.linear.gather [hbm4b:s7+s3], $0x400, $0x38;
	[tilespmem:$0x19800] =	vst v63  }
0x5e: {  	_ =	swait.ge [sflag:s8], $0x400  }
0x5f: {  	[sflag:s8] =	ssyncset.done $0x0  }
0x60: {  	s31 =	simm.s32 $0x3C00;
	s7 =	rddreg [dreg:$0x12];
	[sflag:s8] =	ssyncadd.s32 $0xFFFFFC00  }
0x61: {  	[tilespmem:s31], [sflag:$0x5] =	stream.linear.gather [hbm4b:s7+s3], $0x400, $0x38;
	[tilespmem:$0x19800] =	vst v63  }
0x62: {  	_ =	swait.ge [sflag:s8], $0x400  }
0x63: {  	[sflag:s8] =	ssyncset.done $0x0  }
0x64: {  	s31 =	simm.s32 $0x4000;
	s7 =	rddreg [dreg:$0x13];
	[sflag:s8] =	ssyncadd.s32 $0xFFFFFC00  }
0x65: {  	[tilespmem:s31], [sflag:$0x5] =	stream.linear.gather [hbm4b:s7+s3], $0x400, $0x38;
	[tilespmem:$0x19800] =	vst v63  }
0x66: {  	_ =	swait.ge [sflag:s8], $0x400  }
0x67: {  	[sflag:s8] =	ssyncset.done $0x0  }
0x68: {  	s31 =	simm.s32 $0x4400;
	s7 =	rddreg [dreg:$0x15];
	[sflag:s8] =	ssyncadd.s32 $0xFFFFFC00  }
0x69: {  	[tilespmem:s31], [sflag:$0x5] =	stream.linear.gather [hbm4b:s7+s3], $0x400, $0x38;
	[tilespmem:$0x19800] =	vst v63  }
0x6a: {  	_ =	swait.ge [sflag:s8], $0x400  }
0x6b: {  	[sflag:s8] =	ssyncset.done $0x0  }
0x6c: {  	s31 =	simm.s32 $0x4800;
	s7 =	rddreg [dreg:$0x16];
	[sflag:s8] =	ssyncadd.s32 $0xFFFFFC00  }
0x6d: {  	[tilespmem:s31], [sflag:$0x5] =	stream.linear.gather [hbm4b:s7+s3], $0x400, $0x38;
	[tilespmem:$0x19800] =	vst v63  }
0x6e: {  	_ =	swait.ge [sflag:s8], $0x400  }
0x6f: {  	[sflag:s8] =	ssyncset.done $0x0  }
0x70: {  	s31 =	simm.s32 $0x4C00;
	s7 =	rddreg [dreg:$0x17];
	[sflag:s8] =	ssyncadd.s32 $0xFFFFFC00  }
0x71: {  	[tilespmem:s31], [sflag:$0x5] =	stream.linear.gather [hbm4b:s7+s3], $0x400, $0x38;
	[tilespmem:$0x19800] =	vst v63  }
0x72: {  	_ =	swait.ge [sflag:s8], $0x400  }
0x73: {  	[sflag:s8] =	ssyncset.done $0x0  }
0x74: {  	s31 =	simm.s32 $0x5000;
	s7 =	rddreg [dreg:$0x18];
	[sflag:s8] =	ssyncadd.s32 $0xFFFFFC00  }
0x75: {  	[tilespmem:s31], [sflag:$0x5] =	stream.linear.gather [hbm4b:s7+s3], $0x400, $0x38;
	[tilespmem:$0x19800] =	vst v63  }
0x76: {  	_ =	swait.ge [sflag:s8], $0x400  }
0x77: {  	[sflag:s8] =	ssyncset.done $0x0  }
0x78: {  	s31 =	simm.s32 $0x5400;
	s7 =	rddreg [dreg:$0x19];
	[sflag:s8] =	ssyncadd.s32 $0xFFFFFC00  }
0x79: {  	[tilespmem:s31], [sflag:$0x5] =	stream.linear.gather [hbm4b:s7+s3], $0x400, $0x38;
	[tilespmem:$0x19800] =	vst v63  }
0x7a: {  	_ =	swait.ge [sflag:s8], $0x400  }
0x7b: {  	[sflag:s8] =	ssyncset.done $0x0  }
0x7c: {  	s31 =	simm.s32 $0x5800;
	s7 =	rddreg [dreg:$0x1a];
	[sflag:s8] =	ssyncadd.s32 $0xFFFFFC00  }
0x7d: {  	[tilespmem:s31], [sflag:$0x5] =	stream.linear.gather [hbm4b:s7+s3], $0x400, $0x38;
	[tilespmem:$0x19800] =	vst v63  }
0x7e: {  	_ =	swait.ge [sflag:s8], $0x400  }
0x7f: {  	[sflag:s8] =	ssyncset.done $0x0  }
0x80: {  	s31 =	simm.s32 $0x5C00;
	s7 =	rddreg [dreg:$0x1b];
	[sflag:s8] =	ssyncadd.s32 $0xFFFFFC00  }
0x81: {  	[tilespmem:s31], [sflag:$0x5] =	stream.linear.gather [hbm4b:s7+s3], $0x400, $0x38;
	[tilespmem:$0x19800] =	vst v63  }
0x82: {  	_ =	swait.ge [sflag:s8], $0x400  }
0x83: {  	[sflag:s8] =	ssyncset.done $0x0  }
0x84: {  	v1 =	vor.u32 s3, v0;
	s31 =	simm.s32 $0x6000;
	s7 =	rddreg [dreg:$0x1c];
	[sflag:s8] =	ssyncadd.s32 $0xFFFFFC00  }
0x85: {  	[tilespmem:s31], [sflag:$0x5] =	stream.linear.gather [hbm4b:s7+s3], $0x400, $0x38;
	[tilespmem:$0x19800] =	vst v63  }
0x86: {  	_ =	swait.ge [sflag:s8], $0x400  }
0x87: {  	[sflag:s8] =	ssyncset.done $0x0  }
0x88: {  	[sflag:s8] =	ssyncadd.s32 $0xFFFFFC00  }
0x89: {  	s1 =	simm.s32 $0x800;
	v1 =	vld.idx.msk [tilespmem:v1+s3+$0x0], $0xffff  }
0x8a: {  	v2 =	vor.u32 s1, v0;
	_ =	sdelay $0x2  }
0x8b: {  	s28 =	simm.s32 $0x6860  }
0x8c: {  	[tilespmem:s28+$0xFFFFFFA0] =	vst v1  }
0x8d: {  	s7 =	simm.s32 $0x1000;
	v1 =	vld.idx.msk [tilespmem:v2+s3+$0x0], $0xffff  }
0x8e: {  	v2 =	vor.u32 s7, v0;
	_ =	sdelay $0x3  }
0x8f: {  	[tilespmem:s28+$0xFFFFFFB0] =	vst v1  }
0x90: {  	s31 =	simm.s32 $0x1800;
	v1 =	vld.idx.msk [tilespmem:v2+s3+$0x0], $0xffff  }
0x91: {  	v2 =	vor.u32 s31, v0;
	_ =	sdelay $0x3  }
0x92: {  	[tilespmem:s28+$0xFFFFFFC0] =	vst v1  }
0x93: {  	s1 =	simm.s32 $0x2000;
	v1 =	vld.idx.msk [tilespmem:v2+s3+$0x0], $0xffff  }
0x94: {  	v2 =	vor.u32 s1, v0;
	_ =	sdelay $0x3  }
0x95: {  	[tilespmem:s28+$0xFFFFFFD0] =	vst v1  }
0x96: {  	s7 =	simm.s32 $0x2800;
	v1 =	vld.idx.msk [tilespmem:v2+s3+$0x0], $0xffff  }
0x97: {  	v2 =	vor.u32 s7, v0;
	_ =	sdelay $0x3  }
0x98: {  	[tilespmem:s28+$0xFFFFFFE0] =	vst v1  }
0x99: {  	s31 =	simm.s32 $0x3000;
	v1 =	vld.idx.msk [tilespmem:v2+s3+$0x0], $0xffff  }
0x9a: {  	v2 =	vor.u32 s31, v0;
	_ =	sdelay $0x3  }
0x9b: {  	[tilespmem:s28+$0xFFFFFFF0] =	vst v1  }
0x9c: {  	s1 =	simm.s32 $0x3800;
	v1 =	vld.idx.msk [tilespmem:v2+s3+$0x0], $0xffff  }
0x9d: {  	v2 =	vor.u32 s1, v0;
	_ =	sdelay $0x3  }
0x9e: {  	[tilespmem:s28+$0x0] =	vst v1  }
0x9f: {  	s7 =	simm.s32 $0x4000;
	v1 =	vld.idx.msk [tilespmem:v2+s3+$0x0], $0xffff  }
0xa0: {  	v2 =	vor.u32 s7, v0;
	_ =	sdelay $0x3  }
0xa1: {  	[tilespmem:s28+$0x10] =	vst v1  }
0xa2: {  	s31 =	simm.s32 $0x4800;
	v1 =	vld.idx.msk [tilespmem:v2+s3+$0x0], $0xffff  }
0xa3: {  	v2 =	vor.u32 s31, v0;
	_ =	sdelay $0x3  }
0xa4: {  	[tilespmem:s28+$0x20] =	vst v1  }
0xa5: {  	s1 =	simm.s32 $0x5000;
	v1 =	vld.idx.msk [tilespmem:v2+s3+$0x0], $0xffff  }
0xa6: {  	v2 =	vor.u32 s1, v0;
	_ =	sdelay $0x3  }
0xa7: {  	[tilespmem:s28+$0x30] =	vst v1  }
0xa8: {  	s7 =	simm.s32 $0x5800;
	v1 =	vld.idx.msk [tilespmem:v2+s3+$0x0], $0xffff  }
0xa9: {  	v2 =	vor.u32 s7, v0;
	_ =	sdelay $0x3  }
0xaa: {  	[tilespmem:s28+$0x40] =	vst v1  }
0xab: {  	s31 =	simm.s32 $0x6000;
	v1 =	vld.idx.msk [tilespmem:v2+s3+$0x0], $0xffff  }
0xac: {  	v2 =	vor.u32 s31, v0;
	_ =	sdelay $0x3  }
0xad: {  	[tilespmem:s28+$0x50] =	vst v1  }
0xae: {  	s29 =	simm.s32 $0x1;
	v1 =	vld.idx.msk [tilespmem:v2+s3+$0x0], $0xffff  }
0xaf: {  	s30 =	simm.s32 $0x2;
	v2 =	vor.u32 s29, v0  }
.LBB2_2:
0xb0: {  	p0 =	sne.s32 s30, $0x7F;
	_ =	sdelay $0x2  }
0xb1: {  	[tilespmem:s28+$0x60] =	vst v1  }
0xb2: {  	v1 =	vld.idx.msk [tilespmem:v2+s3+$0x0], $0xffff  }
0xb3: {  	s0 =	sadd.s32 $0x800, s29  }
0xb4: {  	v2 =	vor.u32 s0, v0;
	_ =	sdelay $0x2  }
0xb5: {  	s28 =	sadd.s32 $0xD0, s28  }
0xb6: {  	[tilespmem:s28+$0xFFFFFFA0] =	vst v1  }
0xb7: {  	v1 =	vld.idx.msk [tilespmem:v2+s3+$0x0], $0xffff  }
0xb8: {  	s0 =	sadd.s32 $0x1000, s29  }
0xb9: {  	v2 =	vor.u32 s0, v0;
	_ =	sdelay $0x3  }
0xba: {  	[tilespmem:s28+$0xFFFFFFB0] =	vst v1  }
0xbb: {  	v1 =	vld.idx.msk [tilespmem:v2+s3+$0x0], $0xffff  }
0xbc: {  	s0 =	sadd.s32 $0x1800, s29  }
0xbd: {  	v2 =	vor.u32 s0, v0;
	_ =	sdelay $0x3  }
0xbe: {  	[tilespmem:s28+$0xFFFFFFC0] =	vst v1  }
0xbf: {  	v1 =	vld.idx.msk [tilespmem:v2+s3+$0x0], $0xffff  }
0xc0: {  	s0 =	sadd.s32 $0x2000, s29  }
0xc1: {  	v2 =	vor.u32 s0, v0;
	_ =	sdelay $0x3  }
0xc2: {  	[tilespmem:s28+$0xFFFFFFD0] =	vst v1  }
0xc3: {  	v1 =	vld.idx.msk [tilespmem:v2+s3+$0x0], $0xffff  }
0xc4: {  	s0 =	sadd.s32 $0x2800, s29  }
0xc5: {  	v2 =	vor.u32 s0, v0;
	_ =	sdelay $0x3  }
0xc6: {  	[tilespmem:s28+$0xFFFFFFE0] =	vst v1  }
0xc7: {  	v1 =	vld.idx.msk [tilespmem:v2+s3+$0x0], $0xffff  }
0xc8: {  	s0 =	sadd.s32 $0x3000, s29  }
0xc9: {  	v2 =	vor.u32 s0, v0;
	_ =	sdelay $0x3  }
0xca: {  	[tilespmem:s28+$0xFFFFFFF0] =	vst v1  }
0xcb: {  	v1 =	vld.idx.msk [tilespmem:v2+s3+$0x0], $0xffff  }
0xcc: {  	s0 =	sadd.s32 $0x3800, s29  }
0xcd: {  	v2 =	vor.u32 s0, v0;
	_ =	sdelay $0x3  }
0xce: {  	[tilespmem:s28+$0x0] =	vst v1  }
0xcf: {  	v1 =	vld.idx.msk [tilespmem:v2+s3+$0x0], $0xffff  }
0xd0: {  	s0 =	sadd.s32 $0x4000, s29  }
0xd1: {  	v2 =	vor.u32 s0, v0;
	_ =	sdelay $0x3  }
0xd2: {  	[tilespmem:s28+$0x10] =	vst v1  }
0xd3: {  	v1 =	vld.idx.msk [tilespmem:v2+s3+$0x0], $0xffff  }
0xd4: {  	s0 =	sadd.s32 $0x4800, s29  }
0xd5: {  	v2 =	vor.u32 s0, v0;
	_ =	sdelay $0x3  }
0xd6: {  	[tilespmem:s28+$0x20] =	vst v1  }
0xd7: {  	v1 =	vld.idx.msk [tilespmem:v2+s3+$0x0], $0xffff  }
0xd8: {  	s0 =	sadd.s32 $0x5000, s29  }
0xd9: {  	v2 =	vor.u32 s0, v0;
	_ =	sdelay $0x3  }
0xda: {  	[tilespmem:s28+$0x30] =	vst v1  }
0xdb: {  	v1 =	vld.idx.msk [tilespmem:v2+s3+$0x0], $0xffff  }
0xdc: {  	s0 =	sadd.s32 $0x5800, s29  }
0xdd: {  	v2 =	vor.u32 s0, v0;
	_ =	sdelay $0x3  }
0xde: {  	[tilespmem:s28+$0x40] =	vst v1  }
0xdf: {  	v1 =	vld.idx.msk [tilespmem:v2+s3+$0x0], $0xffff  }
0xe0: {  	s0 =	sadd.s32 $0x6000, s29;
	s29 =	smov.u32 s30  }
0xe1: {  	v2 =	vor.u32 s0, v0;
	_ =	sdelay $0x2  }
.Ltmp0:
0xe2: {  	(pc) =	sbr.rel @p0 .LBB2_2-.Ltmp0, $3  }
0xe3: {  	[tilespmem:s28+$0x50] =	vst v1  }
0xe4: {  	v1 =	vld.idx.msk [tilespmem:v2+s3+$0x0], $0xffff;
	_ =	sdelay $0x1  }
0xe5: {  	s30 =	sadd.s32 $0x1, s30;
	v2 =	vor.u32 s29, v0  }
0xe6: {  	_ =	sdelay $0x2  }
0xe7: {  	[tilespmem:s28+$0x60] =	vst v1  }
0xe8: {  	s0 =	sadd.s32 $0x800, s29;
	v1 =	vld.idx.msk [tilespmem:v2+s3+$0x0], $0xffff  }
0xe9: {  	v2 =	vor.u32 s0, v0;
	_ =	sdelay $0x2  }
0xea: {  	s0 =	sadd.s32 $0xD0, s28  }
0xeb: {  	[tilespmem:s0+$0xFFFFFFA0] =	vst v1  }
0xec: {  	s1 =	sadd.s32 $0x1000, s29;
	v1 =	vld.idx.msk [tilespmem:v2+s3+$0x0], $0xffff  }
0xed: {  	v2 =	vor.u32 s1, v0;
	_ =	sdelay $0x3  }
0xee: {  	[tilespmem:s0+$0xFFFFFFB0] =	vst v1  }
0xef: {  	s31 =	sadd.s32 $0x1800, s29;
	v1 =	vld.idx.msk [tilespmem:v2+s3+$0x0], $0xffff  }
0xf0: {  	v2 =	vor.u32 s31, v0;
	_ =	sdelay $0x3  }
0xf1: {  	[tilespmem:s0+$0xFFFFFFC0] =	vst v1  }
0xf2: {  	s7 =	sadd.s32 $0x2000, s29;
	v1 =	vld.idx.msk [tilespmem:v2+s3+$0x0], $0xffff  }
0xf3: {  	v2 =	vor.u32 s7, v0;
	_ =	sdelay $0x3  }
0xf4: {  	[tilespmem:s0+$0xFFFFFFD0] =	vst v1  }
0xf5: {  	s30 =	sadd.s32 $0x2800, s29;
	v1 =	vld.idx.msk [tilespmem:v2+s3+$0x0], $0xffff  }
0xf6: {  	v2 =	vor.u32 s30, v0;
	_ =	sdelay $0x3  }
0xf7: {  	[tilespmem:s0+$0xFFFFFFE0] =	vst v1  }
0xf8: {  	s31 =	sadd.s32 $0x3000, s29;
	v1 =	vld.idx.msk [tilespmem:v2+s3+$0x0], $0xffff  }
0xf9: {  	v2 =	vor.u32 s31, v0;
	_ =	sdelay $0x3  }
0xfa: {  	[tilespmem:s0+$0xFFFFFFF0] =	vst v1  }
0xfb: {  	s7 =	sadd.s32 $0x3800, s29;
	v1 =	vld.idx.msk [tilespmem:v2+s3+$0x0], $0xffff  }
0xfc: {  	v2 =	vor.u32 s7, v0;
	_ =	sdelay $0x3  }
0xfd: {  	[tilespmem:s0+$0x0] =	vst v1  }
0xfe: {  	s30 =	sadd.s32 $0x4000, s29;
	v1 =	vld.idx.msk [tilespmem:v2+s3+$0x0], $0xffff  }
0xff: {  	v2 =	vor.u32 s30, v0;
	_ =	sdelay $0x3  }
0x100: {  	[tilespmem:s0+$0x10] =	vst v1  }
0x101: {  	s31 =	sadd.s32 $0x4800, s29;
	v1 =	vld.idx.msk [tilespmem:v2+s3+$0x0], $0xffff  }
0x102: {  	v2 =	vor.u32 s31, v0;
	_ =	sdelay $0x3  }
0x103: {  	[tilespmem:s0+$0x20] =	vst v1  }
0x104: {  	s7 =	sadd.s32 $0x5000, s29;
	v1 =	vld.idx.msk [tilespmem:v2+s3+$0x0], $0xffff  }
0x105: {  	v2 =	vor.u32 s7, v0;
	_ =	sdelay $0x3  }
0x106: {  	[tilespmem:s0+$0x30] =	vst v1  }
0x107: {  	s30 =	sadd.s32 $0x5800, s29;
	v1 =	vld.idx.msk [tilespmem:v2+s3+$0x0], $0xffff  }
0x108: {  	v2 =	vor.u32 s30, v0;
	_ =	sdelay $0x3  }
0x109: {  	[tilespmem:s0+$0x40] =	vst v1  }
0x10a: {  	s31 =	sadd.s32 $0x6000, s29;
	v1 =	vld.idx.msk [tilespmem:v2+s3+$0x0], $0xffff  }
0x10b: {  	v2 =	vor.u32 s31, v0;
	_ =	sdelay $0x3  }
0x10c: {  	[tilespmem:s0+$0x50] =	vst v1  }
0x10d: {  	v1 =	vld.idx.msk [tilespmem:v2+s3+$0x0], $0xffff;
	_ =	sdelay $0x4  }
0x10e: {  	s1 =	simm.s32 $0x6800;
	[tilespmem:s0+$0x60] =	vst v1  }
0x10f: {  	[tilespmem:s10], [sflag:$0x1] =	stream.indirect.gather [hbm4b:s2+s9], $0x80, s1, s9, $0xb8;
	[tilespmem:$0x19800] =	vst v63  }
0x110: {  	s7 =	simm.s32 $0x6828  }
0x111: {  	[tilespmem:s11], [sflag:$0x1] =	stream.indirect.gather [hbm4b:s2+s9], $0x80, s7, s9, $0xb8;
	[tilespmem:$0x19800] =	vst v63  }
0x112: {  	s29 =	simm.s32 $0x6850  }
0x113: {  	[tilespmem:s12], [sflag:$0x1] =	stream.indirect.gather [hbm4b:s2+s9], $0x80, s29, s9, $0xb8;
	[tilespmem:$0x19800] =	vst v63  }
0x114: {  	s30 =	simm.s32 $0x6878  }
0x115: {  	[tilespmem:s13], [sflag:$0x1] =	stream.indirect.gather [hbm4b:s2+s9], $0x80, s30, s9, $0xb8;
	[tilespmem:$0x19800] =	vst v63  }
0x116: {  	s31 =	simm.s32 $0x68A0  }
0x117: {  	[tilespmem:s14], [sflag:$0x1] =	stream.indirect.gather [hbm4b:s2+s9], $0x80, s31, s9, $0xb8;
	[tilespmem:$0x19800] =	vst v63  }
0x118: {  	s1 =	simm.s32 $0x68D0  }
0x119: {  	[tilespmem:s15], [sflag:$0x2] =	stream.indirect.gather [hbm4b:s2+s9], $0x80, s1, s9, $0xb8;
	[tilespmem:$0x19800] =	vst v63  }
0x11a: {  	s7 =	simm.s32 $0x68F8  }
0x11b: {  	[tilespmem:s16], [sflag:$0x2] =	stream.indirect.gather [hbm4b:s2+s9], $0x80, s7, s9, $0xb8;
	[tilespmem:$0x19800] =	vst v63  }
0x11c: {  	s29 =	simm.s32 $0x6920  }
0x11d: {  	[tilespmem:s17], [sflag:$0x2] =	stream.indirect.gather [hbm4b:s2+s9], $0x80, s29, s9, $0xb8;
	[tilespmem:$0x19800] =	vst v63  }
0x11e: {  	s30 =	simm.s32 $0x6948  }
0x11f: {  	[tilespmem:s18], [sflag:$0x2] =	stream.indirect.gather [hbm4b:s2+s9], $0x80, s30, s9, $0xb8;
	[tilespmem:$0x19800] =	vst v63  }
0x120: {  	s28 =	simm.s32 $0x0;
	s31 =	simm.s32 $0x6970  }
0x121: {  	[tilespmem:s19], [sflag:$0x2] =	stream.indirect.gather [hbm4b:s2+s9], $0x80, s31, s9, $0xb8;
	[tilespmem:$0x19800] =	vst v63  }
.LBB2_4:
0x122: {  	_ =	swait.ge [sflag:s20], $0x1400  }
0x123: {  	[sflag:s20] =	ssyncset.done $0x0  }
0x124: {  	[sflag:s20] =	ssyncadd.s32 $0xFFFFEC00  }
0x125: {  	_ =	swait.ge [sflag:s20], $0x1400  }
0x126: {  	[sflag:s20] =	ssyncset.done $0x0  }
0x127: {  	[sflag:s20] =	ssyncadd.s32 $0xFFFFEC00  }
0x128: {  	_ =	swait.ge [sflag:s20], $0x1400  }
0x129: {  	[sflag:s20] =	ssyncset.done $0x0  }
0x12a: {  	[sflag:s20] =	ssyncadd.s32 $0xFFFFEC00  }
0x12b: {  	s30 =	sshll.u32 s28, $0x1;
	_ =	swait.ge [sflag:s20], $0x1400  }
0x12c: {  	s0 =	sadd.s32 s4, s30;
	[sflag:s20] =	ssyncset.done $0x0  }
0x12d: {  	s0 =	smul.u32 $0x640, s0;
	[sflag:s20] =	ssyncadd.s32 $0xFFFFEC00  }
0x12e: {  	s31 =	simm.s32 $0xD000;
	_ =	swait.ge [sflag:s20], $0x1400  }
0x12f: {  	s1 =	simm.s32 $0xD080;
	s29 =	sadd.s32 s5, s0;
	[sflag:s20] =	ssyncset.done $0x0  }
0x130: {  	s0 =	simm.s32 $0x8;
	s7 =	sadd.s32 $0x0, s29;
	[sflag:s20] =	ssyncadd.s32 $0xFFFFEC00  }
.LBB2_5:
0x131: {  	[hbm4b:s7+s3] =	stream.linear.scatter [tilespmem:s31], [sflag:$0x3], $0x40, $0x38;
	[tilespmem:$0x19800] =	vst v63  }
0x132: {  	s7 =	smov.u32 s0;
	s31 =	smov.u32 s1;
	p0 =	sne.s32 s0, $0x638  }
.Ltmp1:
0x133: {  	s0 =	sadd.s32 $0x8, s0;
	(pc) =	sbr.rel @p0 .LBB2_5-.Ltmp1, $2  }
0x134: {  	_ =	sdelay $0x2  }
0x135: {  	s1 =	sadd.s32 $0x80, s1;
	s7 =	sadd.s32 s7, s29  }
0x136: {  	[hbm4b:s7+s3] =	stream.linear.scatter [tilespmem:s31], [sflag:$0x3], $0x40, $0x38;
	[tilespmem:$0x19800] =	vst v63  }
0x137: {  	s0 =	smul.u32 $0x680, s28  }
0x138: {  	_ =	swait.ge [sflag:s21], $0x3200  }
0x139: {  	[sflag:s21] =	ssyncset.done $0x0;
	s29 =	sshra.s32 s0, $0x2  }
0x13a: {  	[sflag:s21] =	ssyncadd.s32 $0xFFFFCE00;
	s0 =	sadd.s32 $0x69A0, s29  }
0x13b: {  	[tilespmem:s10], [sflag:$0x1] =	stream.indirect.gather [hbm4b:s2+s9], $0x80, s0, s9, $0xb8;
	[tilespmem:$0x19800] =	vst v63  }
0x13c: {  	s7 =	sadd.s32 $0x69C8, s29  }
0x13d: {  	[tilespmem:s11], [sflag:$0x1] =	stream.indirect.gather [hbm4b:s2+s9], $0x80, s7, s9, $0xb8;
	[tilespmem:$0x19800] =	vst v63  }
0x13e: {  	s1 =	sadd.s32 $0x69F0, s29  }
0x13f: {  	[tilespmem:s12], [sflag:$0x1] =	stream.indirect.gather [hbm4b:s2+s9], $0x80, s1, s9, $0xb8;
	[tilespmem:$0x19800] =	vst v63  }
0x140: {  	s7 =	sadd.s32 $0x6A18, s29  }
0x141: {  	[tilespmem:s13], [sflag:$0x1] =	stream.indirect.gather [hbm4b:s2+s9], $0x80, s7, s9, $0xb8;
	[tilespmem:$0x19800] =	vst v63  }
0x142: {  	s1 =	sadd.s32 $0x6A40, s29  }
0x143: {  	[tilespmem:s14], [sflag:$0x1] =	stream.indirect.gather [hbm4b:s2+s9], $0x80, s1, s9, $0xb8;
	[tilespmem:$0x19800] =	vst v63  }
0x144: {  	_ =	swait.ge [sflag:s22], $0x1400  }
0x145: {  	[sflag:s22] =	ssyncset.done $0x0  }
0x146: {  	[sflag:s22] =	ssyncadd.s32 $0xFFFFEC00  }
0x147: {  	_ =	swait.ge [sflag:s22], $0x1400  }
0x148: {  	[sflag:s22] =	ssyncset.done $0x0  }
0x149: {  	[sflag:s22] =	ssyncadd.s32 $0xFFFFEC00  }
0x14a: {  	_ =	swait.ge [sflag:s22], $0x1400  }
0x14b: {  	[sflag:s22] =	ssyncset.done $0x0  }
0x14c: {  	[sflag:s22] =	ssyncadd.s32 $0xFFFFEC00  }
0x14d: {  	s7 =	sadd.s32 s30, s4;
	_ =	swait.ge [sflag:s22], $0x1400  }
0x14e: {  	s0 =	smul.u32 $0x640, s7;
	[sflag:s22] =	ssyncset.done $0x0  }
0x14f: {  	[sflag:s22] =	ssyncadd.s32 $0xFFFFEC00  }
0x150: {  	s31 =	simm.s32 $0x13400;
	s0 =	sadd.s32 s5, s0;
	_ =	swait.ge [sflag:s22], $0x1400  }
0x151: {  	s1 =	simm.s32 $0x13480;
	s30 =	sadd.s32 $0x640, s0;
	[sflag:s22] =	ssyncset.done $0x0  }
0x152: {  	s0 =	simm.s32 $0x8;
	s7 =	sadd.s32 $0x0, s30;
	[sflag:s22] =	ssyncadd.s32 $0xFFFFEC00  }
.LBB2_7:
0x153: {  	[hbm4b:s7+s3] =	stream.linear.scatter [tilespmem:s31], [sflag:$0x4], $0x40, $0x38;
	[tilespmem:$0x19800] =	vst v63  }
0x154: {  	s7 =	smov.u32 s0;
	s31 =	smov.u32 s1;
	p0 =	sne.s32 s0, $0x638  }
.Ltmp2:
0x155: {  	s0 =	sadd.s32 $0x8, s0;
	(pc) =	sbr.rel @p0 .LBB2_7-.Ltmp2, $2  }
0x156: {  	_ =	sdelay $0x2  }
0x157: {  	s1 =	sadd.s32 $0x80, s1;
	s7 =	sadd.s32 s7, s30  }
0x158: {  	[hbm4b:s7+s3] =	stream.linear.scatter [tilespmem:s31], [sflag:$0x4], $0x40, $0x38;
	[tilespmem:$0x19800] =	vst v63  }
0x159: {  	_ =	swait.ge [sflag:s25], $0x3200  }
0x15a: {  	[sflag:s25] =	ssyncset.done $0x0  }
0x15b: {  	s0 =	sadd.s32 $0x6A70, s29;
	[sflag:s25] =	ssyncadd.s32 $0xFFFFCE00  }
0x15c: {  	[tilespmem:s15], [sflag:$0x2] =	stream.indirect.gather [hbm4b:s2+s9], $0x80, s0, s9, $0xb8;
	[tilespmem:$0x19800] =	vst v63  }
0x15d: {  	s1 =	sadd.s32 $0x6A98, s29;
	s28 =	sadd.s32 $0x1, s28  }
0x15e: {  	[tilespmem:s16], [sflag:$0x2] =	stream.indirect.gather [hbm4b:s2+s9], $0x80, s1, s9, $0xb8;
	[tilespmem:$0x19800] =	vst v63  }
0x15f: {  	s7 =	sadd.s32 $0x6AC0, s29;
	p0 =	sne.s32 s28, $0x3F  }
0x160: {  	[tilespmem:s17], [sflag:$0x2] =	stream.indirect.gather [hbm4b:s2+s9], $0x80, s7, s9, $0xb8;
	[tilespmem:$0x19800] =	vst v63  }
.Ltmp3:
0x161: {  	_ = 	snop;
	(pc) =	sbr.rel @p0 .LBB2_4-.Ltmp3, $4  }
0x162: {  	s30 =	sadd.s32 $0x6AE8, s29  }
0x163: {  	[tilespmem:s18], [sflag:$0x2] =	stream.indirect.gather [hbm4b:s2+s9], $0x80, s30, s9, $0xb8;
	[tilespmem:$0x19800] =	vst v63  }
0x164: {  	s31 =	sadd.s32 $0x6B10, s29  }
0x165: {  	[tilespmem:s19], [sflag:$0x2] =	stream.indirect.gather [hbm4b:s2+s9], $0x80, s31, s9, $0xb8;
	[tilespmem:$0x19800] =	vst v63  }
0x166: {  	_ =	swait.ge [sflag:s20], $0x1400  }
0x167: {  	[sflag:s20] =	ssyncset.done $0x0  }
0x168: {  	[sflag:s20] =	ssyncadd.s32 $0xFFFFEC00  }
0x169: {  	_ =	swait.ge [sflag:s20], $0x1400  }
0x16a: {  	[sflag:s20] =	ssyncset.done $0x0  }
0x16b: {  	[sflag:s20] =	ssyncadd.s32 $0xFFFFEC00  }
0x16c: {  	_ =	swait.ge [sflag:s20], $0x1400  }
0x16d: {  	[sflag:s20] =	ssyncset.done $0x0  }
0x16e: {  	[sflag:s20] =	ssyncadd.s32 $0xFFFFEC00  }
0x16f: {  	_ =	swait.ge [sflag:s20], $0x1400  }
0x170: {  	[sflag:s20] =	ssyncset.done $0x0  }
0x171: {  	[sflag:s20] =	ssyncadd.s32 $0xFFFFEC00  }
0x172: {  	_ =	swait.ge [sflag:s20], $0x1400  }
0x173: {  	s28 =	simm.s32 $0xD000;
	s0 =	simm.s32 $0x8;
	[sflag:s20] =	ssyncset.done $0x0  }
0x174: {  	s7 =	sadd.s32 $0x0, s23;
	s1 =	simm.s32 $0xD080;
	[sflag:s20] =	ssyncadd.s32 $0xFFFFEC00  }
.LBB2_10:
0x175: {  	[hbm4b:s7+s3] =	stream.linear.scatter [tilespmem:s28], [sflag:$0x3], $0x40, $0x38;
	[tilespmem:$0x19800] =	vst v63  }
0x176: {  	s7 =	smov.u32 s0;
	s28 =	smov.u32 s1;
	p0 =	sne.s32 s0, $0x638  }
.Ltmp4:
0x177: {  	s0 =	sadd.s32 $0x8, s0;
	(pc) =	sbr.rel @p0 .LBB2_10-.Ltmp4, $2  }
0x178: {  	_ =	sdelay $0x2  }
0x179: {  	s1 =	sadd.s32 $0x80, s1;
	s7 =	sadd.s32 s7, s23  }
0x17a: {  	[hbm4b:s7+s3] =	stream.linear.scatter [tilespmem:s28], [sflag:$0x3], $0x40, $0x38;
	[tilespmem:$0x19800] =	vst v63  }
0x17b: {  	_ =	swait.ge [sflag:s22], $0x1400  }
0x17c: {  	[sflag:s22] =	ssyncset.done $0x0  }
0x17d: {  	[sflag:s22] =	ssyncadd.s32 $0xFFFFEC00  }
0x17e: {  	_ =	swait.ge [sflag:s22], $0x1400  }
0x17f: {  	[sflag:s22] =	ssyncset.done $0x0  }
0x180: {  	[sflag:s22] =	ssyncadd.s32 $0xFFFFEC00  }
0x181: {  	_ =	swait.ge [sflag:s22], $0x1400  }
0x182: {  	[sflag:s22] =	ssyncset.done $0x0  }
0x183: {  	[sflag:s22] =	ssyncadd.s32 $0xFFFFEC00  }
0x184: {  	_ =	swait.ge [sflag:s22], $0x1400  }
0x185: {  	[sflag:s22] =	ssyncset.done $0x0  }
0x186: {  	[sflag:s22] =	ssyncadd.s32 $0xFFFFEC00  }
0x187: {  	_ =	swait.ge [sflag:s22], $0x1400  }
0x188: {  	s28 =	simm.s32 $0x13400;
	s0 =	simm.s32 $0x8;
	[sflag:s22] =	ssyncset.done $0x0  }
0x189: {  	s7 =	sadd.s32 $0x0, s24;
	s1 =	simm.s32 $0x13480;
	[sflag:s22] =	ssyncadd.s32 $0xFFFFEC00  }
.LBB2_12:
0x18a: {  	[hbm4b:s7+s3] =	stream.linear.scatter [tilespmem:s28], [sflag:$0x4], $0x40, $0x38;
	[tilespmem:$0x19800] =	vst v63  }
0x18b: {  	s7 =	smov.u32 s0;
	s28 =	smov.u32 s1;
	p0 =	sne.s32 s0, $0x638  }
.Ltmp5:
0x18c: {  	s0 =	sadd.s32 $0x8, s0;
	(pc) =	sbr.rel @p0 .LBB2_12-.Ltmp5, $2  }
0x18d: {  	_ =	sdelay $0x2  }
0x18e: {  	s1 =	sadd.s32 $0x80, s1;
	s7 =	sadd.s32 s7, s24  }
0x18f: {  	[hbm4b:s7+s3] =	stream.linear.scatter [tilespmem:s28], [sflag:$0x4], $0x40, $0x38;
	[tilespmem:$0x19800] =	vst v63  }
0x190: {  	_ =	swait.ge [sflag:s21], $0x3200  }
0x191: {  	[sflag:s21] =	ssyncset.done $0x0  }
0x192: {  	[sflag:s21] =	ssyncadd.s32 $0xFFFFCE00  }
0x193: {  	_ =	swait.ge [sflag:s25], $0x3200  }
0x194: {  	s26 =	sadd.s32 $0x1, s26;
	s0 =	rddreg [dreg:$0x14]  }
0x195: {  	p0 =	sne.s32 s26, s0  }
.Ltmp6:
0x196: {  	_ = 	snop;
	(pc) =	sbr.rel @p0 .LBB2_1-.Ltmp6, $3  }
0x197: {  	_ =	sdelay $0x1  }
0x198: {  	[sflag:s25] =	ssyncset.done $0x0  }
0x199: {  	[sflag:s25] =	ssyncadd.s32 $0xFFFFCE00  }
0x19a: {  	_ =	sfence.sel $0x180000  }
0x19b: {  	[bflag:$0x0] =	sbarrier.arrive $0xFFFF  }
0x19c: {  	_ =	strace $0x90000047  }
0x19d: {  	s0 =	stileid.u32;
	[bflag:$0x2] =	sbarrier.arrive $0xFFFF  }
0x19e: {  	p0 =	sne.s32 s0, $0x0;
	s0 =	rddreg [dreg:$0x3]  }
0x19f: {  	s0 =	sadd.s32 @!p0 $0x100000, s0  }
0x1a0: {  	[sflag:s0] =	ssyncadd.tile.s32 @!p0 $0x1;
	_ =	shalt  }
.Lfunc_end2:
_tile_overlayer_lowered:
.L_overlay_start_2:
0x1a1: {  	(tag) =	ssettag $0x2  }
0x1a2: {  	s0 =	rddreg [dreg:$0x0];
	s2 =	stileid.u32  }
0x1a3: {  	s1 =	rddreg [dreg:$0x1];
	p0 =	sne.s32 s2, $0x0  }
0x1a4: {  	s3 =	rddreg [dreg:$0x2];
	[bflag:$0x3] =	sbarrier.arrive $0xFFFF;
	s2 =	simm.s32 @!p0 $0x1C05  }
0x1a5: {  	[timem:s3], [sflag:s2] =	dma.local @!p0 [hbm:s0], s1  }
0x1a6: {  	s0 =	simm.s32 @!p0 $0x5  }
0x1a7: {  	_ =	swait.ge @!p0 [sflag:s0], s1  }
0x1a8: {  	s1 =	ssub.s32 @!p0 $0x0, s1;
	[sflag:s0] =	ssyncset.done @!p0 $0x0  }
0x1a9: {  	[sflag:s0] =	ssyncadd.s32 @!p0 s1  }
0x1aa: {  	[bflag:$0x3] =	sbarrier.arrive $0xFFFF  }
0x1ab: {  	_ =	shalt  }

</sc_bundles>
